<compile_context>
chip_gen: v7x
topology: tpu7x:2x2x1
jax: 0.10.2.dev20260603
libtpu: 0.0.44.dev20260713+nightly
codegen_flags: <defaults>
</compile_context>

<pallas_src>
import functools

import jax
import jax.numpy as jnp
from jax import lax
from jax.experimental import pallas as pl
from jax.experimental.pallas import tpu as pltpu
from jax.experimental.pallas import tpu_sc as plsc

N = 10000
E = 320000
D_IN = 128
H = 128
D_OUT = 64
LAYERS = 3

NC = 2
NS = 16
NW = NC * NS
EPW = E // NW
CH = 80
NCHUNK = EPW // CH
NPAD = 10240
RPT = NPAD // NS
ZR = 80

_f32 = jnp.float32



def _sc_agg_body(h_hbm, src_hbm, dst_hbm, agg_hbm,
                 acc_sh, sidx_v, didx_all, rows0, rows1,
                 gsem0, gsem1, ssem0, ssem1):
    c = lax.axis_index("c")
    s = lax.axis_index("s")
    wid = s * NC + c
    my_row0 = pl.multiple_of(s * RPT, 8)

    zeros16 = jnp.zeros((16,), _f32)

    def _zrow(i, carry):
        for j in range(H // 16):
            rows0[i, pl.ds(j * 16, 16)] = zeros16
        return carry
    lax.fori_loop(0, ZR, _zrow, 0)
    for k in range(RPT // ZR):
        off = pl.multiple_of(s * RPT + k * ZR, 8)
        pltpu.sync_copy(rows0, acc_sh.at[pl.ds(off, ZR)])

    pltpu.sync_copy(src_hbm.at[pl.ds(wid * EPW, EPW)], sidx_v)
    pltpu.sync_copy(dst_hbm.at[wid], didx_all)

    plsc.subcore_barrier()

    def _sidx(ch):
        return sidx_v.at[pl.ds(pl.multiple_of(ch * CH, 8), CH)]

    def _g_start(ch, rows, sem):
        pltpu.async_copy(h_hbm.at[_sidx(ch)], rows, sem)

    def _g_wait(rows, sem):
        pltpu.make_async_copy(h_hbm.at[_sidx(0)], rows, sem).wait()

    def _s_start(ch, rows, sem):
        pltpu.async_copy(rows, acc_sh.at[didx_all.at[ch]], sem, add=True)

    def _s_wait(rows, sem):
        pltpu.make_async_copy(rows, acc_sh.at[didx_all.at[0]], sem).wait()

    _g_start(0, rows0, gsem0)
    _g_wait(rows0, gsem0)
    _s_start(0, rows0, ssem0)
    _g_start(1, rows1, gsem1)

    def _round(gr, carry):
        r1 = 2 * gr + 1
        _g_wait(rows1, gsem1)
        _s_start(r1, rows1, ssem1)
        _s_wait(rows0, ssem0)
        _g_start(r1 + 1, rows0, gsem0)
        _g_wait(rows0, gsem0)
        _s_start(r1 + 1, rows0, ssem0)
        _s_wait(rows1, ssem1)
        _g_start(r1 + 2, rows1, gsem1)
        return carry
    lax.fori_loop(0, (NCHUNK - 3) // 2, _round, 0)

    last = NCHUNK - 1
    _g_wait(rows1, gsem1)
    _s_start(last - 1, rows1, ssem1)
    _s_wait(rows0, ssem0)
    _g_start(last, rows0, gsem0)
    _g_wait(rows0, gsem0)
    _s_start(last, rows0, ssem0)
    _s_wait(rows1, ssem1)
    _s_wait(rows0, ssem0)

    plsc.subcore_barrier()

    row0 = pl.multiple_of(c * NPAD + s * RPT, 8)
    pltpu.sync_copy(acc_sh.at[pl.ds(my_row0, RPT)],
                    agg_hbm.at[pl.ds(row0, RPT)])


def _sc_deg_body(dst_hbm, deg_hbm, dacc_sh, didx_all, ones_v, sem):
    c = lax.axis_index("c")
    s = lax.axis_index("s")
    wid = s * NC + c
    my_row0 = pl.multiple_of(s * RPT, 8)

    zeros16 = jnp.zeros((16,), _f32)
    e0 = jnp.where(lax.iota(jnp.int32, 16) == 0, 1.0, 0.0).astype(_f32)

    def _drow(i, carry):
        for j in range(H // 16):
            ones_v[i, pl.ds(j * 16, 16)] = zeros16
        return carry
    lax.fori_loop(0, CH, _drow, 0)
    for k in range(RPT // CH):
        off = pl.multiple_of(s * RPT + k * CH, 8)
        pltpu.sync_copy(ones_v, dacc_sh.at[pl.ds(off, CH)])

    def _orow(i, carry):
        ones_v[i, pl.ds(0, 16)] = e0
        return carry
    lax.fori_loop(0, CH, _orow, 0)

    pltpu.sync_copy(dst_hbm.at[wid], didx_all)

    plsc.subcore_barrier()

    def _dchunk(r, carry):
        for b in range(5):
            pltpu.async_copy(ones_v, dacc_sh.at[didx_all.at[5 * r + b]],
                             sem, add=True)
        for b in range(5):
            pltpu.make_async_copy(ones_v, dacc_sh.at[didx_all.at[0]],
                                  sem).wait()
        return carry
    lax.fori_loop(0, NCHUNK // 5, _dchunk, 0)

    plsc.subcore_barrier()

    row0 = pl.multiple_of(c * NPAD + s * RPT, 8)
    pltpu.sync_copy(dacc_sh.at[pl.ds(my_row0, RPT)],
                    deg_hbm.at[pl.ds(row0, RPT)])


@functools.cache
def _sc_kernels():
    mesh = plsc.VectorSubcoreMesh(
        core_axis_name="c", subcore_axis_name="s",
        num_cores=NC, num_subcores=NS)
    sc_deg = functools.partial(
        pl.kernel,
        out_type=jax.ShapeDtypeStruct((2 * NPAD, H), _f32),
        mesh=mesh,
        scratch_types=[
            pltpu.VMEM_SHARED((NPAD, H), _f32),
            pltpu.VMEM((NCHUNK, CH), jnp.int32),
            pltpu.VMEM((CH, H), _f32),
            pltpu.SemaphoreType.DMA,
        ],
    )(_sc_deg_body)
    sc_agg = functools.partial(
        pl.kernel,
        out_type=jax.ShapeDtypeStruct((2 * NPAD, H), _f32),
        mesh=mesh,
        scratch_types=[
            pltpu.VMEM_SHARED((NPAD, H), _f32),
            pltpu.VMEM((EPW,), jnp.int32),
            pltpu.VMEM((NCHUNK, CH), jnp.int32),
            pltpu.VMEM((CH, H), _f32),
            pltpu.VMEM((CH, H), _f32),
            pltpu.SemaphoreType.DMA,
            pltpu.SemaphoreType.DMA,
            pltpu.SemaphoreType.DMA,
            pltpu.SemaphoreType.DMA,
        ],
    )(_sc_agg_body)
    return sc_deg, sc_agg



_R = 2000


def _inproj_body(x_ref, w_ref, b_ref, o_ref):
    o_ref[...] = jnp.dot(x_ref[...], w_ref[...],
                         preferred_element_type=_f32) + b_ref[...]


def _inproj(x, w, b):
    return pl.pallas_call(
        _inproj_body,
        grid=(N // _R,),
        in_specs=[pl.BlockSpec((_R, D_IN), lambda i: (i, 0)),
                  pl.BlockSpec((D_IN, H), lambda i: (0, 0)),
                  pl.BlockSpec((1, H), lambda i: (0, 0))],
        out_specs=pl.BlockSpec((_R, H), lambda i: (i, 0)),
        out_shape=jax.ShapeDtypeStruct((N, H), _f32),
    )(x, w, b.reshape(1, H))


def _den_body(d_ref, o_ref):
    deg = jnp.sum(d_ref[...], axis=(0, 2))
    o_ref[...] = (1.0 / (deg + 1.0))[:, None]


def _den(d):
    return pl.pallas_call(
        _den_body,
        grid=(N // _R,),
        in_specs=[pl.BlockSpec((2, _R, H), lambda i: (0, i, 0))],
        out_specs=pl.BlockSpec((_R, 1), lambda i: (i, 0)),
        out_shape=jax.ShapeDtypeStruct((N, 1), _f32),
    )(d)


def _update_body(last, p_ref, d_ref, h_ref, w_ref, b_ref, g_ref, be_ref,
                 wo_ref, bo_ref, o_ref):
    agg = p_ref[0] + p_ref[1] + h_ref[...]
    sc = agg * d_ref[...]
    z = jnp.dot(sc, w_ref[...], preferred_element_type=_f32) + b_ref[...]
    z = jnp.maximum(z, 0.0)
    mu = jnp.mean(z, axis=-1, keepdims=True)
    zc = z - mu
    var = jnp.mean(zc * zc, axis=-1, keepdims=True)
    y = zc * lax.rsqrt(var + 1e-5) * g_ref[...] + be_ref[...]
    if last:
        y = jnp.dot(y, wo_ref[...], preferred_element_type=_f32) + bo_ref[...]
    o_ref[...] = y


def _update(p, d, h, w, b, g, be, wo, bo, last):
    dout = D_OUT if last else H
    return pl.pallas_call(
        functools.partial(_update_body, last),
        grid=(N // _R,),
        in_specs=[pl.BlockSpec((2, _R, H), lambda i: (0, i, 0)),
                  pl.BlockSpec((_R, 1), lambda i: (i, 0)),
                  pl.BlockSpec((_R, H), lambda i: (i, 0)),
                  pl.BlockSpec((H, H), lambda i: (0, 0)),
                  pl.BlockSpec((1, H), lambda i: (0, 0)),
                  pl.BlockSpec((1, H), lambda i: (0, 0)),
                  pl.BlockSpec((1, H), lambda i: (0, 0)),
                  pl.BlockSpec((H, D_OUT), lambda i: (0, 0)),
                  pl.BlockSpec((1, D_OUT), lambda i: (0, 0))],
        out_specs=pl.BlockSpec((_R, dout), lambda i: (i, 0)),
        out_shape=jax.ShapeDtypeStruct((N, dout), _f32),
    )(p, d, h, w, b.reshape(1, H), g.reshape(1, H), be.reshape(1, H),
      wo, bo.reshape(1, D_OUT))



def kernel(nodes, edge_index, W_in, b_in, W_neigh, b_neigh, ln_g, ln_b,
           W_out, b_out):
    src = edge_index[0]
    dst = edge_index[1].reshape(NW, NCHUNK, CH)

    _sc_deg, _sc_agg = _sc_kernels()

    h = _inproj(nodes, W_in, b_in)
    deg = _sc_deg(dst)
    d = _den(deg.reshape(2, NPAD, H))

    agg = _sc_agg(h, src, dst)
    p = agg.reshape(2, NPAD, H)
    h = _update(p, d, h, W_neigh[0], b_neigh[0], ln_g[0], ln_b[0],
                W_out, b_out, last=False)

    for l in range(1, LAYERS):
        agg = _sc_agg(h, src, dst)
        p = agg.reshape(2, NPAD, H)
        h = _update(p, d, h, W_neigh[l], b_neigh[l], ln_g[l], ln_b[l],
                    W_out, b_out, last=(l == LAYERS - 1))

    return h

# --- scband reference (transcript-rebuilt; emitter-appended) ---
"""Pipeline reference for scband-node-classification-32220844654961 (READ-ONLY COPY).

The authoritative reference and input builder live on the scoring server;
editing this copy changes nothing except your own understanding.
"""

import jax, jax.numpy as jnp
import numpy as np

N = 10000
E = 320000
D_IN = 128
H = 128
D_OUT = 64
LAYERS = 3

def setup_inputs(seed: int = 0):
    key = jax.random.key(seed)
    ks = jax.random.split(key, 10)
    inp = {}
    inp["nodes"] = jax.random.normal(ks[0], (N, D_IN), dtype=jnp.float32)
    inp["edge_index"] = jax.random.randint(ks[1], (2, E), 0, N, dtype=jnp.int32)
    s_in = 1.0 / np.sqrt(D_IN)
    s_h = 1.0 / np.sqrt(H)
    inp["W_in"] = jax.random.uniform(ks[2], (D_IN, H), jnp.float32, -s_in, s_in)
    inp["b_in"] = jnp.zeros((H,), jnp.float32)
    inp["W_neigh"] = jax.random.uniform(ks[3], (LAYERS, H, H), jnp.float32, -s_h, s_h)
    inp["b_neigh"] = jnp.zeros((LAYERS, H), jnp.float32)
    inp["ln_g"] = jnp.ones((LAYERS, H), jnp.float32)
    inp["ln_b"] = jnp.zeros((LAYERS, H), jnp.float32)
    inp["W_out"] = jax.random.uniform(ks[4], (H, D_OUT), jnp.float32, -s_h, s_h)
    inp["b_out"] = jnp.zeros((D_OUT,), jnp.float32)
    return inp

def _layernorm(x, g, b):
    mu = jnp.mean(x, axis=-1, keepdims=True)
    var = jnp.var(x, axis=-1, keepdims=True)
    return (x - mu) / jnp.sqrt(var + 1e-5) * g + b

def _sage_gcn(x, src, dst, W, b, g, be):
    # DGL SAGEConv aggregator_type='gcn': h_neigh = (sum_{j in N(i)} h_j + h_i) / (deg_i + 1)
    msg = jnp.take(x, src, axis=0)
    agg = jax.ops.segment_sum(msg, dst, num_segments=N)
    deg = jax.ops.segment_sum(jnp.ones((E,), x.dtype), dst, num_segments=N)
    h = (agg + x) / (deg[:, None] + 1.0)
    h = h @ W + b
    h = jax.nn.relu(h)
    return _layernorm(h, g, be)

def reference(nodes, edge_index, W_in, b_in, W_neigh, b_neigh, ln_g, ln_b, W_out, b_out):
    src = edge_index[0]
    dst = edge_index[1]
    h = nodes @ W_in + b_in
    for l in range(LAYERS):
        h = _sage_gcn(h, src, dst, W_neigh[l], b_neigh[l], ln_g[l], ln_b[l])
    return h @ W_out + b_out

if __name__ == "__main__":
    import jax
    _d = setup_inputs()
    print(jax.jit(kernel)(*tuple(_d.values())))

</pallas_src>

<mosaic_0001>
#map = affine_map<(d0, d1) -> (0, 0, 0)>
#map1 = affine_map<(d0, d1) -> (0, 0)>
module attributes {stable_mosaic.version = 14 : i64} {
  func.func @_sc_deg_body(%arg0: i32, %arg1: i32, %arg2: memref<32x125x80xi32, #tpu.memory_space<hbm>>, %arg3: memref<20480x128xf32, #tpu.memory_space<hbm>>, %arg4: memref<10240x128xf32, #tpu.memory_space<vmem_shared>>, %arg5: memref<125x80xi32, #tpu.memory_space<vmem>>, %arg6: memref<80x128xf32, #tpu.memory_space<vmem>>, %arg7: memref<!tpu.dma_semaphore, #tpu.memory_space<semaphore_mem>>) attributes {dimension_semantics = [#tpu.dimension_semantics<core_parallel>, #tpu.dimension_semantics<subcore_parallel>], iteration_bounds = array<i64: 2, 16>, scalar_prefetch = 0 : i64, scratch_operands = 4 : i64, tpu.core_type = #tpu.core_type<sc_vector_subcore>, window_params = [{transform_indices = #map}, {transform_indices = #map1}]} {
    %mul3A = arith.constant 2 : i32
    %mul3A_0 = arith.muli %arg1, %mul3A : i32
    %add3A = arith.addi %mul3A_0, %arg0 : i32
    %mul3A_1 = arith.constant 640 : i32
    %mul3A_2 = arith.muli %arg1, %mul3A_1 : i32
    %multiple_of3A = tpu.assume_multiple %mul3A_2, 8 : i32
    %broadcast_in_dim3A = arith.constant 0.000000e+00 : f32
    %broadcast_in_dim3A_3 = vector.broadcast %broadcast_in_dim3A : f32 to vector<16xf32>
    %iota3A = tpu.iota {dimensions = array<i32: 0>} : vector<16xi32>
    %eq3A = arith.constant 0 : i32
    %eq3A_4 = vector.broadcast %eq3A : i32 to vector<16xi32>
    %eq3A_5 = arith.cmpi eq, %iota3A, %eq3A_4 : vector<16xi32>
    %jit3A = arith.constant 1.000000e+00 : f32
    %jit3A_6 = arith.constant 0.000000e+00 : f32
    %broadcast_in_dim3A_7 = vector.broadcast %jit3A : f32 to vector<16xf32>
    %broadcast_in_dim3A_8 = vector.broadcast %jit3A_6 : f32 to vector<16xf32>
    %select_n3A = arith.select %eq3A_5, %broadcast_in_dim3A_7, %broadcast_in_dim3A_8 : vector<16xi1>, vector<16xf32>
    %scan3A = arith.constant 0 : i32
    %scan3A_9 = arith.constant 0 : i32
    %scan3A_10 = arith.constant 80 : i32
    %scan3A_11 = arith.addi %scan3A_9, %scan3A_10 : i32
    %scan3A_12 = arith.constant 1 : i32
    scf.for %scan3A_73 = %scan3A_9 to %scan3A_11 step %scan3A_12  : i32 {
      %swap3A = arith.index_cast %scan3A_73 : i32 to index
      %swap3A_74 = arith.constant 0 : index
      %swap3A_75 = tpu.vector_load %arg6[%swap3A, %swap3A_74] {strides = array<i32>} : memref<80x128xf32, #tpu.memory_space<vmem>>, vector<1x16xf32>,
      %swap3A_76 = vector.shape_cast %swap3A_75 : vector<1x16xf32> to vector<16xf32>
      %swap3A_77 = vector.shape_cast %broadcast_in_dim3A_3 : vector<16xf32> to vector<1x16xf32>
      tpu.vector_store %arg6[%swap3A, %swap3A_74], %swap3A_77 {strides = array<i32>} : memref<80x128xf32, #tpu.memory_space<vmem>>, vector<1x16xf32>,
      %swap3A_78 = arith.index_cast %scan3A_73 : i32 to index
      %swap3A_79 = arith.constant 16 : index
      %swap3A_80 = tpu.vector_load %arg6[%swap3A_78, %swap3A_79] {strides = array<i32>} : memref<80x128xf32, #tpu.memory_space<vmem>>, vector<1x16xf32>,
      %swap3A_81 = vector.shape_cast %swap3A_80 : vector<1x16xf32> to vector<16xf32>
      %swap3A_82 = vector.shape_cast %broadcast_in_dim3A_3 : vector<16xf32> to vector<1x16xf32>
      tpu.vector_store %arg6[%swap3A_78, %swap3A_79], %swap3A_82 {strides = array<i32>} : memref<80x128xf32, #tpu.memory_space<vmem>>, vector<1x16xf32>,
      %swap3A_83 = arith.index_cast %scan3A_73 : i32 to index
      %swap3A_84 = arith.constant 32 : index
      %swap3A_85 = tpu.vector_load %arg6[%swap3A_83, %swap3A_84] {strides = array<i32>} : memref<80x128xf32, #tpu.memory_space<vmem>>, vector<1x16xf32>,
      %swap3A_86 = vector.shape_cast %swap3A_85 : vector<1x16xf32> to vector<16xf32>
      %swap3A_87 = vector.shape_cast %broadcast_in_dim3A_3 : vector<16xf32> to vector<1x16xf32>
      tpu.vector_store %arg6[%swap3A_83, %swap3A_84], %swap3A_87 {strides = array<i32>} : memref<80x128xf32, #tpu.memory_space<vmem>>, vector<1x16xf32>,
      %swap3A_88 = arith.index_cast %scan3A_73 : i32 to index
      %swap3A_89 = arith.constant 48 : index
      %swap3A_90 = tpu.vector_load %arg6[%swap3A_88, %swap3A_89] {strides = array<i32>} : memref<80x128xf32, #tpu.memory_space<vmem>>, vector<1x16xf32>,
      %swap3A_91 = vector.shape_cast %swap3A_90 : vector<1x16xf32> to vector<16xf32>
      %swap3A_92 = vector.shape_cast %broadcast_in_dim3A_3 : vector<16xf32> to vector<1x16xf32>
      tpu.vector_store %arg6[%swap3A_88, %swap3A_89], %swap3A_92 {strides = array<i32>} : memref<80x128xf32, #tpu.memory_space<vmem>>, vector<1x16xf32>,
      %swap3A_93 = arith.index_cast %scan3A_73 : i32 to index
      %swap3A_94 = arith.constant 64 : index
      %swap3A_95 = tpu.vector_load %arg6[%swap3A_93, %swap3A_94] {strides = array<i32>} : memref<80x128xf32, #tpu.memory_space<vmem>>, vector<1x16xf32>,
      %swap3A_96 = vector.shape_cast %swap3A_95 : vector<1x16xf32> to vector<16xf32>
      %swap3A_97 = vector.shape_cast %broadcast_in_dim3A_3 : vector<16xf32> to vector<1x16xf32>
      tpu.vector_store %arg6[%swap3A_93, %swap3A_94], %swap3A_97 {strides = array<i32>} : memref<80x128xf32, #tpu.memory_space<vmem>>, vector<1x16xf32>,
      %swap3A_98 = arith.index_cast %scan3A_73 : i32 to index
      %swap3A_99 = arith.constant 80 : index
      %swap3A_100 = tpu.vector_load %arg6[%swap3A_98, %swap3A_99] {strides = array<i32>} : memref<80x128xf32, #tpu.memory_space<vmem>>, vector<1x16xf32>,
      %swap3A_101 = vector.shape_cast %swap3A_100 : vector<1x16xf32> to vector<16xf32>
      %swap3A_102 = vector.shape_cast %broadcast_in_dim3A_3 : vector<16xf32> to vector<1x16xf32>
      tpu.vector_store %arg6[%swap3A_98, %swap3A_99], %swap3A_102 {strides = array<i32>} : memref<80x128xf32, #tpu.memory_space<vmem>>, vector<1x16xf32>,
      %swap3A_103 = arith.index_cast %scan3A_73 : i32 to index
      %swap3A_104 = arith.constant 96 : index
      %swap3A_105 = tpu.vector_load %arg6[%swap3A_103, %swap3A_104] {strides = array<i32>} : memref<80x128xf32, #tpu.memory_space<vmem>>, vector<1x16xf32>,
      %swap3A_106 = vector.shape_cast %swap3A_105 : vector<1x16xf32> to vector<16xf32>
      %swap3A_107 = vector.shape_cast %broadcast_in_dim3A_3 : vector<16xf32> to vector<1x16xf32>
      tpu.vector_store %arg6[%swap3A_103, %swap3A_104], %swap3A_107 {strides = array<i32>} : memref<80x128xf32, #tpu.memory_space<vmem>>, vector<1x16xf32>,
      %swap3A_108 = arith.index_cast %scan3A_73 : i32 to index
      %swap3A_109 = arith.constant 112 : index
      %swap3A_110 = tpu.vector_load %arg6[%swap3A_108, %swap3A_109] {strides = array<i32>} : memref<80x128xf32, #tpu.memory_space<vmem>>, vector<1x16xf32>,
      %swap3A_111 = vector.shape_cast %swap3A_110 : vector<1x16xf32> to vector<16xf32>
      %swap3A_112 = vector.shape_cast %broadcast_in_dim3A_3 : vector<16xf32> to vector<1x16xf32>
      tpu.vector_store %arg6[%swap3A_108, %swap3A_109], %swap3A_112 {strides = array<i32>} : memref<80x128xf32, #tpu.memory_space<vmem>>, vector<1x16xf32>,
    }
    %scan3A_13 = arith.constant 80 : i32
    %mul3A_14 = arith.constant 640 : i32
    %mul3A_15 = arith.muli %arg1, %mul3A_14 : i32
    %add3A_16 = arith.constant 0 : i32
    %add3A_17 = arith.addi %mul3A_15, %add3A_16 : i32
    %multiple_of3A_18 = tpu.assume_multiple %add3A_17, 8 : i32
    "tpu.region"() ({
      %run_scoped3A = tpu.sem_alloc : memref<!tpu.dma_semaphore, #tpu.memory_space<semaphore_mem>>
      %dma_start3A = arith.constant 0 : i32
      %dma_start3A_73 = tpu.memref_slice %arg4[%multiple_of3A_18, %dma_start3A] : memref<10240x128xf32, #tpu.memory_space<vmem_shared>> -> memref<80x128xf32, #tpu.memory_space<vmem_shared>>
      %dma_start3A_74 = arith.constant 0 : i32
      %dma_start3A_75 = tpu.memref_slice %arg4[%multiple_of3A_18, %dma_start3A_74] : memref<10240x128xf32, #tpu.memory_space<vmem_shared>> -> memref<80x128xf32, #tpu.memory_space<vmem_shared>>
      tpu.enqueue_dma source(%arg6 : memref<80x128xf32, #tpu.memory_space<vmem>>) target(%dma_start3A_75 : memref<80x128xf32, #tpu.memory_space<vmem_shared>>) target_semaphore(%run_scoped3A : memref<!tpu.dma_semaphore, #tpu.memory_space<semaphore_mem>>)
      %dma_wait3A = arith.constant 0 : i32
      %dma_wait3A_76 = tpu.memref_slice %arg4[%multiple_of3A_18, %dma_wait3A] : memref<10240x128xf32, #tpu.memory_space<vmem_shared>> -> memref<80x128xf32, #tpu.memory_space<vmem_shared>>
      %dma_wait3A_77 = arith.constant 0 : i32
      %dma_wait3A_78 = tpu.memref_slice %arg4[%multiple_of3A_18, %dma_wait3A_77] : memref<10240x128xf32, #tpu.memory_space<vmem_shared>> -> memref<80x128xf32, #tpu.memory_space<vmem_shared>>
      tpu.wait_dma2 semaphore(%run_scoped3A : memref<!tpu.dma_semaphore, #tpu.memory_space<semaphore_mem>>) src(%arg6 : memref<80x128xf32, #tpu.memory_space<vmem>>) dst(%dma_wait3A_78 : memref<80x128xf32, #tpu.memory_space<vmem_shared>>)
      tpu.yield
    }) : () -> ()
    %mul3A_19 = arith.constant 640 : i32
    %mul3A_20 = arith.muli %arg1, %mul3A_19 : i32
    %add3A_21 = arith.constant 80 : i32
    %add3A_22 = arith.addi %mul3A_20, %add3A_21 : i32
    %multiple_of3A_23 = tpu.assume_multiple %add3A_22, 8 : i32
    "tpu.region"() ({
      %run_scoped3A = tpu.sem_alloc : memref<!tpu.dma_semaphore, #tpu.memory_space<semaphore_mem>>
      %dma_start3A = arith.constant 0 : i32
      %dma_start3A_73 = tpu.memref_slice %arg4[%multiple_of3A_23, %dma_start3A] : memref<10240x128xf32, #tpu.memory_space<vmem_shared>> -> memref<80x128xf32, #tpu.memory_space<vmem_shared>>
      %dma_start3A_74 = arith.constant 0 : i32
      %dma_start3A_75 = tpu.memref_slice %arg4[%multiple_of3A_23, %dma_start3A_74] : memref<10240x128xf32, #tpu.memory_space<vmem_shared>> -> memref<80x128xf32, #tpu.memory_space<vmem_shared>>
      tpu.enqueue_dma source(%arg6 : memref<80x128xf32, #tpu.memory_space<vmem>>) target(%dma_start3A_75 : memref<80x128xf32, #tpu.memory_space<vmem_shared>>) target_semaphore(%run_scoped3A : memref<!tpu.dma_semaphore, #tpu.memory_space<semaphore_mem>>)
      %dma_wait3A = arith.constant 0 : i32
      %dma_wait3A_76 = tpu.memref_slice %arg4[%multiple_of3A_23, %dma_wait3A] : memref<10240x128xf32, #tpu.memory_space<vmem_shared>> -> memref<80x128xf32, #tpu.memory_space<vmem_shared>>
      %dma_wait3A_77 = arith.constant 0 : i32
      %dma_wait3A_78 = tpu.memref_slice %arg4[%multiple_of3A_23, %dma_wait3A_77] : memref<10240x128xf32, #tpu.memory_space<vmem_shared>> -> memref<80x128xf32, #tpu.memory_space<vmem_shared>>
      tpu.wait_dma2 semaphore(%run_scoped3A : memref<!tpu.dma_semaphore, #tpu.memory_space<semaphore_mem>>) src(%arg6 : memref<80x128xf32, #tpu.memory_space<vmem>>) dst(%dma_wait3A_78 : memref<80x128xf32, #tpu.memory_space<vmem_shared>>)
      tpu.yield
    }) : () -> ()
    %mul3A_24 = arith.constant 640 : i32
    %mul3A_25 = arith.muli %arg1, %mul3A_24 : i32
    %add3A_26 = arith.constant 160 : i32
    %add3A_27 = arith.addi %mul3A_25, %add3A_26 : i32
    %multiple_of3A_28 = tpu.assume_multiple %add3A_27, 8 : i32
    "tpu.region"() ({
      %run_scoped3A = tpu.sem_alloc : memref<!tpu.dma_semaphore, #tpu.memory_space<semaphore_mem>>
      %dma_start3A = arith.constant 0 : i32
      %dma_start3A_73 = tpu.memref_slice %arg4[%multiple_of3A_28, %dma_start3A] : memref<10240x128xf32, #tpu.memory_space<vmem_shared>> -> memref<80x128xf32, #tpu.memory_space<vmem_shared>>
      %dma_start3A_74 = arith.constant 0 : i32
      %dma_start3A_75 = tpu.memref_slice %arg4[%multiple_of3A_28, %dma_start3A_74] : memref<10240x128xf32, #tpu.memory_space<vmem_shared>> -> memref<80x128xf32, #tpu.memory_space<vmem_shared>>
      tpu.enqueue_dma source(%arg6 : memref<80x128xf32, #tpu.memory_space<vmem>>) target(%dma_start3A_75 : memref<80x128xf32, #tpu.memory_space<vmem_shared>>) target_semaphore(%run_scoped3A : memref<!tpu.dma_semaphore, #tpu.memory_space<semaphore_mem>>)
      %dma_wait3A = arith.constant 0 : i32
      %dma_wait3A_76 = tpu.memref_slice %arg4[%multiple_of3A_28, %dma_wait3A] : memref<10240x128xf32, #tpu.memory_space<vmem_shared>> -> memref<80x128xf32, #tpu.memory_space<vmem_shared>>
      %dma_wait3A_77 = arith.constant 0 : i32
      %dma_wait3A_78 = tpu.memref_slice %arg4[%multiple_of3A_28, %dma_wait3A_77] : memref<10240x128xf32, #tpu.memory_space<vmem_shared>> -> memref<80x128xf32, #tpu.memory_space<vmem_shared>>
      tpu.wait_dma2 semaphore(%run_scoped3A : memref<!tpu.dma_semaphore, #tpu.memory_space<semaphore_mem>>) src(%arg6 : memref<80x128xf32, #tpu.memory_space<vmem>>) dst(%dma_wait3A_78 : memref<80x128xf32, #tpu.memory_space<vmem_shared>>)
      tpu.yield
    }) : () -> ()
    %mul3A_29 = arith.constant 640 : i32
    %mul3A_30 = arith.muli %arg1, %mul3A_29 : i32
    %add3A_31 = arith.constant 240 : i32
    %add3A_32 = arith.addi %mul3A_30, %add3A_31 : i32
    %multiple_of3A_33 = tpu.assume_multiple %add3A_32, 8 : i32
    "tpu.region"() ({
      %run_scoped3A = tpu.sem_alloc : memref<!tpu.dma_semaphore, #tpu.memory_space<semaphore_mem>>
      %dma_start3A = arith.constant 0 : i32
      %dma_start3A_73 = tpu.memref_slice %arg4[%multiple_of3A_33, %dma_start3A] : memref<10240x128xf32, #tpu.memory_space<vmem_shared>> -> memref<80x128xf32, #tpu.memory_space<vmem_shared>>
      %dma_start3A_74 = arith.constant 0 : i32
      %dma_start3A_75 = tpu.memref_slice %arg4[%multiple_of3A_33, %dma_start3A_74] : memref<10240x128xf32, #tpu.memory_space<vmem_shared>> -> memref<80x128xf32, #tpu.memory_space<vmem_shared>>
      tpu.enqueue_dma source(%arg6 : memref<80x128xf32, #tpu.memory_space<vmem>>) target(%dma_start3A_75 : memref<80x128xf32, #tpu.memory_space<vmem_shared>>) target_semaphore(%run_scoped3A : memref<!tpu.dma_semaphore, #tpu.memory_space<semaphore_mem>>)
      %dma_wait3A = arith.constant 0 : i32
      %dma_wait3A_76 = tpu.memref_slice %arg4[%multiple_of3A_33, %dma_wait3A] : memref<10240x128xf32, #tpu.memory_space<vmem_shared>> -> memref<80x128xf32, #tpu.memory_space<vmem_shared>>
      %dma_wait3A_77 = arith.constant 0 : i32
      %dma_wait3A_78 = tpu.memref_slice %arg4[%multiple_of3A_33, %dma_wait3A_77] : memref<10240x128xf32, #tpu.memory_space<vmem_shared>> -> memref<80x128xf32, #tpu.memory_space<vmem_shared>>
      tpu.wait_dma2 semaphore(%run_scoped3A : memref<!tpu.dma_semaphore, #tpu.memory_space<semaphore_mem>>) src(%arg6 : memref<80x128xf32, #tpu.memory_space<vmem>>) dst(%dma_wait3A_78 : memref<80x128xf32, #tpu.memory_space<vmem_shared>>)
      tpu.yield
    }) : () -> ()
    %mul3A_34 = arith.constant 640 : i32
    %mul3A_35 = arith.muli %arg1, %mul3A_34 : i32
    %add3A_36 = arith.constant 320 : i32
    %add3A_37 = arith.addi %mul3A_35, %add3A_36 : i32
    %multiple_of3A_38 = tpu.assume_multiple %add3A_37, 8 : i32
    "tpu.region"() ({
      %run_scoped3A = tpu.sem_alloc : memref<!tpu.dma_semaphore, #tpu.memory_space<semaphore_mem>>
      %dma_start3A = arith.constant 0 : i32
      %dma_start3A_73 = tpu.memref_slice %arg4[%multiple_of3A_38, %dma_start3A] : memref<10240x128xf32, #tpu.memory_space<vmem_shared>> -> memref<80x128xf32, #tpu.memory_space<vmem_shared>>
      %dma_start3A_74 = arith.constant 0 : i32
      %dma_start3A_75 = tpu.memref_slice %arg4[%multiple_of3A_38, %dma_start3A_74] : memref<10240x128xf32, #tpu.memory_space<vmem_shared>> -> memref<80x128xf32, #tpu.memory_space<vmem_shared>>
      tpu.enqueue_dma source(%arg6 : memref<80x128xf32, #tpu.memory_space<vmem>>) target(%dma_start3A_75 : memref<80x128xf32, #tpu.memory_space<vmem_shared>>) target_semaphore(%run_scoped3A : memref<!tpu.dma_semaphore, #tpu.memory_space<semaphore_mem>>)
      %dma_wait3A = arith.constant 0 : i32
      %dma_wait3A_76 = tpu.memref_slice %arg4[%multiple_of3A_38, %dma_wait3A] : memref<10240x128xf32, #tpu.memory_space<vmem_shared>> -> memref<80x128xf32, #tpu.memory_space<vmem_shared>>
      %dma_wait3A_77 = arith.constant 0 : i32
      %dma_wait3A_78 = tpu.memref_slice %arg4[%multiple_of3A_38, %dma_wait3A_77] : memref<10240x128xf32, #tpu.memory_space<vmem_shared>> -> memref<80x128xf32, #tpu.memory_space<vmem_shared>>
      tpu.wait_dma2 semaphore(%run_scoped3A : memref<!tpu.dma_semaphore, #tpu.memory_space<semaphore_mem>>) src(%arg6 : memref<80x128xf32, #tpu.memory_space<vmem>>) dst(%dma_wait3A_78 : memref<80x128xf32, #tpu.memory_space<vmem_shared>>)
      tpu.yield
    }) : () -> ()
    %mul3A_39 = arith.constant 640 : i32
    %mul3A_40 = arith.muli %arg1, %mul3A_39 : i32
    %add3A_41 = arith.constant 400 : i32
    %add3A_42 = arith.addi %mul3A_40, %add3A_41 : i32
    %multiple_of3A_43 = tpu.assume_multiple %add3A_42, 8 : i32
    "tpu.region"() ({
      %run_scoped3A = tpu.sem_alloc : memref<!tpu.dma_semaphore, #tpu.memory_space<semaphore_mem>>
      %dma_start3A = arith.constant 0 : i32
      %dma_start3A_73 = tpu.memref_slice %arg4[%multiple_of3A_43, %dma_start3A] : memref<10240x128xf32, #tpu.memory_space<vmem_shared>> -> memref<80x128xf32, #tpu.memory_space<vmem_shared>>
      %dma_start3A_74 = arith.constant 0 : i32
      %dma_start3A_75 = tpu.memref_slice %arg4[%multiple_of3A_43, %dma_start3A_74] : memref<10240x128xf32, #tpu.memory_space<vmem_shared>> -> memref<80x128xf32, #tpu.memory_space<vmem_shared>>
      tpu.enqueue_dma source(%arg6 : memref<80x128xf32, #tpu.memory_space<vmem>>) target(%dma_start3A_75 : memref<80x128xf32, #tpu.memory_space<vmem_shared>>) target_semaphore(%run_scoped3A : memref<!tpu.dma_semaphore, #tpu.memory_space<semaphore_mem>>)
      %dma_wait3A = arith.constant 0 : i32
      %dma_wait3A_76 = tpu.memref_slice %arg4[%multiple_of3A_43, %dma_wait3A] : memref<10240x128xf32, #tpu.memory_space<vmem_shared>> -> memref<80x128xf32, #tpu.memory_space<vmem_shared>>
      %dma_wait3A_77 = arith.constant 0 : i32
      %dma_wait3A_78 = tpu.memref_slice %arg4[%multiple_of3A_43, %dma_wait3A_77] : memref<10240x128xf32, #tpu.memory_space<vmem_shared>> -> memref<80x128xf32, #tpu.memory_space<vmem_shared>>
      tpu.wait_dma2 semaphore(%run_scoped3A : memref<!tpu.dma_semaphore, #tpu.memory_space<semaphore_mem>>) src(%arg6 : memref<80x128xf32, #tpu.memory_space<vmem>>) dst(%dma_wait3A_78 : memref<80x128xf32, #tpu.memory_space<vmem_shared>>)
      tpu.yield
    }) : () -> ()
    %mul3A_44 = arith.constant 640 : i32
    %mul3A_45 = arith.muli %arg1, %mul3A_44 : i32
    %add3A_46 = arith.constant 480 : i32
    %add3A_47 = arith.addi %mul3A_45, %add3A_46 : i32
    %multiple_of3A_48 = tpu.assume_multiple %add3A_47, 8 : i32
    "tpu.region"() ({
      %run_scoped3A = tpu.sem_alloc : memref<!tpu.dma_semaphore, #tpu.memory_space<semaphore_mem>>
      %dma_start3A = arith.constant 0 : i32
      %dma_start3A_73 = tpu.memref_slice %arg4[%multiple_of3A_48, %dma_start3A] : memref<10240x128xf32, #tpu.memory_space<vmem_shared>> -> memref<80x128xf32, #tpu.memory_space<vmem_shared>>
      %dma_start3A_74 = arith.constant 0 : i32
      %dma_start3A_75 = tpu.memref_slice %arg4[%multiple_of3A_48, %dma_start3A_74] : memref<10240x128xf32, #tpu.memory_space<vmem_shared>> -> memref<80x128xf32, #tpu.memory_space<vmem_shared>>
      tpu.enqueue_dma source(%arg6 : memref<80x128xf32, #tpu.memory_space<vmem>>) target(%dma_start3A_75 : memref<80x128xf32, #tpu.memory_space<vmem_shared>>) target_semaphore(%run_scoped3A : memref<!tpu.dma_semaphore, #tpu.memory_space<semaphore_mem>>)
      %dma_wait3A = arith.constant 0 : i32
      %dma_wait3A_76 = tpu.memref_slice %arg4[%multiple_of3A_48, %dma_wait3A] : memref<10240x128xf32, #tpu.memory_space<vmem_shared>> -> memref<80x128xf32, #tpu.memory_space<vmem_shared>>
      %dma_wait3A_77 = arith.constant 0 : i32
      %dma_wait3A_78 = tpu.memref_slice %arg4[%multiple_of3A_48, %dma_wait3A_77] : memref<10240x128xf32, #tpu.memory_space<vmem_shared>> -> memref<80x128xf32, #tpu.memory_space<vmem_shared>>
      tpu.wait_dma2 semaphore(%run_scoped3A : memref<!tpu.dma_semaphore, #tpu.memory_space<semaphore_mem>>) src(%arg6 : memref<80x128xf32, #tpu.memory_space<vmem>>) dst(%dma_wait3A_78 : memref<80x128xf32, #tpu.memory_space<vmem_shared>>)
      tpu.yield
    }) : () -> ()
    %mul3A_49 = arith.constant 640 : i32
    %mul3A_50 = arith.muli %arg1, %mul3A_49 : i32
    %add3A_51 = arith.constant 560 : i32
    %add3A_52 = arith.addi %mul3A_50, %add3A_51 : i32
    %multiple_of3A_53 = tpu.assume_multiple %add3A_52, 8 : i32
    "tpu.region"() ({
      %run_scoped3A = tpu.sem_alloc : memref<!tpu.dma_semaphore, #tpu.memory_space<semaphore_mem>>
      %dma_start3A = arith.constant 0 : i32
      %dma_start3A_73 = tpu.memref_slice %arg4[%multiple_of3A_53, %dma_start3A] : memref<10240x128xf32, #tpu.memory_space<vmem_shared>> -> memref<80x128xf32, #tpu.memory_space<vmem_shared>>
      %dma_start3A_74 = arith.constant 0 : i32
      %dma_start3A_75 = tpu.memref_slice %arg4[%multiple_of3A_53, %dma_start3A_74] : memref<10240x128xf32, #tpu.memory_space<vmem_shared>> -> memref<80x128xf32, #tpu.memory_space<vmem_shared>>
      tpu.enqueue_dma source(%arg6 : memref<80x128xf32, #tpu.memory_space<vmem>>) target(%dma_start3A_75 : memref<80x128xf32, #tpu.memory_space<vmem_shared>>) target_semaphore(%run_scoped3A : memref<!tpu.dma_semaphore, #tpu.memory_space<semaphore_mem>>)
      %dma_wait3A = arith.constant 0 : i32
      %dma_wait3A_76 = tpu.memref_slice %arg4[%multiple_of3A_53, %dma_wait3A] : memref<10240x128xf32, #tpu.memory_space<vmem_shared>> -> memref<80x128xf32, #tpu.memory_space<vmem_shared>>
      %dma_wait3A_77 = arith.constant 0 : i32
      %dma_wait3A_78 = tpu.memref_slice %arg4[%multiple_of3A_53, %dma_wait3A_77] : memref<10240x128xf32, #tpu.memory_space<vmem_shared>> -> memref<80x128xf32, #tpu.memory_space<vmem_shared>>
      tpu.wait_dma2 semaphore(%run_scoped3A : memref<!tpu.dma_semaphore, #tpu.memory_space<semaphore_mem>>) src(%arg6 : memref<80x128xf32, #tpu.memory_space<vmem>>) dst(%dma_wait3A_78 : memref<80x128xf32, #tpu.memory_space<vmem_shared>>)
      tpu.yield
    }) : () -> ()
    %scan3A_54 = arith.constant 0 : i32
    %scan3A_55 = arith.constant 0 : i32
    %scan3A_56 = arith.constant 80 : i32
    %scan3A_57 = arith.addi %scan3A_55, %scan3A_56 : i32
    %scan3A_58 = arith.constant 1 : i32
    scf.for %scan3A_73 = %scan3A_55 to %scan3A_57 step %scan3A_58  : i32 {
      %swap3A = arith.index_cast %scan3A_73 : i32 to index
      %swap3A_74 = arith.constant 0 : index
      %swap3A_75 = tpu.vector_load %arg6[%swap3A, %swap3A_74] {strides = array<i32>} : memref<80x128xf32, #tpu.memory_space<vmem>>, vector<1x16xf32>,
      %swap3A_76 = vector.shape_cast %swap3A_75 : vector<1x16xf32> to vector<16xf32>
      %swap3A_77 = vector.shape_cast %select_n3A : vector<16xf32> to vector<1x16xf32>
      tpu.vector_store %arg6[%swap3A, %swap3A_74], %swap3A_77 {strides = array<i32>} : memref<80x128xf32, #tpu.memory_space<vmem>>, vector<1x16xf32>,
    }
    %scan3A_59 = arith.constant 80 : i32
    "tpu.region"() ({
      %run_scoped3A = tpu.sem_alloc : memref<!tpu.dma_semaphore, #tpu.memory_space<semaphore_mem>>
      %dma_start3A = arith.constant 0 : i32
      %dma_start3A_73 = arith.constant 0 : i32
      %dma_start3A_74 = tpu.memref_slice %arg2[%add3A, %dma_start3A, %dma_start3A_73] : memref<32x125x80xi32, #tpu.memory_space<hbm>> -> memref<1x125x80xi32, #tpu.memory_space<hbm>>
      %dma_start3A_75 = tpu.memref_squeeze %dma_start3A_74 : memref<1x125x80xi32, #tpu.memory_space<hbm>> -> memref<125x80xi32, #tpu.memory_space<hbm>>
      %dma_start3A_76 = arith.constant 0 : i32
      %dma_start3A_77 = arith.constant 0 : i32
      %dma_start3A_78 = tpu.memref_slice %arg2[%add3A, %dma_start3A_76, %dma_start3A_77] : memref<32x125x80xi32, #tpu.memory_space<hbm>> -> memref<1x125x80xi32, #tpu.memory_space<hbm>>
      %dma_start3A_79 = tpu.memref_squeeze %dma_start3A_78 : memref<1x125x80xi32, #tpu.memory_space<hbm>> -> memref<125x80xi32, #tpu.memory_space<hbm>>
      tpu.enqueue_dma source(%dma_start3A_79 : memref<125x80xi32, #tpu.memory_space<hbm>>) target(%arg5 : memref<125x80xi32, #tpu.memory_space<vmem>>) target_semaphore(%run_scoped3A : memref<!tpu.dma_semaphore, #tpu.memory_space<semaphore_mem>>)
      %dma_wait3A = arith.constant 0 : i32
      %dma_wait3A_80 = arith.constant 0 : i32
      %dma_wait3A_81 = tpu.memref_slice %arg2[%add3A, %dma_wait3A, %dma_wait3A_80] : memref<32x125x80xi32, #tpu.memory_space<hbm>> -> memref<1x125x80xi32, #tpu.memory_space<hbm>>
      %dma_wait3A_82 = tpu.memref_squeeze %dma_wait3A_81 : memref<1x125x80xi32, #tpu.memory_space<hbm>> -> memref<125x80xi32, #tpu.memory_space<hbm>>
      %dma_wait3A_83 = arith.constant 0 : i32
      %dma_wait3A_84 = arith.constant 0 : i32
      %dma_wait3A_85 = tpu.memref_slice %arg2[%add3A, %dma_wait3A_83, %dma_wait3A_84] : memref<32x125x80xi32, #tpu.memory_space<hbm>> -> memref<1x125x80xi32, #tpu.memory_space<hbm>>
      %dma_wait3A_86 = tpu.memref_squeeze %dma_wait3A_85 : memref<1x125x80xi32, #tpu.memory_space<hbm>> -> memref<125x80xi32, #tpu.memory_space<hbm>>
      tpu.wait_dma2 semaphore(%run_scoped3A : memref<!tpu.dma_semaphore, #tpu.memory_space<semaphore_mem>>) src(%dma_wait3A_86 : memref<125x80xi32, #tpu.memory_space<hbm>>) dst(%arg5 : memref<125x80xi32, #tpu.memory_space<vmem>>)
      tpu.yield
    }) : () -> ()
    %barrier3A = arith.constant 0 : index
    tpu.barrier barrier_id(%barrier3A)
    %scan3A_60 = arith.constant 0 : i32
    %scan3A_61 = arith.constant 0 : i32
    %scan3A_62 = arith.constant 25 : i32
    %scan3A_63 = arith.addi %scan3A_61, %scan3A_62 : i32
    %scan3A_64 = arith.constant 1 : i32
    scf.for %scan3A_73 = %scan3A_61 to %scan3A_63 step %scan3A_64  : i32 {
      %mul3A_74 = arith.constant 5 : i32
      %mul3A_75 = arith.muli %mul3A_74, %scan3A_73 : i32
      %add3A_76 = arith.constant 0 : i32
      %add3A_77 = arith.addi %mul3A_75, %add3A_76 : i32
      %dma_start3A = arith.constant 0 : i32
      %dma_start3A_78 = tpu.memref_slice %arg5[%add3A_77, %dma_start3A] : memref<125x80xi32, #tpu.memory_space<vmem>> -> memref<1x80xi32, #tpu.memory_space<vmem>>
      %dma_start3A_79 = tpu.memref_squeeze %dma_start3A_78 : memref<1x80xi32, #tpu.memory_space<vmem>> -> memref<80xi32, #tpu.memory_space<vmem>>
      %dma_start3A_80 = arith.constant 0 : i32
      %dma_start3A_81 = arith.constant 0 : i32
      %dma_start3A_82 = tpu.memref_slice %arg4[%dma_start3A_80, %dma_start3A_81] : memref<10240x128xf32, #tpu.memory_space<vmem_shared>> -> memref<10240x128xf32, #tpu.memory_space<vmem_shared>>
      tpu.enqueue_indirect_dma source(%arg6 : memref<80x128xf32, #tpu.memory_space<vmem>>) target(%dma_start3A_82 : memref<10240x128xf32, #tpu.memory_space<vmem_shared>>) offsets(%dma_start3A_79 : memref<80xi32, #tpu.memory_space<vmem>>) semaphore(%arg7 : memref<!tpu.dma_semaphore, #tpu.memory_space<semaphore_mem>>) {add = true}
      %mul3A_83 = arith.constant 5 : i32
      %mul3A_84 = arith.muli %mul3A_83, %scan3A_73 : i32
      %add3A_85 = arith.constant 1 : i32
      %add3A_86 = arith.addi %mul3A_84, %add3A_85 : i32
      %dma_start3A_87 = arith.constant 0 : i32
      %dma_start3A_88 = tpu.memref_slice %arg5[%add3A_86, %dma_start3A_87] : memref<125x80xi32, #tpu.memory_space<vmem>> -> memref<1x80xi32, #tpu.memory_space<vmem>>
      %dma_start3A_89 = tpu.memref_squeeze %dma_start3A_88 : memref<1x80xi32, #tpu.memory_space<vmem>> -> memref<80xi32, #tpu.memory_space<vmem>>
      %dma_start3A_90 = arith.constant 0 : i32
      %dma_start3A_91 = arith.constant 0 : i32
      %dma_start3A_92 = tpu.memref_slice %arg4[%dma_start3A_90, %dma_start3A_91] : memref<10240x128xf32, #tpu.memory_space<vmem_shared>> -> memref<10240x128xf32, #tpu.memory_space<vmem_shared>>
      tpu.enqueue_indirect_dma source(%arg6 : memref<80x128xf32, #tpu.memory_space<vmem>>) target(%dma_start3A_92 : memref<10240x128xf32, #tpu.memory_space<vmem_shared>>) offsets(%dma_start3A_89 : memref<80xi32, #tpu.memory_space<vmem>>) semaphore(%arg7 : memref<!tpu.dma_semaphore, #tpu.memory_space<semaphore_mem>>) {add = true}
      %mul3A_93 = arith.constant 5 : i32
      %mul3A_94 = arith.muli %mul3A_93, %scan3A_73 : i32
      %add3A_95 = arith.constant 2 : i32
      %add3A_96 = arith.addi %mul3A_94, %add3A_95 : i32
      %dma_start3A_97 = arith.constant 0 : i32
      %dma_start3A_98 = tpu.memref_slice %arg5[%add3A_96, %dma_start3A_97] : memref<125x80xi32, #tpu.memory_space<vmem>> -> memref<1x80xi32, #tpu.memory_space<vmem>>
      %dma_start3A_99 = tpu.memref_squeeze %dma_start3A_98 : memref<1x80xi32, #tpu.memory_space<vmem>> -> memref<80xi32, #tpu.memory_space<vmem>>
      %dma_start3A_100 = arith.constant 0 : i32
      %dma_start3A_101 = arith.constant 0 : i32
      %dma_start3A_102 = tpu.memref_slice %arg4[%dma_start3A_100, %dma_start3A_101] : memref<10240x128xf32, #tpu.memory_space<vmem_shared>> -> memref<10240x128xf32, #tpu.memory_space<vmem_shared>>
      tpu.enqueue_indirect_dma source(%arg6 : memref<80x128xf32, #tpu.memory_space<vmem>>) target(%dma_start3A_102 : memref<10240x128xf32, #tpu.memory_space<vmem_shared>>) offsets(%dma_start3A_99 : memref<80xi32, #tpu.memory_space<vmem>>) semaphore(%arg7 : memref<!tpu.dma_semaphore, #tpu.memory_space<semaphore_mem>>) {add = true}
      %mul3A_103 = arith.constant 5 : i32
      %mul3A_104 = arith.muli %mul3A_103, %scan3A_73 : i32
      %add3A_105 = arith.constant 3 : i32
      %add3A_106 = arith.addi %mul3A_104, %add3A_105 : i32
      %dma_start3A_107 = arith.constant 0 : i32
      %dma_start3A_108 = tpu.memref_slice %arg5[%add3A_106, %dma_start3A_107] : memref<125x80xi32, #tpu.memory_space<vmem>> -> memref<1x80xi32, #tpu.memory_space<vmem>>
      %dma_start3A_109 = tpu.memref_squeeze %dma_start3A_108 : memref<1x80xi32, #tpu.memory_space<vmem>> -> memref<80xi32, #tpu.memory_space<vmem>>
      %dma_start3A_110 = arith.constant 0 : i32
      %dma_start3A_111 = arith.constant 0 : i32
      %dma_start3A_112 = tpu.memref_slice %arg4[%dma_start3A_110, %dma_start3A_111] : memref<10240x128xf32, #tpu.memory_space<vmem_shared>> -> memref<10240x128xf32, #tpu.memory_space<vmem_shared>>
      tpu.enqueue_indirect_dma source(%arg6 : memref<80x128xf32, #tpu.memory_space<vmem>>) target(%dma_start3A_112 : memref<10240x128xf32, #tpu.memory_space<vmem_shared>>) offsets(%dma_start3A_109 : memref<80xi32, #tpu.memory_space<vmem>>) semaphore(%arg7 : memref<!tpu.dma_semaphore, #tpu.memory_space<semaphore_mem>>) {add = true}
      %mul3A_113 = arith.constant 5 : i32
      %mul3A_114 = arith.muli %mul3A_113, %scan3A_73 : i32
      %add3A_115 = arith.constant 4 : i32
      %add3A_116 = arith.addi %mul3A_114, %add3A_115 : i32
      %dma_start3A_117 = arith.constant 0 : i32
      %dma_start3A_118 = tpu.memref_slice %arg5[%add3A_116, %dma_start3A_117] : memref<125x80xi32, #tpu.memory_space<vmem>> -> memref<1x80xi32, #tpu.memory_space<vmem>>
      %dma_start3A_119 = tpu.memref_squeeze %dma_start3A_118 : memref<1x80xi32, #tpu.memory_space<vmem>> -> memref<80xi32, #tpu.memory_space<vmem>>
      %dma_start3A_120 = arith.constant 0 : i32
      %dma_start3A_121 = arith.constant 0 : i32
      %dma_start3A_122 = tpu.memref_slice %arg4[%dma_start3A_120, %dma_start3A_121] : memref<10240x128xf32, #tpu.memory_space<vmem_shared>> -> memref<10240x128xf32, #tpu.memory_space<vmem_shared>>
      tpu.enqueue_indirect_dma source(%arg6 : memref<80x128xf32, #tpu.memory_space<vmem>>) target(%dma_start3A_122 : memref<10240x128xf32, #tpu.memory_space<vmem_shared>>) offsets(%dma_start3A_119 : memref<80xi32, #tpu.memory_space<vmem>>) semaphore(%arg7 : memref<!tpu.dma_semaphore, #tpu.memory_space<semaphore_mem>>) {add = true}
      %dma_wait3A = arith.constant 0 : i32
      %dma_wait3A_123 = arith.constant 0 : i32
      %dma_wait3A_124 = tpu.memref_slice %arg5[%dma_wait3A, %dma_wait3A_123] : memref<125x80xi32, #tpu.memory_space<vmem>> -> memref<1x80xi32, #tpu.memory_space<vmem>>
      %dma_wait3A_125 = tpu.memref_squeeze %dma_wait3A_124 : memref<1x80xi32, #tpu.memory_space<vmem>> -> memref<80xi32, #tpu.memory_space<vmem>>
      %dma_wait3A_126 = arith.constant 0 : i32
      %dma_wait3A_127 = arith.constant 0 : i32
      %dma_wait3A_128 = tpu.memref_slice %arg4[%dma_wait3A_126, %dma_wait3A_127] : memref<10240x128xf32, #tpu.memory_space<vmem_shared>> -> memref<10240x128xf32, #tpu.memory_space<vmem_shared>>
      tpu.wait_indirect_dma semaphore(%arg7 : memref<!tpu.dma_semaphore, #tpu.memory_space<semaphore_mem>>) src(%arg6 : memref<80x128xf32, #tpu.memory_space<vmem>>) dst(%dma_wait3A_128 : memref<10240x128xf32, #tpu.memory_space<vmem_shared>>)
      %dma_wait3A_129 = arith.constant 0 : i32
      %dma_wait3A_130 = arith.constant 0 : i32
      %dma_wait3A_131 = tpu.memref_slice %arg5[%dma_wait3A_129, %dma_wait3A_130] : memref<125x80xi32, #tpu.memory_space<vmem>> -> memref<1x80xi32, #tpu.memory_space<vmem>>
      %dma_wait3A_132 = tpu.memref_squeeze %dma_wait3A_131 : memref<1x80xi32, #tpu.memory_space<vmem>> -> memref<80xi32, #tpu.memory_space<vmem>>
      %dma_wait3A_133 = arith.constant 0 : i32
      %dma_wait3A_134 = arith.constant 0 : i32
      %dma_wait3A_135 = tpu.memref_slice %arg4[%dma_wait3A_133, %dma_wait3A_134] : memref<10240x128xf32, #tpu.memory_space<vmem_shared>> -> memref<10240x128xf32, #tpu.memory_space<vmem_shared>>
      tpu.wait_indirect_dma semaphore(%arg7 : memref<!tpu.dma_semaphore, #tpu.memory_space<semaphore_mem>>) src(%arg6 : memref<80x128xf32, #tpu.memory_space<vmem>>) dst(%dma_wait3A_135 : memref<10240x128xf32, #tpu.memory_space<vmem_shared>>)
      %dma_wait3A_136 = arith.constant 0 : i32
      %dma_wait3A_137 = arith.constant 0 : i32
      %dma_wait3A_138 = tpu.memref_slice %arg5[%dma_wait3A_136, %dma_wait3A_137] : memref<125x80xi32, #tpu.memory_space<vmem>> -> memref<1x80xi32, #tpu.memory_space<vmem>>
      %dma_wait3A_139 = tpu.memref_squeeze %dma_wait3A_138 : memref<1x80xi32, #tpu.memory_space<vmem>> -> memref<80xi32, #tpu.memory_space<vmem>>
      %dma_wait3A_140 = arith.constant 0 : i32
      %dma_wait3A_141 = arith.constant 0 : i32
      %dma_wait3A_142 = tpu.memref_slice %arg4[%dma_wait3A_140, %dma_wait3A_141] : memref<10240x128xf32, #tpu.memory_space<vmem_shared>> -> memref<10240x128xf32, #tpu.memory_space<vmem_shared>>
      tpu.wait_indirect_dma semaphore(%arg7 : memref<!tpu.dma_semaphore, #tpu.memory_space<semaphore_mem>>) src(%arg6 : memref<80x128xf32, #tpu.memory_space<vmem>>) dst(%dma_wait3A_142 : memref<10240x128xf32, #tpu.memory_space<vmem_shared>>)
      %dma_wait3A_143 = arith.constant 0 : i32
      %dma_wait3A_144 = arith.constant 0 : i32
      %dma_wait3A_145 = tpu.memref_slice %arg5[%dma_wait3A_143, %dma_wait3A_144] : memref<125x80xi32, #tpu.memory_space<vmem>> -> memref<1x80xi32, #tpu.memory_space<vmem>>
      %dma_wait3A_146 = tpu.memref_squeeze %dma_wait3A_145 : memref<1x80xi32, #tpu.memory_space<vmem>> -> memref<80xi32, #tpu.memory_space<vmem>>
      %dma_wait3A_147 = arith.constant 0 : i32
      %dma_wait3A_148 = arith.constant 0 : i32
      %dma_wait3A_149 = tpu.memref_slice %arg4[%dma_wait3A_147, %dma_wait3A_148] : memref<10240x128xf32, #tpu.memory_space<vmem_shared>> -> memref<10240x128xf32, #tpu.memory_space<vmem_shared>>
      tpu.wait_indirect_dma semaphore(%arg7 : memref<!tpu.dma_semaphore, #tpu.memory_space<semaphore_mem>>) src(%arg6 : memref<80x128xf32, #tpu.memory_space<vmem>>) dst(%dma_wait3A_149 : memref<10240x128xf32, #tpu.memory_space<vmem_shared>>)
      %dma_wait3A_150 = arith.constant 0 : i32
      %dma_wait3A_151 = arith.constant 0 : i32
      %dma_wait3A_152 = tpu.memref_slice %arg5[%dma_wait3A_150, %dma_wait3A_151] : memref<125x80xi32, #tpu.memory_space<vmem>> -> memref<1x80xi32, #tpu.memory_space<vmem>>
      %dma_wait3A_153 = tpu.memref_squeeze %dma_wait3A_152 : memref<1x80xi32, #tpu.memory_space<vmem>> -> memref<80xi32, #tpu.memory_space<vmem>>
      %dma_wait3A_154 = arith.constant 0 : i32
      %dma_wait3A_155 = arith.constant 0 : i32
      %dma_wait3A_156 = tpu.memref_slice %arg4[%dma_wait3A_154, %dma_wait3A_155] : memref<10240x128xf32, #tpu.memory_space<vmem_shared>> -> memref<10240x128xf32, #tpu.memory_space<vmem_shared>>
      tpu.wait_indirect_dma semaphore(%arg7 : memref<!tpu.dma_semaphore, #tpu.memory_space<semaphore_mem>>) src(%arg6 : memref<80x128xf32, #tpu.memory_space<vmem>>) dst(%dma_wait3A_156 : memref<10240x128xf32, #tpu.memory_space<vmem_shared>>)
    }
    %scan3A_65 = arith.constant 25 : i32
    %barrier3A_66 = arith.constant 0 : index
    tpu.barrier barrier_id(%barrier3A_66)
    %mul3A_67 = arith.constant 10240 : i32
    %mul3A_68 = arith.muli %arg0, %mul3A_67 : i32
    %mul3A_69 = arith.constant 640 : i32
    %mul3A_70 = arith.muli %arg1, %mul3A_69 : i32
    %add3A_71 = arith.addi %mul3A_68, %mul3A_70 : i32
    %multiple_of3A_72 = tpu.assume_multiple %add3A_71, 8 : i32
    "tpu.region"() ({
      %run_scoped3A = tpu.sem_alloc : memref<!tpu.dma_semaphore, #tpu.memory_space<semaphore_mem>>
      %dma_start3A = arith.constant 0 : i32
      %dma_start3A_73 = tpu.memref_slice %arg3[%multiple_of3A_72, %dma_start3A] : memref<20480x128xf32, #tpu.memory_space<hbm>> -> memref<640x128xf32, #tpu.memory_space<hbm>>
      %dma_start3A_74 = arith.constant 0 : i32
      %dma_start3A_75 = tpu.memref_slice %arg4[%multiple_of3A, %dma_start3A_74] : memref<10240x128xf32, #tpu.memory_space<vmem_shared>> -> memref<640x128xf32, #tpu.memory_space<vmem_shared>>
      tpu.enqueue_dma source(%dma_start3A_75 : memref<640x128xf32, #tpu.memory_space<vmem_shared>>) target(%dma_start3A_73 : memref<640x128xf32, #tpu.memory_space<hbm>>) target_semaphore(%run_scoped3A : memref<!tpu.dma_semaphore, #tpu.memory_space<semaphore_mem>>)
      %dma_wait3A = arith.constant 0 : i32
      %dma_wait3A_76 = tpu.memref_slice %arg3[%multiple_of3A_72, %dma_wait3A] : memref<20480x128xf32, #tpu.memory_space<hbm>> -> memref<640x128xf32, #tpu.memory_space<hbm>>
      %dma_wait3A_77 = arith.constant 0 : i32
      %dma_wait3A_78 = tpu.memref_slice %arg4[%multiple_of3A, %dma_wait3A_77] : memref<10240x128xf32, #tpu.memory_space<vmem_shared>> -> memref<640x128xf32, #tpu.memory_space<vmem_shared>>
      tpu.wait_dma2 semaphore(%run_scoped3A : memref<!tpu.dma_semaphore, #tpu.memory_space<semaphore_mem>>) src(%dma_wait3A_78 : memref<640x128xf32, #tpu.memory_space<vmem_shared>>) dst(%dma_wait3A_76 : memref<640x128xf32, #tpu.memory_space<hbm>>)
      tpu.yield
    }) : () -> ()
    return
  }
}

#map = affine_map<(d0, d1) -> (0, 0)>
#map1 = affine_map<(d0, d1) -> (0)>
#map2 = affine_map<(d0, d1) -> (0, 0, 0)>
module attributes {stable_mosaic.version = 14 : i64} {
  func.func @_sc_agg_body(%arg0: i32, %arg1: i32, %arg2: memref<10000x128xf32, #tpu.memory_space<hbm>>, %arg3: memref<320000xi32, #tpu.memory_space<hbm>>, %arg4: memref<32x125x80xi32, #tpu.memory_space<hbm>>, %arg5: memref<20480x128xf32, #tpu.memory_space<hbm>>, %arg6: memref<10240x128xf32, #tpu.memory_space<vmem_shared>>, %arg7: memref<10000xi32, #tpu.memory_space<vmem>>, %arg8: memref<125x80xi32, #tpu.memory_space<vmem>>, %arg9: memref<80x128xf32, #tpu.memory_space<vmem>>, %arg10: memref<80x128xf32, #tpu.memory_space<vmem>>, %arg11: memref<!tpu.dma_semaphore, #tpu.memory_space<semaphore_mem>>, %arg12: memref<!tpu.dma_semaphore, #tpu.memory_space<semaphore_mem>>, %arg13: memref<!tpu.dma_semaphore, #tpu.memory_space<semaphore_mem>>, %arg14: memref<!tpu.dma_semaphore, #tpu.memory_space<semaphore_mem>>) attributes {dimension_semantics = [#tpu.dimension_semantics<core_parallel>, #tpu.dimension_semantics<subcore_parallel>], iteration_bounds = array<i64: 2, 16>, scalar_prefetch = 0 : i64, scratch_operands = 9 : i64, tpu.core_type = #tpu.core_type<sc_vector_subcore>, window_params = [{transform_indices = #map}, {transform_indices = #map1}, {transform_indices = #map2}, {transform_indices = #map}]} {
    %mul3A = arith.constant 2 : i32
    %mul3A_0 = arith.muli %arg1, %mul3A : i32
    %add3A = arith.addi %mul3A_0, %arg0 : i32
    %mul3A_1 = arith.constant 640 : i32
    %mul3A_2 = arith.muli %arg1, %mul3A_1 : i32
    %multiple_of3A = tpu.assume_multiple %mul3A_2, 8 : i32
    %broadcast_in_dim3A = arith.constant 0.000000e+00 : f32
    %broadcast_in_dim3A_3 = vector.broadcast %broadcast_in_dim3A : f32 to vector<16xf32>
    %scan3A = arith.constant 0 : i32
    %scan3A_4 = arith.constant 0 : i32
    %scan3A_5 = arith.constant 80 : i32
    %scan3A_6 = arith.addi %scan3A_4, %scan3A_5 : i32
    %scan3A_7 = arith.constant 1 : i32
    scf.for %scan3A_140 = %scan3A_4 to %scan3A_6 step %scan3A_7  : i32 {
      %swap3A = arith.index_cast %scan3A_140 : i32 to index
      %swap3A_141 = arith.constant 0 : index
      %swap3A_142 = tpu.vector_load %arg9[%swap3A, %swap3A_141] {strides = array<i32>} : memref<80x128xf32, #tpu.memory_space<vmem>>, vector<1x16xf32>,
      %swap3A_143 = vector.shape_cast %swap3A_142 : vector<1x16xf32> to vector<16xf32>
      %swap3A_144 = vector.shape_cast %broadcast_in_dim3A_3 : vector<16xf32> to vector<1x16xf32>
      tpu.vector_store %arg9[%swap3A, %swap3A_141], %swap3A_144 {strides = array<i32>} : memref<80x128xf32, #tpu.memory_space<vmem>>, vector<1x16xf32>,
      %swap3A_145 = arith.index_cast %scan3A_140 : i32 to index
      %swap3A_146 = arith.constant 16 : index
      %swap3A_147 = tpu.vector_load %arg9[%swap3A_145, %swap3A_146] {strides = array<i32>} : memref<80x128xf32, #tpu.memory_space<vmem>>, vector<1x16xf32>,
      %swap3A_148 = vector.shape_cast %swap3A_147 : vector<1x16xf32> to vector<16xf32>
      %swap3A_149 = vector.shape_cast %broadcast_in_dim3A_3 : vector<16xf32> to vector<1x16xf32>
      tpu.vector_store %arg9[%swap3A_145, %swap3A_146], %swap3A_149 {strides = array<i32>} : memref<80x128xf32, #tpu.memory_space<vmem>>, vector<1x16xf32>,
      %swap3A_150 = arith.index_cast %scan3A_140 : i32 to index
      %swap3A_151 = arith.constant 32 : index
      %swap3A_152 = tpu.vector_load %arg9[%swap3A_150, %swap3A_151] {strides = array<i32>} : memref<80x128xf32, #tpu.memory_space<vmem>>, vector<1x16xf32>,
      %swap3A_153 = vector.shape_cast %swap3A_152 : vector<1x16xf32> to vector<16xf32>
      %swap3A_154 = vector.shape_cast %broadcast_in_dim3A_3 : vector<16xf32> to vector<1x16xf32>
      tpu.vector_store %arg9[%swap3A_150, %swap3A_151], %swap3A_154 {strides = array<i32>} : memref<80x128xf32, #tpu.memory_space<vmem>>, vector<1x16xf32>,
      %swap3A_155 = arith.index_cast %scan3A_140 : i32 to index
      %swap3A_156 = arith.constant 48 : index
      %swap3A_157 = tpu.vector_load %arg9[%swap3A_155, %swap3A_156] {strides = array<i32>} : memref<80x128xf32, #tpu.memory_space<vmem>>, vector<1x16xf32>,
      %swap3A_158 = vector.shape_cast %swap3A_157 : vector<1x16xf32> to vector<16xf32>
      %swap3A_159 = vector.shape_cast %broadcast_in_dim3A_3 : vector<16xf32> to vector<1x16xf32>
      tpu.vector_store %arg9[%swap3A_155, %swap3A_156], %swap3A_159 {strides = array<i32>} : memref<80x128xf32, #tpu.memory_space<vmem>>, vector<1x16xf32>,
      %swap3A_160 = arith.index_cast %scan3A_140 : i32 to index
      %swap3A_161 = arith.constant 64 : index
      %swap3A_162 = tpu.vector_load %arg9[%swap3A_160, %swap3A_161] {strides = array<i32>} : memref<80x128xf32, #tpu.memory_space<vmem>>, vector<1x16xf32>,
      %swap3A_163 = vector.shape_cast %swap3A_162 : vector<1x16xf32> to vector<16xf32>
      %swap3A_164 = vector.shape_cast %broadcast_in_dim3A_3 : vector<16xf32> to vector<1x16xf32>
      tpu.vector_store %arg9[%swap3A_160, %swap3A_161], %swap3A_164 {strides = array<i32>} : memref<80x128xf32, #tpu.memory_space<vmem>>, vector<1x16xf32>,
      %swap3A_165 = arith.index_cast %scan3A_140 : i32 to index
      %swap3A_166 = arith.constant 80 : index
      %swap3A_167 = tpu.vector_load %arg9[%swap3A_165, %swap3A_166] {strides = array<i32>} : memref<80x128xf32, #tpu.memory_space<vmem>>, vector<1x16xf32>,
      %swap3A_168 = vector.shape_cast %swap3A_167 : vector<1x16xf32> to vector<16xf32>
      %swap3A_169 = vector.shape_cast %broadcast_in_dim3A_3 : vector<16xf32> to vector<1x16xf32>
      tpu.vector_store %arg9[%swap3A_165, %swap3A_166], %swap3A_169 {strides = array<i32>} : memref<80x128xf32, #tpu.memory_space<vmem>>, vector<1x16xf32>,
      %swap3A_170 = arith.index_cast %scan3A_140 : i32 to index
      %swap3A_171 = arith.constant 96 : index
      %swap3A_172 = tpu.vector_load %arg9[%swap3A_170, %swap3A_171] {strides = array<i32>} : memref<80x128xf32, #tpu.memory_space<vmem>>, vector<1x16xf32>,
      %swap3A_173 = vector.shape_cast %swap3A_172 : vector<1x16xf32> to vector<16xf32>
      %swap3A_174 = vector.shape_cast %broadcast_in_dim3A_3 : vector<16xf32> to vector<1x16xf32>
      tpu.vector_store %arg9[%swap3A_170, %swap3A_171], %swap3A_174 {strides = array<i32>} : memref<80x128xf32, #tpu.memory_space<vmem>>, vector<1x16xf32>,
      %swap3A_175 = arith.index_cast %scan3A_140 : i32 to index
      %swap3A_176 = arith.constant 112 : index
      %swap3A_177 = tpu.vector_load %arg9[%swap3A_175, %swap3A_176] {strides = array<i32>} : memref<80x128xf32, #tpu.memory_space<vmem>>, vector<1x16xf32>,
      %swap3A_178 = vector.shape_cast %swap3A_177 : vector<1x16xf32> to vector<16xf32>
      %swap3A_179 = vector.shape_cast %broadcast_in_dim3A_3 : vector<16xf32> to vector<1x16xf32>
      tpu.vector_store %arg9[%swap3A_175, %swap3A_176], %swap3A_179 {strides = array<i32>} : memref<80x128xf32, #tpu.memory_space<vmem>>, vector<1x16xf32>,
    }
    %scan3A_8 = arith.constant 80 : i32
    %mul3A_9 = arith.constant 640 : i32
    %mul3A_10 = arith.muli %arg1, %mul3A_9 : i32
    %add3A_11 = arith.constant 0 : i32
    %add3A_12 = arith.addi %mul3A_10, %add3A_11 : i32
    %multiple_of3A_13 = tpu.assume_multiple %add3A_12, 8 : i32
    "tpu.region"() ({
      %run_scoped3A = tpu.sem_alloc : memref<!tpu.dma_semaphore, #tpu.memory_space<semaphore_mem>>
      %dma_start3A_140 = arith.constant 0 : i32
      %dma_start3A_141 = tpu.memref_slice %arg6[%multiple_of3A_13, %dma_start3A_140] : memref<10240x128xf32, #tpu.memory_space<vmem_shared>> -> memref<80x128xf32, #tpu.memory_space<vmem_shared>>
      %dma_start3A_142 = arith.constant 0 : i32
      %dma_start3A_143 = tpu.memref_slice %arg6[%multiple_of3A_13, %dma_start3A_142] : memref<10240x128xf32, #tpu.memory_space<vmem_shared>> -> memref<80x128xf32, #tpu.memory_space<vmem_shared>>
      tpu.enqueue_dma source(%arg9 : memref<80x128xf32, #tpu.memory_space<vmem>>) target(%dma_start3A_143 : memref<80x128xf32, #tpu.memory_space<vmem_shared>>) target_semaphore(%run_scoped3A : memref<!tpu.dma_semaphore, #tpu.memory_space<semaphore_mem>>)
      %dma_wait3A_144 = arith.constant 0 : i32
      %dma_wait3A_145 = tpu.memref_slice %arg6[%multiple_of3A_13, %dma_wait3A_144] : memref<10240x128xf32, #tpu.memory_space<vmem_shared>> -> memref<80x128xf32, #tpu.memory_space<vmem_shared>>
      %dma_wait3A_146 = arith.constant 0 : i32
      %dma_wait3A_147 = tpu.memref_slice %arg6[%multiple_of3A_13, %dma_wait3A_146] : memref<10240x128xf32, #tpu.memory_space<vmem_shared>> -> memref<80x128xf32, #tpu.memory_space<vmem_shared>>
      tpu.wait_dma2 semaphore(%run_scoped3A : memref<!tpu.dma_semaphore, #tpu.memory_space<semaphore_mem>>) src(%arg9 : memref<80x128xf32, #tpu.memory_space<vmem>>) dst(%dma_wait3A_147 : memref<80x128xf32, #tpu.memory_space<vmem_shared>>)
      tpu.yield
    }) : () -> ()
    %mul3A_14 = arith.constant 640 : i32
    %mul3A_15 = arith.muli %arg1, %mul3A_14 : i32
    %add3A_16 = arith.constant 80 : i32
    %add3A_17 = arith.addi %mul3A_15, %add3A_16 : i32
    %multiple_of3A_18 = tpu.assume_multiple %add3A_17, 8 : i32
    "tpu.region"() ({
      %run_scoped3A = tpu.sem_alloc : memref<!tpu.dma_semaphore, #tpu.memory_space<semaphore_mem>>
      %dma_start3A_140 = arith.constant 0 : i32
      %dma_start3A_141 = tpu.memref_slice %arg6[%multiple_of3A_18, %dma_start3A_140] : memref<10240x128xf32, #tpu.memory_space<vmem_shared>> -> memref<80x128xf32, #tpu.memory_space<vmem_shared>>
      %dma_start3A_142 = arith.constant 0 : i32
      %dma_start3A_143 = tpu.memref_slice %arg6[%multiple_of3A_18, %dma_start3A_142] : memref<10240x128xf32, #tpu.memory_space<vmem_shared>> -> memref<80x128xf32, #tpu.memory_space<vmem_shared>>
      tpu.enqueue_dma source(%arg9 : memref<80x128xf32, #tpu.memory_space<vmem>>) target(%dma_start3A_143 : memref<80x128xf32, #tpu.memory_space<vmem_shared>>) target_semaphore(%run_scoped3A : memref<!tpu.dma_semaphore, #tpu.memory_space<semaphore_mem>>)
      %dma_wait3A_144 = arith.constant 0 : i32
      %dma_wait3A_145 = tpu.memref_slice %arg6[%multiple_of3A_18, %dma_wait3A_144] : memref<10240x128xf32, #tpu.memory_space<vmem_shared>> -> memref<80x128xf32, #tpu.memory_space<vmem_shared>>
      %dma_wait3A_146 = arith.constant 0 : i32
      %dma_wait3A_147 = tpu.memref_slice %arg6[%multiple_of3A_18, %dma_wait3A_146] : memref<10240x128xf32, #tpu.memory_space<vmem_shared>> -> memref<80x128xf32, #tpu.memory_space<vmem_shared>>
      tpu.wait_dma2 semaphore(%run_scoped3A : memref<!tpu.dma_semaphore, #tpu.memory_space<semaphore_mem>>) src(%arg9 : memref<80x128xf32, #tpu.memory_space<vmem>>) dst(%dma_wait3A_147 : memref<80x128xf32, #tpu.memory_space<vmem_shared>>)
      tpu.yield
    }) : () -> ()
    %mul3A_19 = arith.constant 640 : i32
    %mul3A_20 = arith.muli %arg1, %mul3A_19 : i32
    %add3A_21 = arith.constant 160 : i32
    %add3A_22 = arith.addi %mul3A_20, %add3A_21 : i32
    %multiple_of3A_23 = tpu.assume_multiple %add3A_22, 8 : i32
    "tpu.region"() ({
      %run_scoped3A = tpu.sem_alloc : memref<!tpu.dma_semaphore, #tpu.memory_space<semaphore_mem>>
      %dma_start3A_140 = arith.constant 0 : i32
      %dma_start3A_141 = tpu.memref_slice %arg6[%multiple_of3A_23, %dma_start3A_140] : memref<10240x128xf32, #tpu.memory_space<vmem_shared>> -> memref<80x128xf32, #tpu.memory_space<vmem_shared>>
      %dma_start3A_142 = arith.constant 0 : i32
      %dma_start3A_143 = tpu.memref_slice %arg6[%multiple_of3A_23, %dma_start3A_142] : memref<10240x128xf32, #tpu.memory_space<vmem_shared>> -> memref<80x128xf32, #tpu.memory_space<vmem_shared>>
      tpu.enqueue_dma source(%arg9 : memref<80x128xf32, #tpu.memory_space<vmem>>) target(%dma_start3A_143 : memref<80x128xf32, #tpu.memory_space<vmem_shared>>) target_semaphore(%run_scoped3A : memref<!tpu.dma_semaphore, #tpu.memory_space<semaphore_mem>>)
      %dma_wait3A_144 = arith.constant 0 : i32
      %dma_wait3A_145 = tpu.memref_slice %arg6[%multiple_of3A_23, %dma_wait3A_144] : memref<10240x128xf32, #tpu.memory_space<vmem_shared>> -> memref<80x128xf32, #tpu.memory_space<vmem_shared>>
      %dma_wait3A_146 = arith.constant 0 : i32
      %dma_wait3A_147 = tpu.memref_slice %arg6[%multiple_of3A_23, %dma_wait3A_146] : memref<10240x128xf32, #tpu.memory_space<vmem_shared>> -> memref<80x128xf32, #tpu.memory_space<vmem_shared>>
      tpu.wait_dma2 semaphore(%run_scoped3A : memref<!tpu.dma_semaphore, #tpu.memory_space<semaphore_mem>>) src(%arg9 : memref<80x128xf32, #tpu.memory_space<vmem>>) dst(%dma_wait3A_147 : memref<80x128xf32, #tpu.memory_space<vmem_shared>>)
      tpu.yield
    }) : () -> ()
    %mul3A_24 = arith.constant 640 : i32
    %mul3A_25 = arith.muli %arg1, %mul3A_24 : i32
    %add3A_26 = arith.constant 240 : i32
    %add3A_27 = arith.addi %mul3A_25, %add3A_26 : i32
    %multiple_of3A_28 = tpu.assume_multiple %add3A_27, 8 : i32
    "tpu.region"() ({
      %run_scoped3A = tpu.sem_alloc : memref<!tpu.dma_semaphore, #tpu.memory_space<semaphore_mem>>
      %dma_start3A_140 = arith.constant 0 : i32
      %dma_start3A_141 = tpu.memref_slice %arg6[%multiple_of3A_28, %dma_start3A_140] : memref<10240x128xf32, #tpu.memory_space<vmem_shared>> -> memref<80x128xf32, #tpu.memory_space<vmem_shared>>
      %dma_start3A_142 = arith.constant 0 : i32
      %dma_start3A_143 = tpu.memref_slice %arg6[%multiple_of3A_28, %dma_start3A_142] : memref<10240x128xf32, #tpu.memory_space<vmem_shared>> -> memref<80x128xf32, #tpu.memory_space<vmem_shared>>
      tpu.enqueue_dma source(%arg9 : memref<80x128xf32, #tpu.memory_space<vmem>>) target(%dma_start3A_143 : memref<80x128xf32, #tpu.memory_space<vmem_shared>>) target_semaphore(%run_scoped3A : memref<!tpu.dma_semaphore, #tpu.memory_space<semaphore_mem>>)
      %dma_wait3A_144 = arith.constant 0 : i32
      %dma_wait3A_145 = tpu.memref_slice %arg6[%multiple_of3A_28, %dma_wait3A_144] : memref<10240x128xf32, #tpu.memory_space<vmem_shared>> -> memref<80x128xf32, #tpu.memory_space<vmem_shared>>
      %dma_wait3A_146 = arith.constant 0 : i32
      %dma_wait3A_147 = tpu.memref_slice %arg6[%multiple_of3A_28, %dma_wait3A_146] : memref<10240x128xf32, #tpu.memory_space<vmem_shared>> -> memref<80x128xf32, #tpu.memory_space<vmem_shared>>
      tpu.wait_dma2 semaphore(%run_scoped3A : memref<!tpu.dma_semaphore, #tpu.memory_space<semaphore_mem>>) src(%arg9 : memref<80x128xf32, #tpu.memory_space<vmem>>) dst(%dma_wait3A_147 : memref<80x128xf32, #tpu.memory_space<vmem_shared>>)
      tpu.yield
    }) : () -> ()
    %mul3A_29 = arith.constant 640 : i32
    %mul3A_30 = arith.muli %arg1, %mul3A_29 : i32
    %add3A_31 = arith.constant 320 : i32
    %add3A_32 = arith.addi %mul3A_30, %add3A_31 : i32
    %multiple_of3A_33 = tpu.assume_multiple %add3A_32, 8 : i32
    "tpu.region"() ({
      %run_scoped3A = tpu.sem_alloc : memref<!tpu.dma_semaphore, #tpu.memory_space<semaphore_mem>>
      %dma_start3A_140 = arith.constant 0 : i32
      %dma_start3A_141 = tpu.memref_slice %arg6[%multiple_of3A_33, %dma_start3A_140] : memref<10240x128xf32, #tpu.memory_space<vmem_shared>> -> memref<80x128xf32, #tpu.memory_space<vmem_shared>>
      %dma_start3A_142 = arith.constant 0 : i32
      %dma_start3A_143 = tpu.memref_slice %arg6[%multiple_of3A_33, %dma_start3A_142] : memref<10240x128xf32, #tpu.memory_space<vmem_shared>> -> memref<80x128xf32, #tpu.memory_space<vmem_shared>>
      tpu.enqueue_dma source(%arg9 : memref<80x128xf32, #tpu.memory_space<vmem>>) target(%dma_start3A_143 : memref<80x128xf32, #tpu.memory_space<vmem_shared>>) target_semaphore(%run_scoped3A : memref<!tpu.dma_semaphore, #tpu.memory_space<semaphore_mem>>)
      %dma_wait3A_144 = arith.constant 0 : i32
      %dma_wait3A_145 = tpu.memref_slice %arg6[%multiple_of3A_33, %dma_wait3A_144] : memref<10240x128xf32, #tpu.memory_space<vmem_shared>> -> memref<80x128xf32, #tpu.memory_space<vmem_shared>>
      %dma_wait3A_146 = arith.constant 0 : i32
      %dma_wait3A_147 = tpu.memref_slice %arg6[%multiple_of3A_33, %dma_wait3A_146] : memref<10240x128xf32, #tpu.memory_space<vmem_shared>> -> memref<80x128xf32, #tpu.memory_space<vmem_shared>>
      tpu.wait_dma2 semaphore(%run_scoped3A : memref<!tpu.dma_semaphore, #tpu.memory_space<semaphore_mem>>) src(%arg9 : memref<80x128xf32, #tpu.memory_space<vmem>>) dst(%dma_wait3A_147 : memref<80x128xf32, #tpu.memory_space<vmem_shared>>)
      tpu.yield
    }) : () -> ()
    %mul3A_34 = arith.constant 640 : i32
    %mul3A_35 = arith.muli %arg1, %mul3A_34 : i32
    %add3A_36 = arith.constant 400 : i32
    %add3A_37 = arith.addi %mul3A_35, %add3A_36 : i32
    %multiple_of3A_38 = tpu.assume_multiple %add3A_37, 8 : i32
    "tpu.region"() ({
      %run_scoped3A = tpu.sem_alloc : memref<!tpu.dma_semaphore, #tpu.memory_space<semaphore_mem>>
      %dma_start3A_140 = arith.constant 0 : i32
      %dma_start3A_141 = tpu.memref_slice %arg6[%multiple_of3A_38, %dma_start3A_140] : memref<10240x128xf32, #tpu.memory_space<vmem_shared>> -> memref<80x128xf32, #tpu.memory_space<vmem_shared>>
      %dma_start3A_142 = arith.constant 0 : i32
      %dma_start3A_143 = tpu.memref_slice %arg6[%multiple_of3A_38, %dma_start3A_142] : memref<10240x128xf32, #tpu.memory_space<vmem_shared>> -> memref<80x128xf32, #tpu.memory_space<vmem_shared>>
      tpu.enqueue_dma source(%arg9 : memref<80x128xf32, #tpu.memory_space<vmem>>) target(%dma_start3A_143 : memref<80x128xf32, #tpu.memory_space<vmem_shared>>) target_semaphore(%run_scoped3A : memref<!tpu.dma_semaphore, #tpu.memory_space<semaphore_mem>>)
      %dma_wait3A_144 = arith.constant 0 : i32
      %dma_wait3A_145 = tpu.memref_slice %arg6[%multiple_of3A_38, %dma_wait3A_144] : memref<10240x128xf32, #tpu.memory_space<vmem_shared>> -> memref<80x128xf32, #tpu.memory_space<vmem_shared>>
      %dma_wait3A_146 = arith.constant 0 : i32
      %dma_wait3A_147 = tpu.memref_slice %arg6[%multiple_of3A_38, %dma_wait3A_146] : memref<10240x128xf32, #tpu.memory_space<vmem_shared>> -> memref<80x128xf32, #tpu.memory_space<vmem_shared>>
      tpu.wait_dma2 semaphore(%run_scoped3A : memref<!tpu.dma_semaphore, #tpu.memory_space<semaphore_mem>>) src(%arg9 : memref<80x128xf32, #tpu.memory_space<vmem>>) dst(%dma_wait3A_147 : memref<80x128xf32, #tpu.memory_space<vmem_shared>>)
      tpu.yield
    }) : () -> ()
    %mul3A_39 = arith.constant 640 : i32
    %mul3A_40 = arith.muli %arg1, %mul3A_39 : i32
    %add3A_41 = arith.constant 480 : i32
    %add3A_42 = arith.addi %mul3A_40, %add3A_41 : i32
    %multiple_of3A_43 = tpu.assume_multiple %add3A_42, 8 : i32
    "tpu.region"() ({
      %run_scoped3A = tpu.sem_alloc : memref<!tpu.dma_semaphore, #tpu.memory_space<semaphore_mem>>
      %dma_start3A_140 = arith.constant 0 : i32
      %dma_start3A_141 = tpu.memref_slice %arg6[%multiple_of3A_43, %dma_start3A_140] : memref<10240x128xf32, #tpu.memory_space<vmem_shared>> -> memref<80x128xf32, #tpu.memory_space<vmem_shared>>
      %dma_start3A_142 = arith.constant 0 : i32
      %dma_start3A_143 = tpu.memref_slice %arg6[%multiple_of3A_43, %dma_start3A_142] : memref<10240x128xf32, #tpu.memory_space<vmem_shared>> -> memref<80x128xf32, #tpu.memory_space<vmem_shared>>
      tpu.enqueue_dma source(%arg9 : memref<80x128xf32, #tpu.memory_space<vmem>>) target(%dma_start3A_143 : memref<80x128xf32, #tpu.memory_space<vmem_shared>>) target_semaphore(%run_scoped3A : memref<!tpu.dma_semaphore, #tpu.memory_space<semaphore_mem>>)
      %dma_wait3A_144 = arith.constant 0 : i32
      %dma_wait3A_145 = tpu.memref_slice %arg6[%multiple_of3A_43, %dma_wait3A_144] : memref<10240x128xf32, #tpu.memory_space<vmem_shared>> -> memref<80x128xf32, #tpu.memory_space<vmem_shared>>
      %dma_wait3A_146 = arith.constant 0 : i32
      %dma_wait3A_147 = tpu.memref_slice %arg6[%multiple_of3A_43, %dma_wait3A_146] : memref<10240x128xf32, #tpu.memory_space<vmem_shared>> -> memref<80x128xf32, #tpu.memory_space<vmem_shared>>
      tpu.wait_dma2 semaphore(%run_scoped3A : memref<!tpu.dma_semaphore, #tpu.memory_space<semaphore_mem>>) src(%arg9 : memref<80x128xf32, #tpu.memory_space<vmem>>) dst(%dma_wait3A_147 : memref<80x128xf32, #tpu.memory_space<vmem_shared>>)
      tpu.yield
    }) : () -> ()
    %mul3A_44 = arith.constant 640 : i32
    %mul3A_45 = arith.muli %arg1, %mul3A_44 : i32
    %add3A_46 = arith.constant 560 : i32
    %add3A_47 = arith.addi %mul3A_45, %add3A_46 : i32
    %multiple_of3A_48 = tpu.assume_multiple %add3A_47, 8 : i32
    "tpu.region"() ({
      %run_scoped3A = tpu.sem_alloc : memref<!tpu.dma_semaphore, #tpu.memory_space<semaphore_mem>>
      %dma_start3A_140 = arith.constant 0 : i32
      %dma_start3A_141 = tpu.memref_slice %arg6[%multiple_of3A_48, %dma_start3A_140] : memref<10240x128xf32, #tpu.memory_space<vmem_shared>> -> memref<80x128xf32, #tpu.memory_space<vmem_shared>>
      %dma_start3A_142 = arith.constant 0 : i32
      %dma_start3A_143 = tpu.memref_slice %arg6[%multiple_of3A_48, %dma_start3A_142] : memref<10240x128xf32, #tpu.memory_space<vmem_shared>> -> memref<80x128xf32, #tpu.memory_space<vmem_shared>>
      tpu.enqueue_dma source(%arg9 : memref<80x128xf32, #tpu.memory_space<vmem>>) target(%dma_start3A_143 : memref<80x128xf32, #tpu.memory_space<vmem_shared>>) target_semaphore(%run_scoped3A : memref<!tpu.dma_semaphore, #tpu.memory_space<semaphore_mem>>)
      %dma_wait3A_144 = arith.constant 0 : i32
      %dma_wait3A_145 = tpu.memref_slice %arg6[%multiple_of3A_48, %dma_wait3A_144] : memref<10240x128xf32, #tpu.memory_space<vmem_shared>> -> memref<80x128xf32, #tpu.memory_space<vmem_shared>>
      %dma_wait3A_146 = arith.constant 0 : i32
      %dma_wait3A_147 = tpu.memref_slice %arg6[%multiple_of3A_48, %dma_wait3A_146] : memref<10240x128xf32, #tpu.memory_space<vmem_shared>> -> memref<80x128xf32, #tpu.memory_space<vmem_shared>>
      tpu.wait_dma2 semaphore(%run_scoped3A : memref<!tpu.dma_semaphore, #tpu.memory_space<semaphore_mem>>) src(%arg9 : memref<80x128xf32, #tpu.memory_space<vmem>>) dst(%dma_wait3A_147 : memref<80x128xf32, #tpu.memory_space<vmem_shared>>)
      tpu.yield
    }) : () -> ()
    %mul3A_49 = arith.constant 10000 : i32
    %mul3A_50 = arith.muli %add3A, %mul3A_49 : i32
    "tpu.region"() ({
      %run_scoped3A = tpu.sem_alloc : memref<!tpu.dma_semaphore, #tpu.memory_space<semaphore_mem>>
      %dma_start3A_140 = tpu.memref_slice %arg3[%mul3A_50] : memref<320000xi32, #tpu.memory_space<hbm>> -> memref<10000xi32, #tpu.memory_space<hbm>>
      %dma_start3A_141 = tpu.memref_slice %arg3[%mul3A_50] : memref<320000xi32, #tpu.memory_space<hbm>> -> memref<10000xi32, #tpu.memory_space<hbm>>
      tpu.enqueue_dma source(%dma_start3A_141 : memref<10000xi32, #tpu.memory_space<hbm>>) target(%arg7 : memref<10000xi32, #tpu.memory_space<vmem>>) target_semaphore(%run_scoped3A : memref<!tpu.dma_semaphore, #tpu.memory_space<semaphore_mem>>)
      %dma_wait3A_142 = tpu.memref_slice %arg3[%mul3A_50] : memref<320000xi32, #tpu.memory_space<hbm>> -> memref<10000xi32, #tpu.memory_space<hbm>>
      %dma_wait3A_143 = tpu.memref_slice %arg3[%mul3A_50] : memref<320000xi32, #tpu.memory_space<hbm>> -> memref<10000xi32, #tpu.memory_space<hbm>>
      tpu.wait_dma2 semaphore(%run_scoped3A : memref<!tpu.dma_semaphore, #tpu.memory_space<semaphore_mem>>) src(%dma_wait3A_143 : memref<10000xi32, #tpu.memory_space<hbm>>) dst(%arg7 : memref<10000xi32, #tpu.memory_space<vmem>>)
      tpu.yield
    }) : () -> ()
    "tpu.region"() ({
      %run_scoped3A = tpu.sem_alloc : memref<!tpu.dma_semaphore, #tpu.memory_space<semaphore_mem>>
      %dma_start3A_140 = arith.constant 0 : i32
      %dma_start3A_141 = arith.constant 0 : i32
      %dma_start3A_142 = tpu.memref_slice %arg4[%add3A, %dma_start3A_140, %dma_start3A_141] : memref<32x125x80xi32, #tpu.memory_space<hbm>> -> memref<1x125x80xi32, #tpu.memory_space<hbm>>
      %dma_start3A_143 = tpu.memref_squeeze %dma_start3A_142 : memref<1x125x80xi32, #tpu.memory_space<hbm>> -> memref<125x80xi32, #tpu.memory_space<hbm>>
      %dma_start3A_144 = arith.constant 0 : i32
      %dma_start3A_145 = arith.constant 0 : i32
      %dma_start3A_146 = tpu.memref_slice %arg4[%add3A, %dma_start3A_144, %dma_start3A_145] : memref<32x125x80xi32, #tpu.memory_space<hbm>> -> memref<1x125x80xi32, #tpu.memory_space<hbm>>
      %dma_start3A_147 = tpu.memref_squeeze %dma_start3A_146 : memref<1x125x80xi32, #tpu.memory_space<hbm>> -> memref<125x80xi32, #tpu.memory_space<hbm>>
      tpu.enqueue_dma source(%dma_start3A_147 : memref<125x80xi32, #tpu.memory_space<hbm>>) target(%arg8 : memref<125x80xi32, #tpu.memory_space<vmem>>) target_semaphore(%run_scoped3A : memref<!tpu.dma_semaphore, #tpu.memory_space<semaphore_mem>>)
      %dma_wait3A_148 = arith.constant 0 : i32
      %dma_wait3A_149 = arith.constant 0 : i32
      %dma_wait3A_150 = tpu.memref_slice %arg4[%add3A, %dma_wait3A_148, %dma_wait3A_149] : memref<32x125x80xi32, #tpu.memory_space<hbm>> -> memref<1x125x80xi32, #tpu.memory_space<hbm>>
      %dma_wait3A_151 = tpu.memref_squeeze %dma_wait3A_150 : memref<1x125x80xi32, #tpu.memory_space<hbm>> -> memref<125x80xi32, #tpu.memory_space<hbm>>
      %dma_wait3A_152 = arith.constant 0 : i32
      %dma_wait3A_153 = arith.constant 0 : i32
      %dma_wait3A_154 = tpu.memref_slice %arg4[%add3A, %dma_wait3A_152, %dma_wait3A_153] : memref<32x125x80xi32, #tpu.memory_space<hbm>> -> memref<1x125x80xi32, #tpu.memory_space<hbm>>
      %dma_wait3A_155 = tpu.memref_squeeze %dma_wait3A_154 : memref<1x125x80xi32, #tpu.memory_space<hbm>> -> memref<125x80xi32, #tpu.memory_space<hbm>>
      tpu.wait_dma2 semaphore(%run_scoped3A : memref<!tpu.dma_semaphore, #tpu.memory_space<semaphore_mem>>) src(%dma_wait3A_155 : memref<125x80xi32, #tpu.memory_space<hbm>>) dst(%arg8 : memref<125x80xi32, #tpu.memory_space<vmem>>)
      tpu.yield
    }) : () -> ()
    %barrier3A = arith.constant 0 : index
    tpu.barrier barrier_id(%barrier3A)
    %multiple_of3A_51 = arith.constant 0 : i32
    %multiple_of3A_52 = tpu.assume_multiple %multiple_of3A_51, 8 : i32
    %dma_start3A = tpu.memref_slice %arg7[%multiple_of3A_52] : memref<10000xi32, #tpu.memory_space<vmem>> -> memref<80xi32, #tpu.memory_space<vmem>>
    %dma_start3A_53 = arith.constant 0 : i32
    %dma_start3A_54 = arith.constant 0 : i32
    %dma_start3A_55 = tpu.memref_slice %arg2[%dma_start3A_53, %dma_start3A_54] : memref<10000x128xf32, #tpu.memory_space<hbm>> -> memref<10000x128xf32, #tpu.memory_space<hbm>>
    tpu.enqueue_indirect_dma source(%dma_start3A_55 : memref<10000x128xf32, #tpu.memory_space<hbm>>) target(%arg9 : memref<80x128xf32, #tpu.memory_space<vmem>>) offsets(%dma_start3A : memref<80xi32, #tpu.memory_space<vmem>>) semaphore(%arg11 : memref<!tpu.dma_semaphore, #tpu.memory_space<semaphore_mem>>)
    %multiple_of3A_56 = arith.constant 0 : i32
    %multiple_of3A_57 = tpu.assume_multiple %multiple_of3A_56, 8 : i32
    %dma_wait3A = tpu.memref_slice %arg7[%multiple_of3A_57] : memref<10000xi32, #tpu.memory_space<vmem>> -> memref<80xi32, #tpu.memory_space<vmem>>
    %dma_wait3A_58 = arith.constant 0 : i32
    %dma_wait3A_59 = arith.constant 0 : i32
    %dma_wait3A_60 = tpu.memref_slice %arg2[%dma_wait3A_58, %dma_wait3A_59] : memref<10000x128xf32, #tpu.memory_space<hbm>> -> memref<10000x128xf32, #tpu.memory_space<hbm>>
    tpu.wait_indirect_dma semaphore(%arg11 : memref<!tpu.dma_semaphore, #tpu.memory_space<semaphore_mem>>) src(%dma_wait3A_60 : memref<10000x128xf32, #tpu.memory_space<hbm>>) dst(%arg9 : memref<80x128xf32, #tpu.memory_space<vmem>>)
    %dma_start3A_61 = arith.constant 0 : i32
    %dma_start3A_62 = arith.constant 0 : i32
    %dma_start3A_63 = tpu.memref_slice %arg8[%dma_start3A_61, %dma_start3A_62] : memref<125x80xi32, #tpu.memory_space<vmem>> -> memref<1x80xi32, #tpu.memory_space<vmem>>
    %dma_start3A_64 = tpu.memref_squeeze %dma_start3A_63 : memref<1x80xi32, #tpu.memory_space<vmem>> -> memref<80xi32, #tpu.memory_space<vmem>>
    %dma_start3A_65 = arith.constant 0 : i32
    %dma_start3A_66 = arith.constant 0 : i32
    %dma_start3A_67 = tpu.memref_slice %arg6[%dma_start3A_65, %dma_start3A_66] : memref<10240x128xf32, #tpu.memory_space<vmem_shared>> -> memref<10240x128xf32, #tpu.memory_space<vmem_shared>>
    tpu.enqueue_indirect_dma source(%arg9 : memref<80x128xf32, #tpu.memory_space<vmem>>) target(%dma_start3A_67 : memref<10240x128xf32, #tpu.memory_space<vmem_shared>>) offsets(%dma_start3A_64 : memref<80xi32, #tpu.memory_space<vmem>>) semaphore(%arg13 : memref<!tpu.dma_semaphore, #tpu.memory_space<semaphore_mem>>) {add = true}
    %multiple_of3A_68 = arith.constant 80 : i32
    %multiple_of3A_69 = tpu.assume_multiple %multiple_of3A_68, 8 : i32
    %dma_start3A_70 = tpu.memref_slice %arg7[%multiple_of3A_69] : memref<10000xi32, #tpu.memory_space<vmem>> -> memref<80xi32, #tpu.memory_space<vmem>>
    %dma_start3A_71 = arith.constant 0 : i32
    %dma_start3A_72 = arith.constant 0 : i32
    %dma_start3A_73 = tpu.memref_slice %arg2[%dma_start3A_71, %dma_start3A_72] : memref<10000x128xf32, #tpu.memory_space<hbm>> -> memref<10000x128xf32, #tpu.memory_space<hbm>>
    tpu.enqueue_indirect_dma source(%dma_start3A_73 : memref<10000x128xf32, #tpu.memory_space<hbm>>) target(%arg10 : memref<80x128xf32, #tpu.memory_space<vmem>>) offsets(%dma_start3A_70 : memref<80xi32, #tpu.memory_space<vmem>>) semaphore(%arg12 : memref<!tpu.dma_semaphore, #tpu.memory_space<semaphore_mem>>)
    %scan3A_74 = arith.constant 0 : i32
    %scan3A_75 = arith.constant 0 : i32
    %scan3A_76 = arith.constant 61 : i32
    %scan3A_77 = arith.addi %scan3A_75, %scan3A_76 : i32
    %scan3A_78 = arith.constant 1 : i32
    scf.for %scan3A_140 = %scan3A_75 to %scan3A_77 step %scan3A_78  : i32 {
      %mul3A_141 = arith.constant 2 : i32
      %mul3A_142 = arith.muli %mul3A_141, %scan3A_140 : i32
      %add3A_143 = arith.constant 1 : i32
      %add3A_144 = arith.addi %mul3A_142, %add3A_143 : i32
      %multiple_of3A_145 = arith.constant 0 : i32
      %multiple_of3A_146 = tpu.assume_multiple %multiple_of3A_145, 8 : i32
      %dma_wait3A_147 = tpu.memref_slice %arg7[%multiple_of3A_146] : memref<10000xi32, #tpu.memory_space<vmem>> -> memref<80xi32, #tpu.memory_space<vmem>>
      %dma_wait3A_148 = arith.constant 0 : i32
      %dma_wait3A_149 = arith.constant 0 : i32
      %dma_wait3A_150 = tpu.memref_slice %arg2[%dma_wait3A_148, %dma_wait3A_149] : memref<10000x128xf32, #tpu.memory_space<hbm>> -> memref<10000x128xf32, #tpu.memory_space<hbm>>
      tpu.wait_indirect_dma semaphore(%arg12 : memref<!tpu.dma_semaphore, #tpu.memory_space<semaphore_mem>>) src(%dma_wait3A_150 : memref<10000x128xf32, #tpu.memory_space<hbm>>) dst(%arg10 : memref<80x128xf32, #tpu.memory_space<vmem>>)
      %dma_start3A_151 = arith.constant 0 : i32
      %dma_start3A_152 = tpu.memref_slice %arg8[%add3A_144, %dma_start3A_151] : memref<125x80xi32, #tpu.memory_space<vmem>> -> memref<1x80xi32, #tpu.memory_space<vmem>>
      %dma_start3A_153 = tpu.memref_squeeze %dma_start3A_152 : memref<1x80xi32, #tpu.memory_space<vmem>> -> memref<80xi32, #tpu.memory_space<vmem>>
      %dma_start3A_154 = arith.constant 0 : i32
      %dma_start3A_155 = arith.constant 0 : i32
      %dma_start3A_156 = tpu.memref_slice %arg6[%dma_start3A_154, %dma_start3A_155] : memref<10240x128xf32, #tpu.memory_space<vmem_shared>> -> memref<10240x128xf32, #tpu.memory_space<vmem_shared>>
      tpu.enqueue_indirect_dma source(%arg10 : memref<80x128xf32, #tpu.memory_space<vmem>>) target(%dma_start3A_156 : memref<10240x128xf32, #tpu.memory_space<vmem_shared>>) offsets(%dma_start3A_153 : memref<80xi32, #tpu.memory_space<vmem>>) semaphore(%arg14 : memref<!tpu.dma_semaphore, #tpu.memory_space<semaphore_mem>>) {add = true}
      %dma_wait3A_157 = arith.constant 0 : i32
      %dma_wait3A_158 = arith.constant 0 : i32
      %dma_wait3A_159 = tpu.memref_slice %arg8[%dma_wait3A_157, %dma_wait3A_158] : memref<125x80xi32, #tpu.memory_space<vmem>> -> memref<1x80xi32, #tpu.memory_space<vmem>>
      %dma_wait3A_160 = tpu.memref_squeeze %dma_wait3A_159 : memref<1x80xi32, #tpu.memory_space<vmem>> -> memref<80xi32, #tpu.memory_space<vmem>>
      %dma_wait3A_161 = arith.constant 0 : i32
      %dma_wait3A_162 = arith.constant 0 : i32
      %dma_wait3A_163 = tpu.memref_slice %arg6[%dma_wait3A_161, %dma_wait3A_162] : memref<10240x128xf32, #tpu.memory_space<vmem_shared>> -> memref<10240x128xf32, #tpu.memory_space<vmem_shared>>
      tpu.wait_indirect_dma semaphore(%arg13 : memref<!tpu.dma_semaphore, #tpu.memory_space<semaphore_mem>>) src(%arg9 : memref<80x128xf32, #tpu.memory_space<vmem>>) dst(%dma_wait3A_163 : memref<10240x128xf32, #tpu.memory_space<vmem_shared>>)
      %add3A_164 = arith.constant 1 : i32
      %add3A_165 = arith.addi %add3A_144, %add3A_164 : i32
      %mul3A_166 = arith.constant 80 : i32
      %mul3A_167 = arith.muli %add3A_165, %mul3A_166 : i32
      %multiple_of3A_168 = tpu.assume_multiple %mul3A_167, 8 : i32
      %dma_start3A_169 = tpu.memref_slice %arg7[%multiple_of3A_168] : memref<10000xi32, #tpu.memory_space<vmem>> -> memref<80xi32, #tpu.memory_space<vmem>>
      %dma_start3A_170 = arith.constant 0 : i32
      %dma_start3A_171 = arith.constant 0 : i32
      %dma_start3A_172 = tpu.memref_slice %arg2[%dma_start3A_170, %dma_start3A_171] : memref<10000x128xf32, #tpu.memory_space<hbm>> -> memref<10000x128xf32, #tpu.memory_space<hbm>>
      tpu.enqueue_indirect_dma source(%dma_start3A_172 : memref<10000x128xf32, #tpu.memory_space<hbm>>) target(%arg9 : memref<80x128xf32, #tpu.memory_space<vmem>>) offsets(%dma_start3A_169 : memref<80xi32, #tpu.memory_space<vmem>>) semaphore(%arg11 : memref<!tpu.dma_semaphore, #tpu.memory_space<semaphore_mem>>)
      %multiple_of3A_173 = arith.constant 0 : i32
      %multiple_of3A_174 = tpu.assume_multiple %multiple_of3A_173, 8 : i32
      %dma_wait3A_175 = tpu.memref_slice %arg7[%multiple_of3A_174] : memref<10000xi32, #tpu.memory_space<vmem>> -> memref<80xi32, #tpu.memory_space<vmem>>
      %dma_wait3A_176 = arith.constant 0 : i32
      %dma_wait3A_177 = arith.constant 0 : i32
      %dma_wait3A_178 = tpu.memref_slice %arg2[%dma_wait3A_176, %dma_wait3A_177] : memref<10000x128xf32, #tpu.memory_space<hbm>> -> memref<10000x128xf32, #tpu.memory_space<hbm>>
      tpu.wait_indirect_dma semaphore(%arg11 : memref<!tpu.dma_semaphore, #tpu.memory_space<semaphore_mem>>) src(%dma_wait3A_178 : memref<10000x128xf32, #tpu.memory_space<hbm>>) dst(%arg9 : memref<80x128xf32, #tpu.memory_space<vmem>>)
      %add3A_179 = arith.constant 1 : i32
      %add3A_180 = arith.addi %add3A_144, %add3A_179 : i32
      %dma_start3A_181 = arith.constant 0 : i32
      %dma_start3A_182 = tpu.memref_slice %arg8[%add3A_180, %dma_start3A_181] : memref<125x80xi32, #tpu.memory_space<vmem>> -> memref<1x80xi32, #tpu.memory_space<vmem>>
      %dma_start3A_183 = tpu.memref_squeeze %dma_start3A_182 : memref<1x80xi32, #tpu.memory_space<vmem>> -> memref<80xi32, #tpu.memory_space<vmem>>
      %dma_start3A_184 = arith.constant 0 : i32
      %dma_start3A_185 = arith.constant 0 : i32
      %dma_start3A_186 = tpu.memref_slice %arg6[%dma_start3A_184, %dma_start3A_185] : memref<10240x128xf32, #tpu.memory_space<vmem_shared>> -> memref<10240x128xf32, #tpu.memory_space<vmem_shared>>
      tpu.enqueue_indirect_dma source(%arg9 : memref<80x128xf32, #tpu.memory_space<vmem>>) target(%dma_start3A_186 : memref<10240x128xf32, #tpu.memory_space<vmem_shared>>) offsets(%dma_start3A_183 : memref<80xi32, #tpu.memory_space<vmem>>) semaphore(%arg13 : memref<!tpu.dma_semaphore, #tpu.memory_space<semaphore_mem>>) {add = true}
      %dma_wait3A_187 = arith.constant 0 : i32
      %dma_wait3A_188 = arith.constant 0 : i32
      %dma_wait3A_189 = tpu.memref_slice %arg8[%dma_wait3A_187, %dma_wait3A_188] : memref<125x80xi32, #tpu.memory_space<vmem>> -> memref<1x80xi32, #tpu.memory_space<vmem>>
      %dma_wait3A_190 = tpu.memref_squeeze %dma_wait3A_189 : memref<1x80xi32, #tpu.memory_space<vmem>> -> memref<80xi32, #tpu.memory_space<vmem>>
      %dma_wait3A_191 = arith.constant 0 : i32
      %dma_wait3A_192 = arith.constant 0 : i32
      %dma_wait3A_193 = tpu.memref_slice %arg6[%dma_wait3A_191, %dma_wait3A_192] : memref<10240x128xf32, #tpu.memory_space<vmem_shared>> -> memref<10240x128xf32, #tpu.memory_space<vmem_shared>>
      tpu.wait_indirect_dma semaphore(%arg14 : memref<!tpu.dma_semaphore, #tpu.memory_space<semaphore_mem>>) src(%arg10 : memref<80x128xf32, #tpu.memory_space<vmem>>) dst(%dma_wait3A_193 : memref<10240x128xf32, #tpu.memory_space<vmem_shared>>)
      %add3A_194 = arith.constant 2 : i32
      %add3A_195 = arith.addi %add3A_144, %add3A_194 : i32
      %mul3A_196 = arith.constant 80 : i32
      %mul3A_197 = arith.muli %add3A_195, %mul3A_196 : i32
      %multiple_of3A_198 = tpu.assume_multiple %mul3A_197, 8 : i32
      %dma_start3A_199 = tpu.memref_slice %arg7[%multiple_of3A_198] : memref<10000xi32, #tpu.memory_space<vmem>> -> memref<80xi32, #tpu.memory_space<vmem>>
      %dma_start3A_200 = arith.constant 0 : i32
      %dma_start3A_201 = arith.constant 0 : i32
      %dma_start3A_202 = tpu.memref_slice %arg2[%dma_start3A_200, %dma_start3A_201] : memref<10000x128xf32, #tpu.memory_space<hbm>> -> memref<10000x128xf32, #tpu.memory_space<hbm>>
      tpu.enqueue_indirect_dma source(%dma_start3A_202 : memref<10000x128xf32, #tpu.memory_space<hbm>>) target(%arg10 : memref<80x128xf32, #tpu.memory_space<vmem>>) offsets(%dma_start3A_199 : memref<80xi32, #tpu.memory_space<vmem>>) semaphore(%arg12 : memref<!tpu.dma_semaphore, #tpu.memory_space<semaphore_mem>>)
    }
    %scan3A_79 = arith.constant 61 : i32
    %multiple_of3A_80 = arith.constant 0 : i32
    %multiple_of3A_81 = tpu.assume_multiple %multiple_of3A_80, 8 : i32
    %dma_wait3A_82 = tpu.memref_slice %arg7[%multiple_of3A_81] : memref<10000xi32, #tpu.memory_space<vmem>> -> memref<80xi32, #tpu.memory_space<vmem>>
    %dma_wait3A_83 = arith.constant 0 : i32
    %dma_wait3A_84 = arith.constant 0 : i32
    %dma_wait3A_85 = tpu.memref_slice %arg2[%dma_wait3A_83, %dma_wait3A_84] : memref<10000x128xf32, #tpu.memory_space<hbm>> -> memref<10000x128xf32, #tpu.memory_space<hbm>>
    tpu.wait_indirect_dma semaphore(%arg12 : memref<!tpu.dma_semaphore, #tpu.memory_space<semaphore_mem>>) src(%dma_wait3A_85 : memref<10000x128xf32, #tpu.memory_space<hbm>>) dst(%arg10 : memref<80x128xf32, #tpu.memory_space<vmem>>)
    %dma_start3A_86 = arith.constant 123 : i32
    %dma_start3A_87 = arith.constant 0 : i32
    %dma_start3A_88 = tpu.memref_slice %arg8[%dma_start3A_86, %dma_start3A_87] : memref<125x80xi32, #tpu.memory_space<vmem>> -> memref<1x80xi32, #tpu.memory_space<vmem>>
    %dma_start3A_89 = tpu.memref_squeeze %dma_start3A_88 : memref<1x80xi32, #tpu.memory_space<vmem>> -> memref<80xi32, #tpu.memory_space<vmem>>
    %dma_start3A_90 = arith.constant 0 : i32
    %dma_start3A_91 = arith.constant 0 : i32
    %dma_start3A_92 = tpu.memref_slice %arg6[%dma_start3A_90, %dma_start3A_91] : memref<10240x128xf32, #tpu.memory_space<vmem_shared>> -> memref<10240x128xf32, #tpu.memory_space<vmem_shared>>
    tpu.enqueue_indirect_dma source(%arg10 : memref<80x128xf32, #tpu.memory_space<vmem>>) target(%dma_start3A_92 : memref<10240x128xf32, #tpu.memory_space<vmem_shared>>) offsets(%dma_start3A_89 : memref<80xi32, #tpu.memory_space<vmem>>) semaphore(%arg14 : memref<!tpu.dma_semaphore, #tpu.memory_space<semaphore_mem>>) {add = true}
    %dma_wait3A_93 = arith.constant 0 : i32
    %dma_wait3A_94 = arith.constant 0 : i32
    %dma_wait3A_95 = tpu.memref_slice %arg8[%dma_wait3A_93, %dma_wait3A_94] : memref<125x80xi32, #tpu.memory_space<vmem>> -> memref<1x80xi32, #tpu.memory_space<vmem>>
    %dma_wait3A_96 = tpu.memref_squeeze %dma_wait3A_95 : memref<1x80xi32, #tpu.memory_space<vmem>> -> memref<80xi32, #tpu.memory_space<vmem>>
    %dma_wait3A_97 = arith.constant 0 : i32
    %dma_wait3A_98 = arith.constant 0 : i32
    %dma_wait3A_99 = tpu.memref_slice %arg6[%dma_wait3A_97, %dma_wait3A_98] : memref<10240x128xf32, #tpu.memory_space<vmem_shared>> -> memref<10240x128xf32, #tpu.memory_space<vmem_shared>>
    tpu.wait_indirect_dma semaphore(%arg13 : memref<!tpu.dma_semaphore, #tpu.memory_space<semaphore_mem>>) src(%arg9 : memref<80x128xf32, #tpu.memory_space<vmem>>) dst(%dma_wait3A_99 : memref<10240x128xf32, #tpu.memory_space<vmem_shared>>)
    %multiple_of3A_100 = arith.constant 9920 : i32
    %multiple_of3A_101 = tpu.assume_multiple %multiple_of3A_100, 8 : i32
    %dma_start3A_102 = tpu.memref_slice %arg7[%multiple_of3A_101] : memref<10000xi32, #tpu.memory_space<vmem>> -> memref<80xi32, #tpu.memory_space<vmem>>
    %dma_start3A_103 = arith.constant 0 : i32
    %dma_start3A_104 = arith.constant 0 : i32
    %dma_start3A_105 = tpu.memref_slice %arg2[%dma_start3A_103, %dma_start3A_104] : memref<10000x128xf32, #tpu.memory_space<hbm>> -> memref<10000x128xf32, #tpu.memory_space<hbm>>
    tpu.enqueue_indirect_dma source(%dma_start3A_105 : memref<10000x128xf32, #tpu.memory_space<hbm>>) target(%arg9 : memref<80x128xf32, #tpu.memory_space<vmem>>) offsets(%dma_start3A_102 : memref<80xi32, #tpu.memory_space<vmem>>) semaphore(%arg11 : memref<!tpu.dma_semaphore, #tpu.memory_space<semaphore_mem>>)
    %multiple_of3A_106 = arith.constant 0 : i32
    %multiple_of3A_107 = tpu.assume_multiple %multiple_of3A_106, 8 : i32
    %dma_wait3A_108 = tpu.memref_slice %arg7[%multiple_of3A_107] : memref<10000xi32, #tpu.memory_space<vmem>> -> memref<80xi32, #tpu.memory_space<vmem>>
    %dma_wait3A_109 = arith.constant 0 : i32
    %dma_wait3A_110 = arith.constant 0 : i32
    %dma_wait3A_111 = tpu.memref_slice %arg2[%dma_wait3A_109, %dma_wait3A_110] : memref<10000x128xf32, #tpu.memory_space<hbm>> -> memref<10000x128xf32, #tpu.memory_space<hbm>>
    tpu.wait_indirect_dma semaphore(%arg11 : memref<!tpu.dma_semaphore, #tpu.memory_space<semaphore_mem>>) src(%dma_wait3A_111 : memref<10000x128xf32, #tpu.memory_space<hbm>>) dst(%arg9 : memref<80x128xf32, #tpu.memory_space<vmem>>)
    %dma_start3A_112 = arith.constant 124 : i32
    %dma_start3A_113 = arith.constant 0 : i32
    %dma_start3A_114 = tpu.memref_slice %arg8[%dma_start3A_112, %dma_start3A_113] : memref<125x80xi32, #tpu.memory_space<vmem>> -> memref<1x80xi32, #tpu.memory_space<vmem>>
    %dma_start3A_115 = tpu.memref_squeeze %dma_start3A_114 : memref<1x80xi32, #tpu.memory_space<vmem>> -> memref<80xi32, #tpu.memory_space<vmem>>
    %dma_start3A_116 = arith.constant 0 : i32
    %dma_start3A_117 = arith.constant 0 : i32
    %dma_start3A_118 = tpu.memref_slice %arg6[%dma_start3A_116, %dma_start3A_117] : memref<10240x128xf32, #tpu.memory_space<vmem_shared>> -> memref<10240x128xf32, #tpu.memory_space<vmem_shared>>
    tpu.enqueue_indirect_dma source(%arg9 : memref<80x128xf32, #tpu.memory_space<vmem>>) target(%dma_start3A_118 : memref<10240x128xf32, #tpu.memory_space<vmem_shared>>) offsets(%dma_start3A_115 : memref<80xi32, #tpu.memory_space<vmem>>) semaphore(%arg13 : memref<!tpu.dma_semaphore, #tpu.memory_space<semaphore_mem>>) {add = true}
    %dma_wait3A_119 = arith.constant 0 : i32
    %dma_wait3A_120 = arith.constant 0 : i32
    %dma_wait3A_121 = tpu.memref_slice %arg8[%dma_wait3A_119, %dma_wait3A_120] : memref<125x80xi32, #tpu.memory_space<vmem>> -> memref<1x80xi32, #tpu.memory_space<vmem>>
    %dma_wait3A_122 = tpu.memref_squeeze %dma_wait3A_121 : memref<1x80xi32, #tpu.memory_space<vmem>> -> memref<80xi32, #tpu.memory_space<vmem>>
    %dma_wait3A_123 = arith.constant 0 : i32
    %dma_wait3A_124 = arith.constant 0 : i32
    %dma_wait3A_125 = tpu.memref_slice %arg6[%dma_wait3A_123, %dma_wait3A_124] : memref<10240x128xf32, #tpu.memory_space<vmem_shared>> -> memref<10240x128xf32, #tpu.memory_space<vmem_shared>>
    tpu.wait_indirect_dma semaphore(%arg14 : memref<!tpu.dma_semaphore, #tpu.memory_space<semaphore_mem>>) src(%arg10 : memref<80x128xf32, #tpu.memory_space<vmem>>) dst(%dma_wait3A_125 : memref<10240x128xf32, #tpu.memory_space<vmem_shared>>)
    %dma_wait3A_126 = arith.constant 0 : i32
    %dma_wait3A_127 = arith.constant 0 : i32
    %dma_wait3A_128 = tpu.memref_slice %arg8[%dma_wait3A_126, %dma_wait3A_127] : memref<125x80xi32, #tpu.memory_space<vmem>> -> memref<1x80xi32, #tpu.memory_space<vmem>>
    %dma_wait3A_129 = tpu.memref_squeeze %dma_wait3A_128 : memref<1x80xi32, #tpu.memory_space<vmem>> -> memref<80xi32, #tpu.memory_space<vmem>>
    %dma_wait3A_130 = arith.constant 0 : i32
    %dma_wait3A_131 = arith.constant 0 : i32
    %dma_wait3A_132 = tpu.memref_slice %arg6[%dma_wait3A_130, %dma_wait3A_131] : memref<10240x128xf32, #tpu.memory_space<vmem_shared>> -> memref<10240x128xf32, #tpu.memory_space<vmem_shared>>
    tpu.wait_indirect_dma semaphore(%arg13 : memref<!tpu.dma_semaphore, #tpu.memory_space<semaphore_mem>>) src(%arg9 : memref<80x128xf32, #tpu.memory_space<vmem>>) dst(%dma_wait3A_132 : memref<10240x128xf32, #tpu.memory_space<vmem_shared>>)
    %barrier3A_133 = arith.constant 0 : index
    tpu.barrier barrier_id(%barrier3A_133)
    %mul3A_134 = arith.constant 10240 : i32
    %mul3A_135 = arith.muli %arg0, %mul3A_134 : i32
    %mul3A_136 = arith.constant 640 : i32
    %mul3A_137 = arith.muli %arg1, %mul3A_136 : i32
    %add3A_138 = arith.addi %mul3A_135, %mul3A_137 : i32
    %multiple_of3A_139 = tpu.assume_multiple %add3A_138, 8 : i32
    "tpu.region"() ({
      %run_scoped3A = tpu.sem_alloc : memref<!tpu.dma_semaphore, #tpu.memory_space<semaphore_mem>>
      %dma_start3A_140 = arith.constant 0 : i32
      %dma_start3A_141 = tpu.memref_slice %arg5[%multiple_of3A_139, %dma_start3A_140] : memref<20480x128xf32, #tpu.memory_space<hbm>> -> memref<640x128xf32, #tpu.memory_space<hbm>>
      %dma_start3A_142 = arith.constant 0 : i32
      %dma_start3A_143 = tpu.memref_slice %arg6[%multiple_of3A, %dma_start3A_142] : memref<10240x128xf32, #tpu.memory_space<vmem_shared>> -> memref<640x128xf32, #tpu.memory_space<vmem_shared>>
      tpu.enqueue_dma source(%dma_start3A_143 : memref<640x128xf32, #tpu.memory_space<vmem_shared>>) target(%dma_start3A_141 : memref<640x128xf32, #tpu.memory_space<hbm>>) target_semaphore(%run_scoped3A : memref<!tpu.dma_semaphore, #tpu.memory_space<semaphore_mem>>)
      %dma_wait3A_144 = arith.constant 0 : i32
      %dma_wait3A_145 = tpu.memref_slice %arg5[%multiple_of3A_139, %dma_wait3A_144] : memref<20480x128xf32, #tpu.memory_space<hbm>> -> memref<640x128xf32, #tpu.memory_space<hbm>>
      %dma_wait3A_146 = arith.constant 0 : i32
      %dma_wait3A_147 = tpu.memref_slice %arg6[%multiple_of3A, %dma_wait3A_146] : memref<10240x128xf32, #tpu.memory_space<vmem_shared>> -> memref<640x128xf32, #tpu.memory_space<vmem_shared>>
      tpu.wait_dma2 semaphore(%run_scoped3A : memref<!tpu.dma_semaphore, #tpu.memory_space<semaphore_mem>>) src(%dma_wait3A_147 : memref<640x128xf32, #tpu.memory_space<vmem_shared>>) dst(%dma_wait3A_145 : memref<640x128xf32, #tpu.memory_space<hbm>>)
      tpu.yield
    }) : () -> ()
    return
  }
}

#map = affine_map<(d0, d1) -> (0, 0)>
#map1 = affine_map<(d0, d1) -> (0)>
#map2 = affine_map<(d0, d1) -> (0, 0, 0)>
module attributes {stable_mosaic.version = 14 : i64} {
  func.func @_sc_agg_body(%arg0: i32, %arg1: i32, %arg2: memref<10000x128xf32, #tpu.memory_space<hbm>>, %arg3: memref<320000xi32, #tpu.memory_space<hbm>>, %arg4: memref<32x125x80xi32, #tpu.memory_space<hbm>>, %arg5: memref<20480x128xf32, #tpu.memory_space<hbm>>, %arg6: memref<10240x128xf32, #tpu.memory_space<vmem_shared>>, %arg7: memref<10000xi32, #tpu.memory_space<vmem>>, %arg8: memref<125x80xi32, #tpu.memory_space<vmem>>, %arg9: memref<80x128xf32, #tpu.memory_space<vmem>>, %arg10: memref<80x128xf32, #tpu.memory_space<vmem>>, %arg11: memref<!tpu.dma_semaphore, #tpu.memory_space<semaphore_mem>>, %arg12: memref<!tpu.dma_semaphore, #tpu.memory_space<semaphore_mem>>, %arg13: memref<!tpu.dma_semaphore, #tpu.memory_space<semaphore_mem>>, %arg14: memref<!tpu.dma_semaphore, #tpu.memory_space<semaphore_mem>>) attributes {dimension_semantics = [#tpu.dimension_semantics<core_parallel>, #tpu.dimension_semantics<subcore_parallel>], iteration_bounds = array<i64: 2, 16>, scalar_prefetch = 0 : i64, scratch_operands = 9 : i64, tpu.core_type = #tpu.core_type<sc_vector_subcore>, window_params = [{transform_indices = #map}, {transform_indices = #map1}, {transform_indices = #map2}, {transform_indices = #map}]} {
    %mul3A = arith.constant 2 : i32
    %mul3A_0 = arith.muli %arg1, %mul3A : i32
    %add3A = arith.addi %mul3A_0, %arg0 : i32
    %mul3A_1 = arith.constant 640 : i32
    %mul3A_2 = arith.muli %arg1, %mul3A_1 : i32
    %multiple_of3A = tpu.assume_multiple %mul3A_2, 8 : i32
    %broadcast_in_dim3A = arith.constant 0.000000e+00 : f32
    %broadcast_in_dim3A_3 = vector.broadcast %broadcast_in_dim3A : f32 to vector<16xf32>
    %scan3A = arith.constant 0 : i32
    %scan3A_4 = arith.constant 0 : i32
    %scan3A_5 = arith.constant 80 : i32
    %scan3A_6 = arith.addi %scan3A_4, %scan3A_5 : i32
    %scan3A_7 = arith.constant 1 : i32
    scf.for %scan3A_140 = %scan3A_4 to %scan3A_6 step %scan3A_7  : i32 {
      %swap3A = arith.index_cast %scan3A_140 : i32 to index
      %swap3A_141 = arith.constant 0 : index
      %swap3A_142 = tpu.vector_load %arg9[%swap3A, %swap3A_141] {strides = array<i32>} : memref<80x128xf32, #tpu.memory_space<vmem>>, vector<1x16xf32>,
      %swap3A_143 = vector.shape_cast %swap3A_142 : vector<1x16xf32> to vector<16xf32>
      %swap3A_144 = vector.shape_cast %broadcast_in_dim3A_3 : vector<16xf32> to vector<1x16xf32>
      tpu.vector_store %arg9[%swap3A, %swap3A_141], %swap3A_144 {strides = array<i32>} : memref<80x128xf32, #tpu.memory_space<vmem>>, vector<1x16xf32>,
      %swap3A_145 = arith.index_cast %scan3A_140 : i32 to index
      %swap3A_146 = arith.constant 16 : index
      %swap3A_147 = tpu.vector_load %arg9[%swap3A_145, %swap3A_146] {strides = array<i32>} : memref<80x128xf32, #tpu.memory_space<vmem>>, vector<1x16xf32>,
      %swap3A_148 = vector.shape_cast %swap3A_147 : vector<1x16xf32> to vector<16xf32>
      %swap3A_149 = vector.shape_cast %broadcast_in_dim3A_3 : vector<16xf32> to vector<1x16xf32>
      tpu.vector_store %arg9[%swap3A_145, %swap3A_146], %swap3A_149 {strides = array<i32>} : memref<80x128xf32, #tpu.memory_space<vmem>>, vector<1x16xf32>,
      %swap3A_150 = arith.index_cast %scan3A_140 : i32 to index
      %swap3A_151 = arith.constant 32 : index
      %swap3A_152 = tpu.vector_load %arg9[%swap3A_150, %swap3A_151] {strides = array<i32>} : memref<80x128xf32, #tpu.memory_space<vmem>>, vector<1x16xf32>,
      %swap3A_153 = vector.shape_cast %swap3A_152 : vector<1x16xf32> to vector<16xf32>
      %swap3A_154 = vector.shape_cast %broadcast_in_dim3A_3 : vector<16xf32> to vector<1x16xf32>
      tpu.vector_store %arg9[%swap3A_150, %swap3A_151], %swap3A_154 {strides = array<i32>} : memref<80x128xf32, #tpu.memory_space<vmem>>, vector<1x16xf32>,
      %swap3A_155 = arith.index_cast %scan3A_140 : i32 to index
      %swap3A_156 = arith.constant 48 : index
      %swap3A_157 = tpu.vector_load %arg9[%swap3A_155, %swap3A_156] {strides = array<i32>} : memref<80x128xf32, #tpu.memory_space<vmem>>, vector<1x16xf32>,
      %swap3A_158 = vector.shape_cast %swap3A_157 : vector<1x16xf32> to vector<16xf32>
      %swap3A_159 = vector.shape_cast %broadcast_in_dim3A_3 : vector<16xf32> to vector<1x16xf32>
      tpu.vector_store %arg9[%swap3A_155, %swap3A_156], %swap3A_159 {strides = array<i32>} : memref<80x128xf32, #tpu.memory_space<vmem>>, vector<1x16xf32>,
      %swap3A_160 = arith.index_cast %scan3A_140 : i32 to index
      %swap3A_161 = arith.constant 64 : index
      %swap3A_162 = tpu.vector_load %arg9[%swap3A_160, %swap3A_161] {strides = array<i32>} : memref<80x128xf32, #tpu.memory_space<vmem>>, vector<1x16xf32>,
      %swap3A_163 = vector.shape_cast %swap3A_162 : vector<1x16xf32> to vector<16xf32>
      %swap3A_164 = vector.shape_cast %broadcast_in_dim3A_3 : vector<16xf32> to vector<1x16xf32>
      tpu.vector_store %arg9[%swap3A_160, %swap3A_161], %swap3A_164 {strides = array<i32>} : memref<80x128xf32, #tpu.memory_space<vmem>>, vector<1x16xf32>,
      %swap3A_165 = arith.index_cast %scan3A_140 : i32 to index
      %swap3A_166 = arith.constant 80 : index
      %swap3A_167 = tpu.vector_load %arg9[%swap3A_165, %swap3A_166] {strides = array<i32>} : memref<80x128xf32, #tpu.memory_space<vmem>>, vector<1x16xf32>,
      %swap3A_168 = vector.shape_cast %swap3A_167 : vector<1x16xf32> to vector<16xf32>
      %swap3A_169 = vector.shape_cast %broadcast_in_dim3A_3 : vector<16xf32> to vector<1x16xf32>
      tpu.vector_store %arg9[%swap3A_165, %swap3A_166], %swap3A_169 {strides = array<i32>} : memref<80x128xf32, #tpu.memory_space<vmem>>, vector<1x16xf32>,
      %swap3A_170 = arith.index_cast %scan3A_140 : i32 to index
      %swap3A_171 = arith.constant 96 : index
      %swap3A_172 = tpu.vector_load %arg9[%swap3A_170, %swap3A_171] {strides = array<i32>} : memref<80x128xf32, #tpu.memory_space<vmem>>, vector<1x16xf32>,
      %swap3A_173 = vector.shape_cast %swap3A_172 : vector<1x16xf32> to vector<16xf32>
      %swap3A_174 = vector.shape_cast %broadcast_in_dim3A_3 : vector<16xf32> to vector<1x16xf32>
      tpu.vector_store %arg9[%swap3A_170, %swap3A_171], %swap3A_174 {strides = array<i32>} : memref<80x128xf32, #tpu.memory_space<vmem>>, vector<1x16xf32>,
      %swap3A_175 = arith.index_cast %scan3A_140 : i32 to index
      %swap3A_176 = arith.constant 112 : index
      %swap3A_177 = tpu.vector_load %arg9[%swap3A_175, %swap3A_176] {strides = array<i32>} : memref<80x128xf32, #tpu.memory_space<vmem>>, vector<1x16xf32>,
      %swap3A_178 = vector.shape_cast %swap3A_177 : vector<1x16xf32> to vector<16xf32>
      %swap3A_179 = vector.shape_cast %broadcast_in_dim3A_3 : vector<16xf32> to vector<1x16xf32>
      tpu.vector_store %arg9[%swap3A_175, %swap3A_176], %swap3A_179 {strides = array<i32>} : memref<80x128xf32, #tpu.memory_space<vmem>>, vector<1x16xf32>,
    }
    %scan3A_8 = arith.constant 80 : i32
    %mul3A_9 = arith.constant 640 : i32
    %mul3A_10 = arith.muli %arg1, %mul3A_9 : i32
    %add3A_11 = arith.constant 0 : i32
    %add3A_12 = arith.addi %mul3A_10, %add3A_11 : i32
    %multiple_of3A_13 = tpu.assume_multiple %add3A_12, 8 : i32
    "tpu.region"() ({
      %run_scoped3A = tpu.sem_alloc : memref<!tpu.dma_semaphore, #tpu.memory_space<semaphore_mem>>
      %dma_start3A_140 = arith.constant 0 : i32
      %dma_start3A_141 = tpu.memref_slice %arg6[%multiple_of3A_13, %dma_start3A_140] : memref<10240x128xf32, #tpu.memory_space<vmem_shared>> -> memref<80x128xf32, #tpu.memory_space<vmem_shared>>
      %dma_start3A_142 = arith.constant 0 : i32
      %dma_start3A_143 = tpu.memref_slice %arg6[%multiple_of3A_13, %dma_start3A_142] : memref<10240x128xf32, #tpu.memory_space<vmem_shared>> -> memref<80x128xf32, #tpu.memory_space<vmem_shared>>
      tpu.enqueue_dma source(%arg9 : memref<80x128xf32, #tpu.memory_space<vmem>>) target(%dma_start3A_143 : memref<80x128xf32, #tpu.memory_space<vmem_shared>>) target_semaphore(%run_scoped3A : memref<!tpu.dma_semaphore, #tpu.memory_space<semaphore_mem>>)
      %dma_wait3A_144 = arith.constant 0 : i32
      %dma_wait3A_145 = tpu.memref_slice %arg6[%multiple_of3A_13, %dma_wait3A_144] : memref<10240x128xf32, #tpu.memory_space<vmem_shared>> -> memref<80x128xf32, #tpu.memory_space<vmem_shared>>
      %dma_wait3A_146 = arith.constant 0 : i32
      %dma_wait3A_147 = tpu.memref_slice %arg6[%multiple_of3A_13, %dma_wait3A_146] : memref<10240x128xf32, #tpu.memory_space<vmem_shared>> -> memref<80x128xf32, #tpu.memory_space<vmem_shared>>
      tpu.wait_dma2 semaphore(%run_scoped3A : memref<!tpu.dma_semaphore, #tpu.memory_space<semaphore_mem>>) src(%arg9 : memref<80x128xf32, #tpu.memory_space<vmem>>) dst(%dma_wait3A_147 : memref<80x128xf32, #tpu.memory_space<vmem_shared>>)
      tpu.yield
    }) : () -> ()
    %mul3A_14 = arith.constant 640 : i32
    %mul3A_15 = arith.muli %arg1, %mul3A_14 : i32
    %add3A_16 = arith.constant 80 : i32
    %add3A_17 = arith.addi %mul3A_15, %add3A_16 : i32
    %multiple_of3A_18 = tpu.assume_multiple %add3A_17, 8 : i32
    "tpu.region"() ({
      %run_scoped3A = tpu.sem_alloc : memref<!tpu.dma_semaphore, #tpu.memory_space<semaphore_mem>>
      %dma_start3A_140 = arith.constant 0 : i32
      %dma_start3A_141 = tpu.memref_slice %arg6[%multiple_of3A_18, %dma_start3A_140] : memref<10240x128xf32, #tpu.memory_space<vmem_shared>> -> memref<80x128xf32, #tpu.memory_space<vmem_shared>>
      %dma_start3A_142 = arith.constant 0 : i32
      %dma_start3A_143 = tpu.memref_slice %arg6[%multiple_of3A_18, %dma_start3A_142] : memref<10240x128xf32, #tpu.memory_space<vmem_shared>> -> memref<80x128xf32, #tpu.memory_space<vmem_shared>>
      tpu.enqueue_dma source(%arg9 : memref<80x128xf32, #tpu.memory_space<vmem>>) target(%dma_start3A_143 : memref<80x128xf32, #tpu.memory_space<vmem_shared>>) target_semaphore(%run_scoped3A : memref<!tpu.dma_semaphore, #tpu.memory_space<semaphore_mem>>)
      %dma_wait3A_144 = arith.constant 0 : i32
      %dma_wait3A_145 = tpu.memref_slice %arg6[%multiple_of3A_18, %dma_wait3A_144] : memref<10240x128xf32, #tpu.memory_space<vmem_shared>> -> memref<80x128xf32, #tpu.memory_space<vmem_shared>>
      %dma_wait3A_146 = arith.constant 0 : i32
      %dma_wait3A_147 = tpu.memref_slice %arg6[%multiple_of3A_18, %dma_wait3A_146] : memref<10240x128xf32, #tpu.memory_space<vmem_shared>> -> memref<80x128xf32, #tpu.memory_space<vmem_shared>>
      tpu.wait_dma2 semaphore(%run_scoped3A : memref<!tpu.dma_semaphore, #tpu.memory_space<semaphore_mem>>) src(%arg9 : memref<80x128xf32, #tpu.memory_space<vmem>>) dst(%dma_wait3A_147 : memref<80x128xf32, #tpu.memory_space<vmem_shared>>)
      tpu.yield
    }) : () -> ()
    %mul3A_19 = arith.constant 640 : i32
    %mul3A_20 = arith.muli %arg1, %mul3A_19 : i32
    %add3A_21 = arith.constant 160 : i32
    %add3A_22 = arith.addi %mul3A_20, %add3A_21 : i32
    %multiple_of3A_23 = tpu.assume_multiple %add3A_22, 8 : i32
    "tpu.region"() ({
      %run_scoped3A = tpu.sem_alloc : memref<!tpu.dma_semaphore, #tpu.memory_space<semaphore_mem>>
      %dma_start3A_140 = arith.constant 0 : i32
      %dma_start3A_141 = tpu.memref_slice %arg6[%multiple_of3A_23, %dma_start3A_140] : memref<10240x128xf32, #tpu.memory_space<vmem_shared>> -> memref<80x128xf32, #tpu.memory_space<vmem_shared>>
      %dma_start3A_142 = arith.constant 0 : i32
      %dma_start3A_143 = tpu.memref_slice %arg6[%multiple_of3A_23, %dma_start3A_142] : memref<10240x128xf32, #tpu.memory_space<vmem_shared>> -> memref<80x128xf32, #tpu.memory_space<vmem_shared>>
      tpu.enqueue_dma source(%arg9 : memref<80x128xf32, #tpu.memory_space<vmem>>) target(%dma_start3A_143 : memref<80x128xf32, #tpu.memory_space<vmem_shared>>) target_semaphore(%run_scoped3A : memref<!tpu.dma_semaphore, #tpu.memory_space<semaphore_mem>>)
      %dma_wait3A_144 = arith.constant 0 : i32
      %dma_wait3A_145 = tpu.memref_slice %arg6[%multiple_of3A_23, %dma_wait3A_144] : memref<10240x128xf32, #tpu.memory_space<vmem_shared>> -> memref<80x128xf32, #tpu.memory_space<vmem_shared>>
      %dma_wait3A_146 = arith.constant 0 : i32
      %dma_wait3A_147 = tpu.memref_slice %arg6[%multiple_of3A_23, %dma_wait3A_146] : memref<10240x128xf32, #tpu.memory_space<vmem_shared>> -> memref<80x128xf32, #tpu.memory_space<vmem_shared>>
      tpu.wait_dma2 semaphore(%run_scoped3A : memref<!tpu.dma_semaphore, #tpu.memory_space<semaphore_mem>>) src(%arg9 : memref<80x128xf32, #tpu.memory_space<vmem>>) dst(%dma_wait3A_147 : memref<80x128xf32, #tpu.memory_space<vmem_shared>>)
      tpu.yield
    }) : () -> ()
    %mul3A_24 = arith.constant 640 : i32
    %mul3A_25 = arith.muli %arg1, %mul3A_24 : i32
    %add3A_26 = arith.constant 240 : i32
    %add3A_27 = arith.addi %mul3A_25, %add3A_26 : i32
    %multiple_of3A_28 = tpu.assume_multiple %add3A_27, 8 : i32
    "tpu.region"() ({
      %run_scoped3A = tpu.sem_alloc : memref<!tpu.dma_semaphore, #tpu.memory_space<semaphore_mem>>
      %dma_start3A_140 = arith.constant 0 : i32
      %dma_start3A_141 = tpu.memref_slice %arg6[%multiple_of3A_28, %dma_start3A_140] : memref<10240x128xf32, #tpu.memory_space<vmem_shared>> -> memref<80x128xf32, #tpu.memory_space<vmem_shared>>
      %dma_start3A_142 = arith.constant 0 : i32
      %dma_start3A_143 = tpu.memref_slice %arg6[%multiple_of3A_28, %dma_start3A_142] : memref<10240x128xf32, #tpu.memory_space<vmem_shared>> -> memref<80x128xf32, #tpu.memory_space<vmem_shared>>
      tpu.enqueue_dma source(%arg9 : memref<80x128xf32, #tpu.memory_space<vmem>>) target(%dma_start3A_143 : memref<80x128xf32, #tpu.memory_space<vmem_shared>>) target_semaphore(%run_scoped3A : memref<!tpu.dma_semaphore, #tpu.memory_space<semaphore_mem>>)
      %dma_wait3A_144 = arith.constant 0 : i32
      %dma_wait3A_145 = tpu.memref_slice %arg6[%multiple_of3A_28, %dma_wait3A_144] : memref<10240x128xf32, #tpu.memory_space<vmem_shared>> -> memref<80x128xf32, #tpu.memory_space<vmem_shared>>
      %dma_wait3A_146 = arith.constant 0 : i32
      %dma_wait3A_147 = tpu.memref_slice %arg6[%multiple_of3A_28, %dma_wait3A_146] : memref<10240x128xf32, #tpu.memory_space<vmem_shared>> -> memref<80x128xf32, #tpu.memory_space<vmem_shared>>
      tpu.wait_dma2 semaphore(%run_scoped3A : memref<!tpu.dma_semaphore, #tpu.memory_space<semaphore_mem>>) src(%arg9 : memref<80x128xf32, #tpu.memory_space<vmem>>) dst(%dma_wait3A_147 : memref<80x128xf32, #tpu.memory_space<vmem_shared>>)
      tpu.yield
    }) : () -> ()
    %mul3A_29 = arith.constant 640 : i32
    %mul3A_30 = arith.muli %arg1, %mul3A_29 : i32
    %add3A_31 = arith.constant 320 : i32
    %add3A_32 = arith.addi %mul3A_30, %add3A_31 : i32
    %multiple_of3A_33 = tpu.assume_multiple %add3A_32, 8 : i32
    "tpu.region"() ({
      %run_scoped3A = tpu.sem_alloc : memref<!tpu.dma_semaphore, #tpu.memory_space<semaphore_mem>>
      %dma_start3A_140 = arith.constant 0 : i32
      %dma_start3A_141 = tpu.memref_slice %arg6[%multiple_of3A_33, %dma_start3A_140] : memref<10240x128xf32, #tpu.memory_space<vmem_shared>> -> memref<80x128xf32, #tpu.memory_space<vmem_shared>>
      %dma_start3A_142 = arith.constant 0 : i32
      %dma_start3A_143 = tpu.memref_slice %arg6[%multiple_of3A_33, %dma_start3A_142] : memref<10240x128xf32, #tpu.memory_space<vmem_shared>> -> memref<80x128xf32, #tpu.memory_space<vmem_shared>>
      tpu.enqueue_dma source(%arg9 : memref<80x128xf32, #tpu.memory_space<vmem>>) target(%dma_start3A_143 : memref<80x128xf32, #tpu.memory_space<vmem_shared>>) target_semaphore(%run_scoped3A : memref<!tpu.dma_semaphore, #tpu.memory_space<semaphore_mem>>)
      %dma_wait3A_144 = arith.constant 0 : i32
      %dma_wait3A_145 = tpu.memref_slice %arg6[%multiple_of3A_33, %dma_wait3A_144] : memref<10240x128xf32, #tpu.memory_space<vmem_shared>> -> memref<80x128xf32, #tpu.memory_space<vmem_shared>>
      %dma_wait3A_146 = arith.constant 0 : i32
      %dma_wait3A_147 = tpu.memref_slice %arg6[%multiple_of3A_33, %dma_wait3A_146] : memref<10240x128xf32, #tpu.memory_space<vmem_shared>> -> memref<80x128xf32, #tpu.memory_space<vmem_shared>>
      tpu.wait_dma2 semaphore(%run_scoped3A : memref<!tpu.dma_semaphore, #tpu.memory_space<semaphore_mem>>) src(%arg9 : memref<80x128xf32, #tpu.memory_space<vmem>>) dst(%dma_wait3A_147 : memref<80x128xf32, #tpu.memory_space<vmem_shared>>)
      tpu.yield
    }) : () -> ()
    %mul3A_34 = arith.constant 640 : i32
    %mul3A_35 = arith.muli %arg1, %mul3A_34 : i32
    %add3A_36 = arith.constant 400 : i32
    %add3A_37 = arith.addi %mul3A_35, %add3A_36 : i32
    %multiple_of3A_38 = tpu.assume_multiple %add3A_37, 8 : i32
    "tpu.region"() ({
      %run_scoped3A = tpu.sem_alloc : memref<!tpu.dma_semaphore, #tpu.memory_space<semaphore_mem>>
      %dma_start3A_140 = arith.constant 0 : i32
      %dma_start3A_141 = tpu.memref_slice %arg6[%multiple_of3A_38, %dma_start3A_140] : memref<10240x128xf32, #tpu.memory_space<vmem_shared>> -> memref<80x128xf32, #tpu.memory_space<vmem_shared>>
      %dma_start3A_142 = arith.constant 0 : i32
      %dma_start3A_143 = tpu.memref_slice %arg6[%multiple_of3A_38, %dma_start3A_142] : memref<10240x128xf32, #tpu.memory_space<vmem_shared>> -> memref<80x128xf32, #tpu.memory_space<vmem_shared>>
      tpu.enqueue_dma source(%arg9 : memref<80x128xf32, #tpu.memory_space<vmem>>) target(%dma_start3A_143 : memref<80x128xf32, #tpu.memory_space<vmem_shared>>) target_semaphore(%run_scoped3A : memref<!tpu.dma_semaphore, #tpu.memory_space<semaphore_mem>>)
      %dma_wait3A_144 = arith.constant 0 : i32
      %dma_wait3A_145 = tpu.memref_slice %arg6[%multiple_of3A_38, %dma_wait3A_144] : memref<10240x128xf32, #tpu.memory_space<vmem_shared>> -> memref<80x128xf32, #tpu.memory_space<vmem_shared>>
      %dma_wait3A_146 = arith.constant 0 : i32
      %dma_wait3A_147 = tpu.memref_slice %arg6[%multiple_of3A_38, %dma_wait3A_146] : memref<10240x128xf32, #tpu.memory_space<vmem_shared>> -> memref<80x128xf32, #tpu.memory_space<vmem_shared>>
      tpu.wait_dma2 semaphore(%run_scoped3A : memref<!tpu.dma_semaphore, #tpu.memory_space<semaphore_mem>>) src(%arg9 : memref<80x128xf32, #tpu.memory_space<vmem>>) dst(%dma_wait3A_147 : memref<80x128xf32, #tpu.memory_space<vmem_shared>>)
      tpu.yield
    }) : () -> ()
    %mul3A_39 = arith.constant 640 : i32
    %mul3A_40 = arith.muli %arg1, %mul3A_39 : i32
    %add3A_41 = arith.constant 480 : i32
    %add3A_42 = arith.addi %mul3A_40, %add3A_41 : i32
    %multiple_of3A_43 = tpu.assume_multiple %add3A_42, 8 : i32
    "tpu.region"() ({
      %run_scoped3A = tpu.sem_alloc : memref<!tpu.dma_semaphore, #tpu.memory_space<semaphore_mem>>
      %dma_start3A_140 = arith.constant 0 : i32
      %dma_start3A_141 = tpu.memref_slice %arg6[%multiple_of3A_43, %dma_start3A_140] : memref<10240x128xf32, #tpu.memory_space<vmem_shared>> -> memref<80x128xf32, #tpu.memory_space<vmem_shared>>
      %dma_start3A_142 = arith.constant 0 : i32
      %dma_start3A_143 = tpu.memref_slice %arg6[%multiple_of3A_43, %dma_start3A_142] : memref<10240x128xf32, #tpu.memory_space<vmem_shared>> -> memref<80x128xf32, #tpu.memory_space<vmem_shared>>
      tpu.enqueue_dma source(%arg9 : memref<80x128xf32, #tpu.memory_space<vmem>>) target(%dma_start3A_143 : memref<80x128xf32, #tpu.memory_space<vmem_shared>>) target_semaphore(%run_scoped3A : memref<!tpu.dma_semaphore, #tpu.memory_space<semaphore_mem>>)
      %dma_wait3A_144 = arith.constant 0 : i32
      %dma_wait3A_145 = tpu.memref_slice %arg6[%multiple_of3A_43, %dma_wait3A_144] : memref<10240x128xf32, #tpu.memory_space<vmem_shared>> -> memref<80x128xf32, #tpu.memory_space<vmem_shared>>
      %dma_wait3A_146 = arith.constant 0 : i32
      %dma_wait3A_147 = tpu.memref_slice %arg6[%multiple_of3A_43, %dma_wait3A_146] : memref<10240x128xf32, #tpu.memory_space<vmem_shared>> -> memref<80x128xf32, #tpu.memory_space<vmem_shared>>
      tpu.wait_dma2 semaphore(%run_scoped3A : memref<!tpu.dma_semaphore, #tpu.memory_space<semaphore_mem>>) src(%arg9 : memref<80x128xf32, #tpu.memory_space<vmem>>) dst(%dma_wait3A_147 : memref<80x128xf32, #tpu.memory_space<vmem_shared>>)
      tpu.yield
    }) : () -> ()
    %mul3A_44 = arith.constant 640 : i32
    %mul3A_45 = arith.muli %arg1, %mul3A_44 : i32
    %add3A_46 = arith.constant 560 : i32
    %add3A_47 = arith.addi %mul3A_45, %add3A_46 : i32
    %multiple_of3A_48 = tpu.assume_multiple %add3A_47, 8 : i32
    "tpu.region"() ({
      %run_scoped3A = tpu.sem_alloc : memref<!tpu.dma_semaphore, #tpu.memory_space<semaphore_mem>>
      %dma_start3A_140 = arith.constant 0 : i32
      %dma_start3A_141 = tpu.memref_slice %arg6[%multiple_of3A_48, %dma_start3A_140] : memref<10240x128xf32, #tpu.memory_space<vmem_shared>> -> memref<80x128xf32, #tpu.memory_space<vmem_shared>>
      %dma_start3A_142 = arith.constant 0 : i32
      %dma_start3A_143 = tpu.memref_slice %arg6[%multiple_of3A_48, %dma_start3A_142] : memref<10240x128xf32, #tpu.memory_space<vmem_shared>> -> memref<80x128xf32, #tpu.memory_space<vmem_shared>>
      tpu.enqueue_dma source(%arg9 : memref<80x128xf32, #tpu.memory_space<vmem>>) target(%dma_start3A_143 : memref<80x128xf32, #tpu.memory_space<vmem_shared>>) target_semaphore(%run_scoped3A : memref<!tpu.dma_semaphore, #tpu.memory_space<semaphore_mem>>)
      %dma_wait3A_144 = arith.constant 0 : i32
      %dma_wait3A_145 = tpu.memref_slice %arg6[%multiple_of3A_48, %dma_wait3A_144] : memref<10240x128xf32, #tpu.memory_space<vmem_shared>> -> memref<80x128xf32, #tpu.memory_space<vmem_shared>>
      %dma_wait3A_146 = arith.constant 0 : i32
      %dma_wait3A_147 = tpu.memref_slice %arg6[%multiple_of3A_48, %dma_wait3A_146] : memref<10240x128xf32, #tpu.memory_space<vmem_shared>> -> memref<80x128xf32, #tpu.memory_space<vmem_shared>>
      tpu.wait_dma2 semaphore(%run_scoped3A : memref<!tpu.dma_semaphore, #tpu.memory_space<semaphore_mem>>) src(%arg9 : memref<80x128xf32, #tpu.memory_space<vmem>>) dst(%dma_wait3A_147 : memref<80x128xf32, #tpu.memory_space<vmem_shared>>)
      tpu.yield
    }) : () -> ()
    %mul3A_49 = arith.constant 10000 : i32
    %mul3A_50 = arith.muli %add3A, %mul3A_49 : i32
    "tpu.region"() ({
      %run_scoped3A = tpu.sem_alloc : memref<!tpu.dma_semaphore, #tpu.memory_space<semaphore_mem>>
      %dma_start3A_140 = tpu.memref_slice %arg3[%mul3A_50] : memref<320000xi32, #tpu.memory_space<hbm>> -> memref<10000xi32, #tpu.memory_space<hbm>>
      %dma_start3A_141 = tpu.memref_slice %arg3[%mul3A_50] : memref<320000xi32, #tpu.memory_space<hbm>> -> memref<10000xi32, #tpu.memory_space<hbm>>
      tpu.enqueue_dma source(%dma_start3A_141 : memref<10000xi32, #tpu.memory_space<hbm>>) target(%arg7 : memref<10000xi32, #tpu.memory_space<vmem>>) target_semaphore(%run_scoped3A : memref<!tpu.dma_semaphore, #tpu.memory_space<semaphore_mem>>)
      %dma_wait3A_142 = tpu.memref_slice %arg3[%mul3A_50] : memref<320000xi32, #tpu.memory_space<hbm>> -> memref<10000xi32, #tpu.memory_space<hbm>>
      %dma_wait3A_143 = tpu.memref_slice %arg3[%mul3A_50] : memref<320000xi32, #tpu.memory_space<hbm>> -> memref<10000xi32, #tpu.memory_space<hbm>>
      tpu.wait_dma2 semaphore(%run_scoped3A : memref<!tpu.dma_semaphore, #tpu.memory_space<semaphore_mem>>) src(%dma_wait3A_143 : memref<10000xi32, #tpu.memory_space<hbm>>) dst(%arg7 : memref<10000xi32, #tpu.memory_space<vmem>>)
      tpu.yield
    }) : () -> ()
    "tpu.region"() ({
      %run_scoped3A = tpu.sem_alloc : memref<!tpu.dma_semaphore, #tpu.memory_space<semaphore_mem>>
      %dma_start3A_140 = arith.constant 0 : i32
      %dma_start3A_141 = arith.constant 0 : i32
      %dma_start3A_142 = tpu.memref_slice %arg4[%add3A, %dma_start3A_140, %dma_start3A_141] : memref<32x125x80xi32, #tpu.memory_space<hbm>> -> memref<1x125x80xi32, #tpu.memory_space<hbm>>
      %dma_start3A_143 = tpu.memref_squeeze %dma_start3A_142 : memref<1x125x80xi32, #tpu.memory_space<hbm>> -> memref<125x80xi32, #tpu.memory_space<hbm>>
      %dma_start3A_144 = arith.constant 0 : i32
      %dma_start3A_145 = arith.constant 0 : i32
      %dma_start3A_146 = tpu.memref_slice %arg4[%add3A, %dma_start3A_144, %dma_start3A_145] : memref<32x125x80xi32, #tpu.memory_space<hbm>> -> memref<1x125x80xi32, #tpu.memory_space<hbm>>
      %dma_start3A_147 = tpu.memref_squeeze %dma_start3A_146 : memref<1x125x80xi32, #tpu.memory_space<hbm>> -> memref<125x80xi32, #tpu.memory_space<hbm>>
      tpu.enqueue_dma source(%dma_start3A_147 : memref<125x80xi32, #tpu.memory_space<hbm>>) target(%arg8 : memref<125x80xi32, #tpu.memory_space<vmem>>) target_semaphore(%run_scoped3A : memref<!tpu.dma_semaphore, #tpu.memory_space<semaphore_mem>>)
      %dma_wait3A_148 = arith.constant 0 : i32
      %dma_wait3A_149 = arith.constant 0 : i32
      %dma_wait3A_150 = tpu.memref_slice %arg4[%add3A, %dma_wait3A_148, %dma_wait3A_149] : memref<32x125x80xi32, #tpu.memory_space<hbm>> -> memref<1x125x80xi32, #tpu.memory_space<hbm>>
      %dma_wait3A_151 = tpu.memref_squeeze %dma_wait3A_150 : memref<1x125x80xi32, #tpu.memory_space<hbm>> -> memref<125x80xi32, #tpu.memory_space<hbm>>
      %dma_wait3A_152 = arith.constant 0 : i32
      %dma_wait3A_153 = arith.constant 0 : i32
      %dma_wait3A_154 = tpu.memref_slice %arg4[%add3A, %dma_wait3A_152, %dma_wait3A_153] : memref<32x125x80xi32, #tpu.memory_space<hbm>> -> memref<1x125x80xi32, #tpu.memory_space<hbm>>
      %dma_wait3A_155 = tpu.memref_squeeze %dma_wait3A_154 : memref<1x125x80xi32, #tpu.memory_space<hbm>> -> memref<125x80xi32, #tpu.memory_space<hbm>>
      tpu.wait_dma2 semaphore(%run_scoped3A : memref<!tpu.dma_semaphore, #tpu.memory_space<semaphore_mem>>) src(%dma_wait3A_155 : memref<125x80xi32, #tpu.memory_space<hbm>>) dst(%arg8 : memref<125x80xi32, #tpu.memory_space<vmem>>)
      tpu.yield
    }) : () -> ()
    %barrier3A = arith.constant 0 : index
    tpu.barrier barrier_id(%barrier3A)
    %multiple_of3A_51 = arith.constant 0 : i32
    %multiple_of3A_52 = tpu.assume_multiple %multiple_of3A_51, 8 : i32
    %dma_start3A = tpu.memref_slice %arg7[%multiple_of3A_52] : memref<10000xi32, #tpu.memory_space<vmem>> -> memref<80xi32, #tpu.memory_space<vmem>>
    %dma_start3A_53 = arith.constant 0 : i32
    %dma_start3A_54 = arith.constant 0 : i32
    %dma_start3A_55 = tpu.memref_slice %arg2[%dma_start3A_53, %dma_start3A_54] : memref<10000x128xf32, #tpu.memory_space<hbm>> -> memref<10000x128xf32, #tpu.memory_space<hbm>>
    tpu.enqueue_indirect_dma source(%dma_start3A_55 : memref<10000x128xf32, #tpu.memory_space<hbm>>) target(%arg9 : memref<80x128xf32, #tpu.memory_space<vmem>>) offsets(%dma_start3A : memref<80xi32, #tpu.memory_space<vmem>>) semaphore(%arg11 : memref<!tpu.dma_semaphore, #tpu.memory_space<semaphore_mem>>)
    %multiple_of3A_56 = arith.constant 0 : i32
    %multiple_of3A_57 = tpu.assume_multiple %multiple_of3A_56, 8 : i32
    %dma_wait3A = tpu.memref_slice %arg7[%multiple_of3A_57] : memref<10000xi32, #tpu.memory_space<vmem>> -> memref<80xi32, #tpu.memory_space<vmem>>
    %dma_wait3A_58 = arith.constant 0 : i32
    %dma_wait3A_59 = arith.constant 0 : i32
    %dma_wait3A_60 = tpu.memref_slice %arg2[%dma_wait3A_58, %dma_wait3A_59] : memref<10000x128xf32, #tpu.memory_space<hbm>> -> memref<10000x128xf32, #tpu.memory_space<hbm>>
    tpu.wait_indirect_dma semaphore(%arg11 : memref<!tpu.dma_semaphore, #tpu.memory_space<semaphore_mem>>) src(%dma_wait3A_60 : memref<10000x128xf32, #tpu.memory_space<hbm>>) dst(%arg9 : memref<80x128xf32, #tpu.memory_space<vmem>>)
    %dma_start3A_61 = arith.constant 0 : i32
    %dma_start3A_62 = arith.constant 0 : i32
    %dma_start3A_63 = tpu.memref_slice %arg8[%dma_start3A_61, %dma_start3A_62] : memref<125x80xi32, #tpu.memory_space<vmem>> -> memref<1x80xi32, #tpu.memory_space<vmem>>
    %dma_start3A_64 = tpu.memref_squeeze %dma_start3A_63 : memref<1x80xi32, #tpu.memory_space<vmem>> -> memref<80xi32, #tpu.memory_space<vmem>>
    %dma_start3A_65 = arith.constant 0 : i32
    %dma_start3A_66 = arith.constant 0 : i32
    %dma_start3A_67 = tpu.memref_slice %arg6[%dma_start3A_65, %dma_start3A_66] : memref<10240x128xf32, #tpu.memory_space<vmem_shared>> -> memref<10240x128xf32, #tpu.memory_space<vmem_shared>>
    tpu.enqueue_indirect_dma source(%arg9 : memref<80x128xf32, #tpu.memory_space<vmem>>) target(%dma_start3A_67 : memref<10240x128xf32, #tpu.memory_space<vmem_shared>>) offsets(%dma_start3A_64 : memref<80xi32, #tpu.memory_space<vmem>>) semaphore(%arg13 : memref<!tpu.dma_semaphore, #tpu.memory_space<semaphore_mem>>) {add = true}
    %multiple_of3A_68 = arith.constant 80 : i32
    %multiple_of3A_69 = tpu.assume_multiple %multiple_of3A_68, 8 : i32
    %dma_start3A_70 = tpu.memref_slice %arg7[%multiple_of3A_69] : memref<10000xi32, #tpu.memory_space<vmem>> -> memref<80xi32, #tpu.memory_space<vmem>>
    %dma_start3A_71 = arith.constant 0 : i32
    %dma_start3A_72 = arith.constant 0 : i32
    %dma_start3A_73 = tpu.memref_slice %arg2[%dma_start3A_71, %dma_start3A_72] : memref<10000x128xf32, #tpu.memory_space<hbm>> -> memref<10000x128xf32, #tpu.memory_space<hbm>>
    tpu.enqueue_indirect_dma source(%dma_start3A_73 : memref<10000x128xf32, #tpu.memory_space<hbm>>) target(%arg10 : memref<80x128xf32, #tpu.memory_space<vmem>>) offsets(%dma_start3A_70 : memref<80xi32, #tpu.memory_space<vmem>>) semaphore(%arg12 : memref<!tpu.dma_semaphore, #tpu.memory_space<semaphore_mem>>)
    %scan3A_74 = arith.constant 0 : i32
    %scan3A_75 = arith.constant 0 : i32
    %scan3A_76 = arith.constant 61 : i32
    %scan3A_77 = arith.addi %scan3A_75, %scan3A_76 : i32
    %scan3A_78 = arith.constant 1 : i32
    scf.for %scan3A_140 = %scan3A_75 to %scan3A_77 step %scan3A_78  : i32 {
      %mul3A_141 = arith.constant 2 : i32
      %mul3A_142 = arith.muli %mul3A_141, %scan3A_140 : i32
      %add3A_143 = arith.constant 1 : i32
      %add3A_144 = arith.addi %mul3A_142, %add3A_143 : i32
      %multiple_of3A_145 = arith.constant 0 : i32
      %multiple_of3A_146 = tpu.assume_multiple %multiple_of3A_145, 8 : i32
      %dma_wait3A_147 = tpu.memref_slice %arg7[%multiple_of3A_146] : memref<10000xi32, #tpu.memory_space<vmem>> -> memref<80xi32, #tpu.memory_space<vmem>>
      %dma_wait3A_148 = arith.constant 0 : i32
      %dma_wait3A_149 = arith.constant 0 : i32
      %dma_wait3A_150 = tpu.memref_slice %arg2[%dma_wait3A_148, %dma_wait3A_149] : memref<10000x128xf32, #tpu.memory_space<hbm>> -> memref<10000x128xf32, #tpu.memory_space<hbm>>
      tpu.wait_indirect_dma semaphore(%arg12 : memref<!tpu.dma_semaphore, #tpu.memory_space<semaphore_mem>>) src(%dma_wait3A_150 : memref<10000x128xf32, #tpu.memory_space<hbm>>) dst(%arg10 : memref<80x128xf32, #tpu.memory_space<vmem>>)
      %dma_start3A_151 = arith.constant 0 : i32
      %dma_start3A_152 = tpu.memref_slice %arg8[%add3A_144, %dma_start3A_151] : memref<125x80xi32, #tpu.memory_space<vmem>> -> memref<1x80xi32, #tpu.memory_space<vmem>>
      %dma_start3A_153 = tpu.memref_squeeze %dma_start3A_152 : memref<1x80xi32, #tpu.memory_space<vmem>> -> memref<80xi32, #tpu.memory_space<vmem>>
      %dma_start3A_154 = arith.constant 0 : i32
      %dma_start3A_155 = arith.constant 0 : i32
      %dma_start3A_156 = tpu.memref_slice %arg6[%dma_start3A_154, %dma_start3A_155] : memref<10240x128xf32, #tpu.memory_space<vmem_shared>> -> memref<10240x128xf32, #tpu.memory_space<vmem_shared>>
      tpu.enqueue_indirect_dma source(%arg10 : memref<80x128xf32, #tpu.memory_space<vmem>>) target(%dma_start3A_156 : memref<10240x128xf32, #tpu.memory_space<vmem_shared>>) offsets(%dma_start3A_153 : memref<80xi32, #tpu.memory_space<vmem>>) semaphore(%arg14 : memref<!tpu.dma_semaphore, #tpu.memory_space<semaphore_mem>>) {add = true}
      %dma_wait3A_157 = arith.constant 0 : i32
      %dma_wait3A_158 = arith.constant 0 : i32
      %dma_wait3A_159 = tpu.memref_slice %arg8[%dma_wait3A_157, %dma_wait3A_158] : memref<125x80xi32, #tpu.memory_space<vmem>> -> memref<1x80xi32, #tpu.memory_space<vmem>>
      %dma_wait3A_160 = tpu.memref_squeeze %dma_wait3A_159 : memref<1x80xi32, #tpu.memory_space<vmem>> -> memref<80xi32, #tpu.memory_space<vmem>>
      %dma_wait3A_161 = arith.constant 0 : i32
      %dma_wait3A_162 = arith.constant 0 : i32
      %dma_wait3A_163 = tpu.memref_slice %arg6[%dma_wait3A_161, %dma_wait3A_162] : memref<10240x128xf32, #tpu.memory_space<vmem_shared>> -> memref<10240x128xf32, #tpu.memory_space<vmem_shared>>
      tpu.wait_indirect_dma semaphore(%arg13 : memref<!tpu.dma_semaphore, #tpu.memory_space<semaphore_mem>>) src(%arg9 : memref<80x128xf32, #tpu.memory_space<vmem>>) dst(%dma_wait3A_163 : memref<10240x128xf32, #tpu.memory_space<vmem_shared>>)
      %add3A_164 = arith.constant 1 : i32
      %add3A_165 = arith.addi %add3A_144, %add3A_164 : i32
      %mul3A_166 = arith.constant 80 : i32
      %mul3A_167 = arith.muli %add3A_165, %mul3A_166 : i32
      %multiple_of3A_168 = tpu.assume_multiple %mul3A_167, 8 : i32
      %dma_start3A_169 = tpu.memref_slice %arg7[%multiple_of3A_168] : memref<10000xi32, #tpu.memory_space<vmem>> -> memref<80xi32, #tpu.memory_space<vmem>>
      %dma_start3A_170 = arith.constant 0 : i32
      %dma_start3A_171 = arith.constant 0 : i32
      %dma_start3A_172 = tpu.memref_slice %arg2[%dma_start3A_170, %dma_start3A_171] : memref<10000x128xf32, #tpu.memory_space<hbm>> -> memref<10000x128xf32, #tpu.memory_space<hbm>>
      tpu.enqueue_indirect_dma source(%dma_start3A_172 : memref<10000x128xf32, #tpu.memory_space<hbm>>) target(%arg9 : memref<80x128xf32, #tpu.memory_space<vmem>>) offsets(%dma_start3A_169 : memref<80xi32, #tpu.memory_space<vmem>>) semaphore(%arg11 : memref<!tpu.dma_semaphore, #tpu.memory_space<semaphore_mem>>)
      %multiple_of3A_173 = arith.constant 0 : i32
      %multiple_of3A_174 = tpu.assume_multiple %multiple_of3A_173, 8 : i32
      %dma_wait3A_175 = tpu.memref_slice %arg7[%multiple_of3A_174] : memref<10000xi32, #tpu.memory_space<vmem>> -> memref<80xi32, #tpu.memory_space<vmem>>
      %dma_wait3A_176 = arith.constant 0 : i32
      %dma_wait3A_177 = arith.constant 0 : i32
      %dma_wait3A_178 = tpu.memref_slice %arg2[%dma_wait3A_176, %dma_wait3A_177] : memref<10000x128xf32, #tpu.memory_space<hbm>> -> memref<10000x128xf32, #tpu.memory_space<hbm>>
      tpu.wait_indirect_dma semaphore(%arg11 : memref<!tpu.dma_semaphore, #tpu.memory_space<semaphore_mem>>) src(%dma_wait3A_178 : memref<10000x128xf32, #tpu.memory_space<hbm>>) dst(%arg9 : memref<80x128xf32, #tpu.memory_space<vmem>>)
      %add3A_179 = arith.constant 1 : i32
      %add3A_180 = arith.addi %add3A_144, %add3A_179 : i32
      %dma_start3A_181 = arith.constant 0 : i32
      %dma_start3A_182 = tpu.memref_slice %arg8[%add3A_180, %dma_start3A_181] : memref<125x80xi32, #tpu.memory_space<vmem>> -> memref<1x80xi32, #tpu.memory_space<vmem>>
      %dma_start3A_183 = tpu.memref_squeeze %dma_start3A_182 : memref<1x80xi32, #tpu.memory_space<vmem>> -> memref<80xi32, #tpu.memory_space<vmem>>
      %dma_start3A_184 = arith.constant 0 : i32
      %dma_start3A_185 = arith.constant 0 : i32
      %dma_start3A_186 = tpu.memref_slice %arg6[%dma_start3A_184, %dma_start3A_185] : memref<10240x128xf32, #tpu.memory_space<vmem_shared>> -> memref<10240x128xf32, #tpu.memory_space<vmem_shared>>
      tpu.enqueue_indirect_dma source(%arg9 : memref<80x128xf32, #tpu.memory_space<vmem>>) target(%dma_start3A_186 : memref<10240x128xf32, #tpu.memory_space<vmem_shared>>) offsets(%dma_start3A_183 : memref<80xi32, #tpu.memory_space<vmem>>) semaphore(%arg13 : memref<!tpu.dma_semaphore, #tpu.memory_space<semaphore_mem>>) {add = true}
      %dma_wait3A_187 = arith.constant 0 : i32
      %dma_wait3A_188 = arith.constant 0 : i32
      %dma_wait3A_189 = tpu.memref_slice %arg8[%dma_wait3A_187, %dma_wait3A_188] : memref<125x80xi32, #tpu.memory_space<vmem>> -> memref<1x80xi32, #tpu.memory_space<vmem>>
      %dma_wait3A_190 = tpu.memref_squeeze %dma_wait3A_189 : memref<1x80xi32, #tpu.memory_space<vmem>> -> memref<80xi32, #tpu.memory_space<vmem>>
      %dma_wait3A_191 = arith.constant 0 : i32
      %dma_wait3A_192 = arith.constant 0 : i32
      %dma_wait3A_193 = tpu.memref_slice %arg6[%dma_wait3A_191, %dma_wait3A_192] : memref<10240x128xf32, #tpu.memory_space<vmem_shared>> -> memref<10240x128xf32, #tpu.memory_space<vmem_shared>>
      tpu.wait_indirect_dma semaphore(%arg14 : memref<!tpu.dma_semaphore, #tpu.memory_space<semaphore_mem>>) src(%arg10 : memref<80x128xf32, #tpu.memory_space<vmem>>) dst(%dma_wait3A_193 : memref<10240x128xf32, #tpu.memory_space<vmem_shared>>)
      %add3A_194 = arith.constant 2 : i32
      %add3A_195 = arith.addi %add3A_144, %add3A_194 : i32
      %mul3A_196 = arith.constant 80 : i32
      %mul3A_197 = arith.muli %add3A_195, %mul3A_196 : i32
      %multiple_of3A_198 = tpu.assume_multiple %mul3A_197, 8 : i32
      %dma_start3A_199 = tpu.memref_slice %arg7[%multiple_of3A_198] : memref<10000xi32, #tpu.memory_space<vmem>> -> memref<80xi32, #tpu.memory_space<vmem>>
      %dma_start3A_200 = arith.constant 0 : i32
      %dma_start3A_201 = arith.constant 0 : i32
      %dma_start3A_202 = tpu.memref_slice %arg2[%dma_start3A_200, %dma_start3A_201] : memref<10000x128xf32, #tpu.memory_space<hbm>> -> memref<10000x128xf32, #tpu.memory_space<hbm>>
      tpu.enqueue_indirect_dma source(%dma_start3A_202 : memref<10000x128xf32, #tpu.memory_space<hbm>>) target(%arg10 : memref<80x128xf32, #tpu.memory_space<vmem>>) offsets(%dma_start3A_199 : memref<80xi32, #tpu.memory_space<vmem>>) semaphore(%arg12 : memref<!tpu.dma_semaphore, #tpu.memory_space<semaphore_mem>>)
    }
    %scan3A_79 = arith.constant 61 : i32
    %multiple_of3A_80 = arith.constant 0 : i32
    %multiple_of3A_81 = tpu.assume_multiple %multiple_of3A_80, 8 : i32
    %dma_wait3A_82 = tpu.memref_slice %arg7[%multiple_of3A_81] : memref<10000xi32, #tpu.memory_space<vmem>> -> memref<80xi32, #tpu.memory_space<vmem>>
    %dma_wait3A_83 = arith.constant 0 : i32
    %dma_wait3A_84 = arith.constant 0 : i32
    %dma_wait3A_85 = tpu.memref_slice %arg2[%dma_wait3A_83, %dma_wait3A_84] : memref<10000x128xf32, #tpu.memory_space<hbm>> -> memref<10000x128xf32, #tpu.memory_space<hbm>>
    tpu.wait_indirect_dma semaphore(%arg12 : memref<!tpu.dma_semaphore, #tpu.memory_space<semaphore_mem>>) src(%dma_wait3A_85 : memref<10000x128xf32, #tpu.memory_space<hbm>>) dst(%arg10 : memref<80x128xf32, #tpu.memory_space<vmem>>)
    %dma_start3A_86 = arith.constant 123 : i32
    %dma_start3A_87 = arith.constant 0 : i32
    %dma_start3A_88 = tpu.memref_slice %arg8[%dma_start3A_86, %dma_start3A_87] : memref<125x80xi32, #tpu.memory_space<vmem>> -> memref<1x80xi32, #tpu.memory_space<vmem>>
    %dma_start3A_89 = tpu.memref_squeeze %dma_start3A_88 : memref<1x80xi32, #tpu.memory_space<vmem>> -> memref<80xi32, #tpu.memory_space<vmem>>
    %dma_start3A_90 = arith.constant 0 : i32
    %dma_start3A_91 = arith.constant 0 : i32
    %dma_start3A_92 = tpu.memref_slice %arg6[%dma_start3A_90, %dma_start3A_91] : memref<10240x128xf32, #tpu.memory_space<vmem_shared>> -> memref<10240x128xf32, #tpu.memory_space<vmem_shared>>
    tpu.enqueue_indirect_dma source(%arg10 : memref<80x128xf32, #tpu.memory_space<vmem>>) target(%dma_start3A_92 : memref<10240x128xf32, #tpu.memory_space<vmem_shared>>) offsets(%dma_start3A_89 : memref<80xi32, #tpu.memory_space<vmem>>) semaphore(%arg14 : memref<!tpu.dma_semaphore, #tpu.memory_space<semaphore_mem>>) {add = true}
    %dma_wait3A_93 = arith.constant 0 : i32
    %dma_wait3A_94 = arith.constant 0 : i32
    %dma_wait3A_95 = tpu.memref_slice %arg8[%dma_wait3A_93, %dma_wait3A_94] : memref<125x80xi32, #tpu.memory_space<vmem>> -> memref<1x80xi32, #tpu.memory_space<vmem>>
    %dma_wait3A_96 = tpu.memref_squeeze %dma_wait3A_95 : memref<1x80xi32, #tpu.memory_space<vmem>> -> memref<80xi32, #tpu.memory_space<vmem>>
    %dma_wait3A_97 = arith.constant 0 : i32
    %dma_wait3A_98 = arith.constant 0 : i32
    %dma_wait3A_99 = tpu.memref_slice %arg6[%dma_wait3A_97, %dma_wait3A_98] : memref<10240x128xf32, #tpu.memory_space<vmem_shared>> -> memref<10240x128xf32, #tpu.memory_space<vmem_shared>>
    tpu.wait_indirect_dma semaphore(%arg13 : memref<!tpu.dma_semaphore, #tpu.memory_space<semaphore_mem>>) src(%arg9 : memref<80x128xf32, #tpu.memory_space<vmem>>) dst(%dma_wait3A_99 : memref<10240x128xf32, #tpu.memory_space<vmem_shared>>)
    %multiple_of3A_100 = arith.constant 9920 : i32
    %multiple_of3A_101 = tpu.assume_multiple %multiple_of3A_100, 8 : i32
    %dma_start3A_102 = tpu.memref_slice %arg7[%multiple_of3A_101] : memref<10000xi32, #tpu.memory_space<vmem>> -> memref<80xi32, #tpu.memory_space<vmem>>
    %dma_start3A_103 = arith.constant 0 : i32
    %dma_start3A_104 = arith.constant 0 : i32
    %dma_start3A_105 = tpu.memref_slice %arg2[%dma_start3A_103, %dma_start3A_104] : memref<10000x128xf32, #tpu.memory_space<hbm>> -> memref<10000x128xf32, #tpu.memory_space<hbm>>
    tpu.enqueue_indirect_dma source(%dma_start3A_105 : memref<10000x128xf32, #tpu.memory_space<hbm>>) target(%arg9 : memref<80x128xf32, #tpu.memory_space<vmem>>) offsets(%dma_start3A_102 : memref<80xi32, #tpu.memory_space<vmem>>) semaphore(%arg11 : memref<!tpu.dma_semaphore, #tpu.memory_space<semaphore_mem>>)
    %multiple_of3A_106 = arith.constant 0 : i32
    %multiple_of3A_107 = tpu.assume_multiple %multiple_of3A_106, 8 : i32
    %dma_wait3A_108 = tpu.memref_slice %arg7[%multiple_of3A_107] : memref<10000xi32, #tpu.memory_space<vmem>> -> memref<80xi32, #tpu.memory_space<vmem>>
    %dma_wait3A_109 = arith.constant 0 : i32
    %dma_wait3A_110 = arith.constant 0 : i32
    %dma_wait3A_111 = tpu.memref_slice %arg2[%dma_wait3A_109, %dma_wait3A_110] : memref<10000x128xf32, #tpu.memory_space<hbm>> -> memref<10000x128xf32, #tpu.memory_space<hbm>>
    tpu.wait_indirect_dma semaphore(%arg11 : memref<!tpu.dma_semaphore, #tpu.memory_space<semaphore_mem>>) src(%dma_wait3A_111 : memref<10000x128xf32, #tpu.memory_space<hbm>>) dst(%arg9 : memref<80x128xf32, #tpu.memory_space<vmem>>)
    %dma_start3A_112 = arith.constant 124 : i32
    %dma_start3A_113 = arith.constant 0 : i32
    %dma_start3A_114 = tpu.memref_slice %arg8[%dma_start3A_112, %dma_start3A_113] : memref<125x80xi32, #tpu.memory_space<vmem>> -> memref<1x80xi32, #tpu.memory_space<vmem>>
    %dma_start3A_115 = tpu.memref_squeeze %dma_start3A_114 : memref<1x80xi32, #tpu.memory_space<vmem>> -> memref<80xi32, #tpu.memory_space<vmem>>
    %dma_start3A_116 = arith.constant 0 : i32
    %dma_start3A_117 = arith.constant 0 : i32
    %dma_start3A_118 = tpu.memref_slice %arg6[%dma_start3A_116, %dma_start3A_117] : memref<10240x128xf32, #tpu.memory_space<vmem_shared>> -> memref<10240x128xf32, #tpu.memory_space<vmem_shared>>
    tpu.enqueue_indirect_dma source(%arg9 : memref<80x128xf32, #tpu.memory_space<vmem>>) target(%dma_start3A_118 : memref<10240x128xf32, #tpu.memory_space<vmem_shared>>) offsets(%dma_start3A_115 : memref<80xi32, #tpu.memory_space<vmem>>) semaphore(%arg13 : memref<!tpu.dma_semaphore, #tpu.memory_space<semaphore_mem>>) {add = true}
    %dma_wait3A_119 = arith.constant 0 : i32
    %dma_wait3A_120 = arith.constant 0 : i32
    %dma_wait3A_121 = tpu.memref_slice %arg8[%dma_wait3A_119, %dma_wait3A_120] : memref<125x80xi32, #tpu.memory_space<vmem>> -> memref<1x80xi32, #tpu.memory_space<vmem>>
    %dma_wait3A_122 = tpu.memref_squeeze %dma_wait3A_121 : memref<1x80xi32, #tpu.memory_space<vmem>> -> memref<80xi32, #tpu.memory_space<vmem>>
    %dma_wait3A_123 = arith.constant 0 : i32
    %dma_wait3A_124 = arith.constant 0 : i32
    %dma_wait3A_125 = tpu.memref_slice %arg6[%dma_wait3A_123, %dma_wait3A_124] : memref<10240x128xf32, #tpu.memory_space<vmem_shared>> -> memref<10240x128xf32, #tpu.memory_space<vmem_shared>>
    tpu.wait_indirect_dma semaphore(%arg14 : memref<!tpu.dma_semaphore, #tpu.memory_space<semaphore_mem>>) src(%arg10 : memref<80x128xf32, #tpu.memory_space<vmem>>) dst(%dma_wait3A_125 : memref<10240x128xf32, #tpu.memory_space<vmem_shared>>)
    %dma_wait3A_126 = arith.constant 0 : i32
    %dma_wait3A_127 = arith.constant 0 : i32
    %dma_wait3A_128 = tpu.memref_slice %arg8[%dma_wait3A_126, %dma_wait3A_127] : memref<125x80xi32, #tpu.memory_space<vmem>> -> memref<1x80xi32, #tpu.memory_space<vmem>>
    %dma_wait3A_129 = tpu.memref_squeeze %dma_wait3A_128 : memref<1x80xi32, #tpu.memory_space<vmem>> -> memref<80xi32, #tpu.memory_space<vmem>>
    %dma_wait3A_130 = arith.constant 0 : i32
    %dma_wait3A_131 = arith.constant 0 : i32
    %dma_wait3A_132 = tpu.memref_slice %arg6[%dma_wait3A_130, %dma_wait3A_131] : memref<10240x128xf32, #tpu.memory_space<vmem_shared>> -> memref<10240x128xf32, #tpu.memory_space<vmem_shared>>
    tpu.wait_indirect_dma semaphore(%arg13 : memref<!tpu.dma_semaphore, #tpu.memory_space<semaphore_mem>>) src(%arg9 : memref<80x128xf32, #tpu.memory_space<vmem>>) dst(%dma_wait3A_132 : memref<10240x128xf32, #tpu.memory_space<vmem_shared>>)
    %barrier3A_133 = arith.constant 0 : index
    tpu.barrier barrier_id(%barrier3A_133)
    %mul3A_134 = arith.constant 10240 : i32
    %mul3A_135 = arith.muli %arg0, %mul3A_134 : i32
    %mul3A_136 = arith.constant 640 : i32
    %mul3A_137 = arith.muli %arg1, %mul3A_136 : i32
    %add3A_138 = arith.addi %mul3A_135, %mul3A_137 : i32
    %multiple_of3A_139 = tpu.assume_multiple %add3A_138, 8 : i32
    "tpu.region"() ({
      %run_scoped3A = tpu.sem_alloc : memref<!tpu.dma_semaphore, #tpu.memory_space<semaphore_mem>>
      %dma_start3A_140 = arith.constant 0 : i32
      %dma_start3A_141 = tpu.memref_slice %arg5[%multiple_of3A_139, %dma_start3A_140] : memref<20480x128xf32, #tpu.memory_space<hbm>> -> memref<640x128xf32, #tpu.memory_space<hbm>>
      %dma_start3A_142 = arith.constant 0 : i32
      %dma_start3A_143 = tpu.memref_slice %arg6[%multiple_of3A, %dma_start3A_142] : memref<10240x128xf32, #tpu.memory_space<vmem_shared>> -> memref<640x128xf32, #tpu.memory_space<vmem_shared>>
      tpu.enqueue_dma source(%dma_start3A_143 : memref<640x128xf32, #tpu.memory_space<vmem_shared>>) target(%dma_start3A_141 : memref<640x128xf32, #tpu.memory_space<hbm>>) target_semaphore(%run_scoped3A : memref<!tpu.dma_semaphore, #tpu.memory_space<semaphore_mem>>)
      %dma_wait3A_144 = arith.constant 0 : i32
      %dma_wait3A_145 = tpu.memref_slice %arg5[%multiple_of3A_139, %dma_wait3A_144] : memref<20480x128xf32, #tpu.memory_space<hbm>> -> memref<640x128xf32, #tpu.memory_space<hbm>>
      %dma_wait3A_146 = arith.constant 0 : i32
      %dma_wait3A_147 = tpu.memref_slice %arg6[%multiple_of3A, %dma_wait3A_146] : memref<10240x128xf32, #tpu.memory_space<vmem_shared>> -> memref<640x128xf32, #tpu.memory_space<vmem_shared>>
      tpu.wait_dma2 semaphore(%run_scoped3A : memref<!tpu.dma_semaphore, #tpu.memory_space<semaphore_mem>>) src(%dma_wait3A_147 : memref<640x128xf32, #tpu.memory_space<vmem_shared>>) dst(%dma_wait3A_145 : memref<640x128xf32, #tpu.memory_space<hbm>>)
      tpu.yield
    }) : () -> ()
    return
  }
}

#map = affine_map<(d0, d1) -> (0, 0)>
#map1 = affine_map<(d0, d1) -> (0)>
#map2 = affine_map<(d0, d1) -> (0, 0, 0)>
module attributes {stable_mosaic.version = 14 : i64} {
  func.func @_sc_agg_body(%arg0: i32, %arg1: i32, %arg2: memref<10000x128xf32, #tpu.memory_space<hbm>>, %arg3: memref<320000xi32, #tpu.memory_space<hbm>>, %arg4: memref<32x125x80xi32, #tpu.memory_space<hbm>>, %arg5: memref<20480x128xf32, #tpu.memory_space<hbm>>, %arg6: memref<10240x128xf32, #tpu.memory_space<vmem_shared>>, %arg7: memref<10000xi32, #tpu.memory_space<vmem>>, %arg8: memref<125x80xi32, #tpu.memory_space<vmem>>, %arg9: memref<80x128xf32, #tpu.memory_space<vmem>>, %arg10: memref<80x128xf32, #tpu.memory_space<vmem>>, %arg11: memref<!tpu.dma_semaphore, #tpu.memory_space<semaphore_mem>>, %arg12: memref<!tpu.dma_semaphore, #tpu.memory_space<semaphore_mem>>, %arg13: memref<!tpu.dma_semaphore, #tpu.memory_space<semaphore_mem>>, %arg14: memref<!tpu.dma_semaphore, #tpu.memory_space<semaphore_mem>>) attributes {dimension_semantics = [#tpu.dimension_semantics<core_parallel>, #tpu.dimension_semantics<subcore_parallel>], iteration_bounds = array<i64: 2, 16>, scalar_prefetch = 0 : i64, scratch_operands = 9 : i64, tpu.core_type = #tpu.core_type<sc_vector_subcore>, window_params = [{transform_indices = #map}, {transform_indices = #map1}, {transform_indices = #map2}, {transform_indices = #map}]} {
    %mul3A = arith.constant 2 : i32
    %mul3A_0 = arith.muli %arg1, %mul3A : i32
    %add3A = arith.addi %mul3A_0, %arg0 : i32
    %mul3A_1 = arith.constant 640 : i32
    %mul3A_2 = arith.muli %arg1, %mul3A_1 : i32
    %multiple_of3A = tpu.assume_multiple %mul3A_2, 8 : i32
    %broadcast_in_dim3A = arith.constant 0.000000e+00 : f32
    %broadcast_in_dim3A_3 = vector.broadcast %broadcast_in_dim3A : f32 to vector<16xf32>
    %scan3A = arith.constant 0 : i32
    %scan3A_4 = arith.constant 0 : i32
    %scan3A_5 = arith.constant 80 : i32
    %scan3A_6 = arith.addi %scan3A_4, %scan3A_5 : i32
    %scan3A_7 = arith.constant 1 : i32
    scf.for %scan3A_140 = %scan3A_4 to %scan3A_6 step %scan3A_7  : i32 {
      %swap3A = arith.index_cast %scan3A_140 : i32 to index
      %swap3A_141 = arith.constant 0 : index
      %swap3A_142 = tpu.vector_load %arg9[%swap3A, %swap3A_141] {strides = array<i32>} : memref<80x128xf32, #tpu.memory_space<vmem>>, vector<1x16xf32>,
      %swap3A_143 = vector.shape_cast %swap3A_142 : vector<1x16xf32> to vector<16xf32>
      %swap3A_144 = vector.shape_cast %broadcast_in_dim3A_3 : vector<16xf32> to vector<1x16xf32>
      tpu.vector_store %arg9[%swap3A, %swap3A_141], %swap3A_144 {strides = array<i32>} : memref<80x128xf32, #tpu.memory_space<vmem>>, vector<1x16xf32>,
      %swap3A_145 = arith.index_cast %scan3A_140 : i32 to index
      %swap3A_146 = arith.constant 16 : index
      %swap3A_147 = tpu.vector_load %arg9[%swap3A_145, %swap3A_146] {strides = array<i32>} : memref<80x128xf32, #tpu.memory_space<vmem>>, vector<1x16xf32>,
      %swap3A_148 = vector.shape_cast %swap3A_147 : vector<1x16xf32> to vector<16xf32>
      %swap3A_149 = vector.shape_cast %broadcast_in_dim3A_3 : vector<16xf32> to vector<1x16xf32>
      tpu.vector_store %arg9[%swap3A_145, %swap3A_146], %swap3A_149 {strides = array<i32>} : memref<80x128xf32, #tpu.memory_space<vmem>>, vector<1x16xf32>,
      %swap3A_150 = arith.index_cast %scan3A_140 : i32 to index
      %swap3A_151 = arith.constant 32 : index
      %swap3A_152 = tpu.vector_load %arg9[%swap3A_150, %swap3A_151] {strides = array<i32>} : memref<80x128xf32, #tpu.memory_space<vmem>>, vector<1x16xf32>,
      %swap3A_153 = vector.shape_cast %swap3A_152 : vector<1x16xf32> to vector<16xf32>
      %swap3A_154 = vector.shape_cast %broadcast_in_dim3A_3 : vector<16xf32> to vector<1x16xf32>
      tpu.vector_store %arg9[%swap3A_150, %swap3A_151], %swap3A_154 {strides = array<i32>} : memref<80x128xf32, #tpu.memory_space<vmem>>, vector<1x16xf32>,
      %swap3A_155 = arith.index_cast %scan3A_140 : i32 to index
      %swap3A_156 = arith.constant 48 : index
      %swap3A_157 = tpu.vector_load %arg9[%swap3A_155, %swap3A_156] {strides = array<i32>} : memref<80x128xf32, #tpu.memory_space<vmem>>, vector<1x16xf32>,
      %swap3A_158 = vector.shape_cast %swap3A_157 : vector<1x16xf32> to vector<16xf32>
      %swap3A_159 = vector.shape_cast %broadcast_in_dim3A_3 : vector<16xf32> to vector<1x16xf32>
      tpu.vector_store %arg9[%swap3A_155, %swap3A_156], %swap3A_159 {strides = array<i32>} : memref<80x128xf32, #tpu.memory_space<vmem>>, vector<1x16xf32>,
      %swap3A_160 = arith.index_cast %scan3A_140 : i32 to index
      %swap3A_161 = arith.constant 64 : index
      %swap3A_162 = tpu.vector_load %arg9[%swap3A_160, %swap3A_161] {strides = array<i32>} : memref<80x128xf32, #tpu.memory_space<vmem>>, vector<1x16xf32>,
      %swap3A_163 = vector.shape_cast %swap3A_162 : vector<1x16xf32> to vector<16xf32>
      %swap3A_164 = vector.shape_cast %broadcast_in_dim3A_3 : vector<16xf32> to vector<1x16xf32>
      tpu.vector_store %arg9[%swap3A_160, %swap3A_161], %swap3A_164 {strides = array<i32>} : memref<80x128xf32, #tpu.memory_space<vmem>>, vector<1x16xf32>,
      %swap3A_165 = arith.index_cast %scan3A_140 : i32 to index
      %swap3A_166 = arith.constant 80 : index
      %swap3A_167 = tpu.vector_load %arg9[%swap3A_165, %swap3A_166] {strides = array<i32>} : memref<80x128xf32, #tpu.memory_space<vmem>>, vector<1x16xf32>,
      %swap3A_168 = vector.shape_cast %swap3A_167 : vector<1x16xf32> to vector<16xf32>
      %swap3A_169 = vector.shape_cast %broadcast_in_dim3A_3 : vector<16xf32> to vector<1x16xf32>
      tpu.vector_store %arg9[%swap3A_165, %swap3A_166], %swap3A_169 {strides = array<i32>} : memref<80x128xf32, #tpu.memory_space<vmem>>, vector<1x16xf32>,
      %swap3A_170 = arith.index_cast %scan3A_140 : i32 to index
      %swap3A_171 = arith.constant 96 : index
      %swap3A_172 = tpu.vector_load %arg9[%swap3A_170, %swap3A_171] {strides = array<i32>} : memref<80x128xf32, #tpu.memory_space<vmem>>, vector<1x16xf32>,
      %swap3A_173 = vector.shape_cast %swap3A_172 : vector<1x16xf32> to vector<16xf32>
      %swap3A_174 = vector.shape_cast %broadcast_in_dim3A_3 : vector<16xf32> to vector<1x16xf32>
      tpu.vector_store %arg9[%swap3A_170, %swap3A_171], %swap3A_174 {strides = array<i32>} : memref<80x128xf32, #tpu.memory_space<vmem>>, vector<1x16xf32>,
      %swap3A_175 = arith.index_cast %scan3A_140 : i32 to index
      %swap3A_176 = arith.constant 112 : index
      %swap3A_177 = tpu.vector_load %arg9[%swap3A_175, %swap3A_176] {strides = array<i32>} : memref<80x128xf32, #tpu.memory_space<vmem>>, vector<1x16xf32>,
      %swap3A_178 = vector.shape_cast %swap3A_177 : vector<1x16xf32> to vector<16xf32>
      %swap3A_179 = vector.shape_cast %broadcast_in_dim3A_3 : vector<16xf32> to vector<1x16xf32>
      tpu.vector_store %arg9[%swap3A_175, %swap3A_176], %swap3A_179 {strides = array<i32>} : memref<80x128xf32, #tpu.memory_space<vmem>>, vector<1x16xf32>,
    }
    %scan3A_8 = arith.constant 80 : i32
    %mul3A_9 = arith.constant 640 : i32
    %mul3A_10 = arith.muli %arg1, %mul3A_9 : i32
    %add3A_11 = arith.constant 0 : i32
    %add3A_12 = arith.addi %mul3A_10, %add3A_11 : i32
    %multiple_of3A_13 = tpu.assume_multiple %add3A_12, 8 : i32
    "tpu.region"() ({
      %run_scoped3A = tpu.sem_alloc : memref<!tpu.dma_semaphore, #tpu.memory_space<semaphore_mem>>
      %dma_start3A_140 = arith.constant 0 : i32
      %dma_start3A_141 = tpu.memref_slice %arg6[%multiple_of3A_13, %dma_start3A_140] : memref<10240x128xf32, #tpu.memory_space<vmem_shared>> -> memref<80x128xf32, #tpu.memory_space<vmem_shared>>
      %dma_start3A_142 = arith.constant 0 : i32
      %dma_start3A_143 = tpu.memref_slice %arg6[%multiple_of3A_13, %dma_start3A_142] : memref<10240x128xf32, #tpu.memory_space<vmem_shared>> -> memref<80x128xf32, #tpu.memory_space<vmem_shared>>
      tpu.enqueue_dma source(%arg9 : memref<80x128xf32, #tpu.memory_space<vmem>>) target(%dma_start3A_143 : memref<80x128xf32, #tpu.memory_space<vmem_shared>>) target_semaphore(%run_scoped3A : memref<!tpu.dma_semaphore, #tpu.memory_space<semaphore_mem>>)
      %dma_wait3A_144 = arith.constant 0 : i32
      %dma_wait3A_145 = tpu.memref_slice %arg6[%multiple_of3A_13, %dma_wait3A_144] : memref<10240x128xf32, #tpu.memory_space<vmem_shared>> -> memref<80x128xf32, #tpu.memory_space<vmem_shared>>
      %dma_wait3A_146 = arith.constant 0 : i32
      %dma_wait3A_147 = tpu.memref_slice %arg6[%multiple_of3A_13, %dma_wait3A_146] : memref<10240x128xf32, #tpu.memory_space<vmem_shared>> -> memref<80x128xf32, #tpu.memory_space<vmem_shared>>
      tpu.wait_dma2 semaphore(%run_scoped3A : memref<!tpu.dma_semaphore, #tpu.memory_space<semaphore_mem>>) src(%arg9 : memref<80x128xf32, #tpu.memory_space<vmem>>) dst(%dma_wait3A_147 : memref<80x128xf32, #tpu.memory_space<vmem_shared>>)
      tpu.yield
    }) : () -> ()
    %mul3A_14 = arith.constant 640 : i32
    %mul3A_15 = arith.muli %arg1, %mul3A_14 : i32
    %add3A_16 = arith.constant 80 : i32
    %add3A_17 = arith.addi %mul3A_15, %add3A_16 : i32
    %multiple_of3A_18 = tpu.assume_multiple %add3A_17, 8 : i32
    "tpu.region"() ({
      %run_scoped3A = tpu.sem_alloc : memref<!tpu.dma_semaphore, #tpu.memory_space<semaphore_mem>>
      %dma_start3A_140 = arith.constant 0 : i32
      %dma_start3A_141 = tpu.memref_slice %arg6[%multiple_of3A_18, %dma_start3A_140] : memref<10240x128xf32, #tpu.memory_space<vmem_shared>> -> memref<80x128xf32, #tpu.memory_space<vmem_shared>>
      %dma_start3A_142 = arith.constant 0 : i32
      %dma_start3A_143 = tpu.memref_slice %arg6[%multiple_of3A_18, %dma_start3A_142] : memref<10240x128xf32, #tpu.memory_space<vmem_shared>> -> memref<80x128xf32, #tpu.memory_space<vmem_shared>>
      tpu.enqueue_dma source(%arg9 : memref<80x128xf32, #tpu.memory_space<vmem>>) target(%dma_start3A_143 : memref<80x128xf32, #tpu.memory_space<vmem_shared>>) target_semaphore(%run_scoped3A : memref<!tpu.dma_semaphore, #tpu.memory_space<semaphore_mem>>)
      %dma_wait3A_144 = arith.constant 0 : i32
      %dma_wait3A_145 = tpu.memref_slice %arg6[%multiple_of3A_18, %dma_wait3A_144] : memref<10240x128xf32, #tpu.memory_space<vmem_shared>> -> memref<80x128xf32, #tpu.memory_space<vmem_shared>>
      %dma_wait3A_146 = arith.constant 0 : i32
      %dma_wait3A_147 = tpu.memref_slice %arg6[%multiple_of3A_18, %dma_wait3A_146] : memref<10240x128xf32, #tpu.memory_space<vmem_shared>> -> memref<80x128xf32, #tpu.memory_space<vmem_shared>>
      tpu.wait_dma2 semaphore(%run_scoped3A : memref<!tpu.dma_semaphore, #tpu.memory_space<semaphore_mem>>) src(%arg9 : memref<80x128xf32, #tpu.memory_space<vmem>>) dst(%dma_wait3A_147 : memref<80x128xf32, #tpu.memory_space<vmem_shared>>)
      tpu.yield
    }) : () -> ()
    %mul3A_19 = arith.constant 640 : i32
    %mul3A_20 = arith.muli %arg1, %mul3A_19 : i32
    %add3A_21 = arith.constant 160 : i32
    %add3A_22 = arith.addi %mul3A_20, %add3A_21 : i32
    %multiple_of3A_23 = tpu.assume_multiple %add3A_22, 8 : i32
    "tpu.region"() ({
      %run_scoped3A = tpu.sem_alloc : memref<!tpu.dma_semaphore, #tpu.memory_space<semaphore_mem>>
      %dma_start3A_140 = arith.constant 0 : i32
      %dma_start3A_141 = tpu.memref_slice %arg6[%multiple_of3A_23, %dma_start3A_140] : memref<10240x128xf32, #tpu.memory_space<vmem_shared>> -> memref<80x128xf32, #tpu.memory_space<vmem_shared>>
      %dma_start3A_142 = arith.constant 0 : i32
      %dma_start3A_143 = tpu.memref_slice %arg6[%multiple_of3A_23, %dma_start3A_142] : memref<10240x128xf32, #tpu.memory_space<vmem_shared>> -> memref<80x128xf32, #tpu.memory_space<vmem_shared>>
      tpu.enqueue_dma source(%arg9 : memref<80x128xf32, #tpu.memory_space<vmem>>) target(%dma_start3A_143 : memref<80x128xf32, #tpu.memory_space<vmem_shared>>) target_semaphore(%run_scoped3A : memref<!tpu.dma_semaphore, #tpu.memory_space<semaphore_mem>>)
      %dma_wait3A_144 = arith.constant 0 : i32
      %dma_wait3A_145 = tpu.memref_slice %arg6[%multiple_of3A_23, %dma_wait3A_144] : memref<10240x128xf32, #tpu.memory_space<vmem_shared>> -> memref<80x128xf32, #tpu.memory_space<vmem_shared>>
      %dma_wait3A_146 = arith.constant 0 : i32
      %dma_wait3A_147 = tpu.memref_slice %arg6[%multiple_of3A_23, %dma_wait3A_146] : memref<10240x128xf32, #tpu.memory_space<vmem_shared>> -> memref<80x128xf32, #tpu.memory_space<vmem_shared>>
      tpu.wait_dma2 semaphore(%run_scoped3A : memref<!tpu.dma_semaphore, #tpu.memory_space<semaphore_mem>>) src(%arg9 : memref<80x128xf32, #tpu.memory_space<vmem>>) dst(%dma_wait3A_147 : memref<80x128xf32, #tpu.memory_space<vmem_shared>>)
      tpu.yield
    }) : () -> ()
    %mul3A_24 = arith.constant 640 : i32
    %mul3A_25 = arith.muli %arg1, %mul3A_24 : i32
    %add3A_26 = arith.constant 240 : i32
    %add3A_27 = arith.addi %mul3A_25, %add3A_26 : i32
    %multiple_of3A_28 = tpu.assume_multiple %add3A_27, 8 : i32
    "tpu.region"() ({
      %run_scoped3A = tpu.sem_alloc : memref<!tpu.dma_semaphore, #tpu.memory_space<semaphore_mem>>
      %dma_start3A_140 = arith.constant 0 : i32
      %dma_start3A_141 = tpu.memref_slice %arg6[%multiple_of3A_28, %dma_start3A_140] : memref<10240x128xf32, #tpu.memory_space<vmem_shared>> -> memref<80x128xf32, #tpu.memory_space<vmem_shared>>
      %dma_start3A_142 = arith.constant 0 : i32
      %dma_start3A_143 = tpu.memref_slice %arg6[%multiple_of3A_28, %dma_start3A_142] : memref<10240x128xf32, #tpu.memory_space<vmem_shared>> -> memref<80x128xf32, #tpu.memory_space<vmem_shared>>
      tpu.enqueue_dma source(%arg9 : memref<80x128xf32, #tpu.memory_space<vmem>>) target(%dma_start3A_143 : memref<80x128xf32, #tpu.memory_space<vmem_shared>>) target_semaphore(%run_scoped3A : memref<!tpu.dma_semaphore, #tpu.memory_space<semaphore_mem>>)
      %dma_wait3A_144 = arith.constant 0 : i32
      %dma_wait3A_145 = tpu.memref_slice %arg6[%multiple_of3A_28, %dma_wait3A_144] : memref<10240x128xf32, #tpu.memory_space<vmem_shared>> -> memref<80x128xf32, #tpu.memory_space<vmem_shared>>
      %dma_wait3A_146 = arith.constant 0 : i32
      %dma_wait3A_147 = tpu.memref_slice %arg6[%multiple_of3A_28, %dma_wait3A_146] : memref<10240x128xf32, #tpu.memory_space<vmem_shared>> -> memref<80x128xf32, #tpu.memory_space<vmem_shared>>
      tpu.wait_dma2 semaphore(%run_scoped3A : memref<!tpu.dma_semaphore, #tpu.memory_space<semaphore_mem>>) src(%arg9 : memref<80x128xf32, #tpu.memory_space<vmem>>) dst(%dma_wait3A_147 : memref<80x128xf32, #tpu.memory_space<vmem_shared>>)
      tpu.yield
    }) : () -> ()
    %mul3A_29 = arith.constant 640 : i32
    %mul3A_30 = arith.muli %arg1, %mul3A_29 : i32
    %add3A_31 = arith.constant 320 : i32
    %add3A_32 = arith.addi %mul3A_30, %add3A_31 : i32
    %multiple_of3A_33 = tpu.assume_multiple %add3A_32, 8 : i32
    "tpu.region"() ({
      %run_scoped3A = tpu.sem_alloc : memref<!tpu.dma_semaphore, #tpu.memory_space<semaphore_mem>>
      %dma_start3A_140 = arith.constant 0 : i32
      %dma_start3A_141 = tpu.memref_slice %arg6[%multiple_of3A_33, %dma_start3A_140] : memref<10240x128xf32, #tpu.memory_space<vmem_shared>> -> memref<80x128xf32, #tpu.memory_space<vmem_shared>>
      %dma_start3A_142 = arith.constant 0 : i32
      %dma_start3A_143 = tpu.memref_slice %arg6[%multiple_of3A_33, %dma_start3A_142] : memref<10240x128xf32, #tpu.memory_space<vmem_shared>> -> memref<80x128xf32, #tpu.memory_space<vmem_shared>>
      tpu.enqueue_dma source(%arg9 : memref<80x128xf32, #tpu.memory_space<vmem>>) target(%dma_start3A_143 : memref<80x128xf32, #tpu.memory_space<vmem_shared>>) target_semaphore(%run_scoped3A : memref<!tpu.dma_semaphore, #tpu.memory_space<semaphore_mem>>)
      %dma_wait3A_144 = arith.constant 0 : i32
      %dma_wait3A_145 = tpu.memref_slice %arg6[%multiple_of3A_33, %dma_wait3A_144] : memref<10240x128xf32, #tpu.memory_space<vmem_shared>> -> memref<80x128xf32, #tpu.memory_space<vmem_shared>>
      %dma_wait3A_146 = arith.constant 0 : i32
      %dma_wait3A_147 = tpu.memref_slice %arg6[%multiple_of3A_33, %dma_wait3A_146] : memref<10240x128xf32, #tpu.memory_space<vmem_shared>> -> memref<80x128xf32, #tpu.memory_space<vmem_shared>>
      tpu.wait_dma2 semaphore(%run_scoped3A : memref<!tpu.dma_semaphore, #tpu.memory_space<semaphore_mem>>) src(%arg9 : memref<80x128xf32, #tpu.memory_space<vmem>>) dst(%dma_wait3A_147 : memref<80x128xf32, #tpu.memory_space<vmem_shared>>)
      tpu.yield
    }) : () -> ()
    %mul3A_34 = arith.constant 640 : i32
    %mul3A_35 = arith.muli %arg1, %mul3A_34 : i32
    %add3A_36 = arith.constant 400 : i32
    %add3A_37 = arith.addi %mul3A_35, %add3A_36 : i32
    %multiple_of3A_38 = tpu.assume_multiple %add3A_37, 8 : i32
    "tpu.region"() ({
      %run_scoped3A = tpu.sem_alloc : memref<!tpu.dma_semaphore, #tpu.memory_space<semaphore_mem>>
      %dma_start3A_140 = arith.constant 0 : i32
      %dma_start3A_141 = tpu.memref_slice %arg6[%multiple_of3A_38, %dma_start3A_140] : memref<10240x128xf32, #tpu.memory_space<vmem_shared>> -> memref<80x128xf32, #tpu.memory_space<vmem_shared>>
      %dma_start3A_142 = arith.constant 0 : i32
      %dma_start3A_143 = tpu.memref_slice %arg6[%multiple_of3A_38, %dma_start3A_142] : memref<10240x128xf32, #tpu.memory_space<vmem_shared>> -> memref<80x128xf32, #tpu.memory_space<vmem_shared>>
      tpu.enqueue_dma source(%arg9 : memref<80x128xf32, #tpu.memory_space<vmem>>) target(%dma_start3A_143 : memref<80x128xf32, #tpu.memory_space<vmem_shared>>) target_semaphore(%run_scoped3A : memref<!tpu.dma_semaphore, #tpu.memory_space<semaphore_mem>>)
      %dma_wait3A_144 = arith.constant 0 : i32
      %dma_wait3A_145 = tpu.memref_slice %arg6[%multiple_of3A_38, %dma_wait3A_144] : memref<10240x128xf32, #tpu.memory_space<vmem_shared>> -> memref<80x128xf32, #tpu.memory_space<vmem_shared>>
      %dma_wait3A_146 = arith.constant 0 : i32
      %dma_wait3A_147 = tpu.memref_slice %arg6[%multiple_of3A_38, %dma_wait3A_146] : memref<10240x128xf32, #tpu.memory_space<vmem_shared>> -> memref<80x128xf32, #tpu.memory_space<vmem_shared>>
      tpu.wait_dma2 semaphore(%run_scoped3A : memref<!tpu.dma_semaphore, #tpu.memory_space<semaphore_mem>>) src(%arg9 : memref<80x128xf32, #tpu.memory_space<vmem>>) dst(%dma_wait3A_147 : memref<80x128xf32, #tpu.memory_space<vmem_shared>>)
      tpu.yield
    }) : () -> ()
    %mul3A_39 = arith.constant 640 : i32
    %mul3A_40 = arith.muli %arg1, %mul3A_39 : i32
    %add3A_41 = arith.constant 480 : i32
    %add3A_42 = arith.addi %mul3A_40, %add3A_41 : i32
    %multiple_of3A_43 = tpu.assume_multiple %add3A_42, 8 : i32
    "tpu.region"() ({
      %run_scoped3A = tpu.sem_alloc : memref<!tpu.dma_semaphore, #tpu.memory_space<semaphore_mem>>
      %dma_start3A_140 = arith.constant 0 : i32
      %dma_start3A_141 = tpu.memref_slice %arg6[%multiple_of3A_43, %dma_start3A_140] : memref<10240x128xf32, #tpu.memory_space<vmem_shared>> -> memref<80x128xf32, #tpu.memory_space<vmem_shared>>
      %dma_start3A_142 = arith.constant 0 : i32
      %dma_start3A_143 = tpu.memref_slice %arg6[%multiple_of3A_43, %dma_start3A_142] : memref<10240x128xf32, #tpu.memory_space<vmem_shared>> -> memref<80x128xf32, #tpu.memory_space<vmem_shared>>
      tpu.enqueue_dma source(%arg9 : memref<80x128xf32, #tpu.memory_space<vmem>>) target(%dma_start3A_143 : memref<80x128xf32, #tpu.memory_space<vmem_shared>>) target_semaphore(%run_scoped3A : memref<!tpu.dma_semaphore, #tpu.memory_space<semaphore_mem>>)
      %dma_wait3A_144 = arith.constant 0 : i32
      %dma_wait3A_145 = tpu.memref_slice %arg6[%multiple_of3A_43, %dma_wait3A_144] : memref<10240x128xf32, #tpu.memory_space<vmem_shared>> -> memref<80x128xf32, #tpu.memory_space<vmem_shared>>
      %dma_wait3A_146 = arith.constant 0 : i32
      %dma_wait3A_147 = tpu.memref_slice %arg6[%multiple_of3A_43, %dma_wait3A_146] : memref<10240x128xf32, #tpu.memory_space<vmem_shared>> -> memref<80x128xf32, #tpu.memory_space<vmem_shared>>
      tpu.wait_dma2 semaphore(%run_scoped3A : memref<!tpu.dma_semaphore, #tpu.memory_space<semaphore_mem>>) src(%arg9 : memref<80x128xf32, #tpu.memory_space<vmem>>) dst(%dma_wait3A_147 : memref<80x128xf32, #tpu.memory_space<vmem_shared>>)
      tpu.yield
    }) : () -> ()
    %mul3A_44 = arith.constant 640 : i32
    %mul3A_45 = arith.muli %arg1, %mul3A_44 : i32
    %add3A_46 = arith.constant 560 : i32
    %add3A_47 = arith.addi %mul3A_45, %add3A_46 : i32
    %multiple_of3A_48 = tpu.assume_multiple %add3A_47, 8 : i32
    "tpu.region"() ({
      %run_scoped3A = tpu.sem_alloc : memref<!tpu.dma_semaphore, #tpu.memory_space<semaphore_mem>>
      %dma_start3A_140 = arith.constant 0 : i32
      %dma_start3A_141 = tpu.memref_slice %arg6[%multiple_of3A_48, %dma_start3A_140] : memref<10240x128xf32, #tpu.memory_space<vmem_shared>> -> memref<80x128xf32, #tpu.memory_space<vmem_shared>>
      %dma_start3A_142 = arith.constant 0 : i32
      %dma_start3A_143 = tpu.memref_slice %arg6[%multiple_of3A_48, %dma_start3A_142] : memref<10240x128xf32, #tpu.memory_space<vmem_shared>> -> memref<80x128xf32, #tpu.memory_space<vmem_shared>>
      tpu.enqueue_dma source(%arg9 : memref<80x128xf32, #tpu.memory_space<vmem>>) target(%dma_start3A_143 : memref<80x128xf32, #tpu.memory_space<vmem_shared>>) target_semaphore(%run_scoped3A : memref<!tpu.dma_semaphore, #tpu.memory_space<semaphore_mem>>)
      %dma_wait3A_144 = arith.constant 0 : i32
      %dma_wait3A_145 = tpu.memref_slice %arg6[%multiple_of3A_48, %dma_wait3A_144] : memref<10240x128xf32, #tpu.memory_space<vmem_shared>> -> memref<80x128xf32, #tpu.memory_space<vmem_shared>>
      %dma_wait3A_146 = arith.constant 0 : i32
      %dma_wait3A_147 = tpu.memref_slice %arg6[%multiple_of3A_48, %dma_wait3A_146] : memref<10240x128xf32, #tpu.memory_space<vmem_shared>> -> memref<80x128xf32, #tpu.memory_space<vmem_shared>>
      tpu.wait_dma2 semaphore(%run_scoped3A : memref<!tpu.dma_semaphore, #tpu.memory_space<semaphore_mem>>) src(%arg9 : memref<80x128xf32, #tpu.memory_space<vmem>>) dst(%dma_wait3A_147 : memref<80x128xf32, #tpu.memory_space<vmem_shared>>)
      tpu.yield
    }) : () -> ()
    %mul3A_49 = arith.constant 10000 : i32
    %mul3A_50 = arith.muli %add3A, %mul3A_49 : i32
    "tpu.region"() ({
      %run_scoped3A = tpu.sem_alloc : memref<!tpu.dma_semaphore, #tpu.memory_space<semaphore_mem>>
      %dma_start3A_140 = tpu.memref_slice %arg3[%mul3A_50] : memref<320000xi32, #tpu.memory_space<hbm>> -> memref<10000xi32, #tpu.memory_space<hbm>>
      %dma_start3A_141 = tpu.memref_slice %arg3[%mul3A_50] : memref<320000xi32, #tpu.memory_space<hbm>> -> memref<10000xi32, #tpu.memory_space<hbm>>
      tpu.enqueue_dma source(%dma_start3A_141 : memref<10000xi32, #tpu.memory_space<hbm>>) target(%arg7 : memref<10000xi32, #tpu.memory_space<vmem>>) target_semaphore(%run_scoped3A : memref<!tpu.dma_semaphore, #tpu.memory_space<semaphore_mem>>)
      %dma_wait3A_142 = tpu.memref_slice %arg3[%mul3A_50] : memref<320000xi32, #tpu.memory_space<hbm>> -> memref<10000xi32, #tpu.memory_space<hbm>>
      %dma_wait3A_143 = tpu.memref_slice %arg3[%mul3A_50] : memref<320000xi32, #tpu.memory_space<hbm>> -> memref<10000xi32, #tpu.memory_space<hbm>>
      tpu.wait_dma2 semaphore(%run_scoped3A : memref<!tpu.dma_semaphore, #tpu.memory_space<semaphore_mem>>) src(%dma_wait3A_143 : memref<10000xi32, #tpu.memory_space<hbm>>) dst(%arg7 : memref<10000xi32, #tpu.memory_space<vmem>>)
      tpu.yield
    }) : () -> ()
    "tpu.region"() ({
      %run_scoped3A = tpu.sem_alloc : memref<!tpu.dma_semaphore, #tpu.memory_space<semaphore_mem>>
      %dma_start3A_140 = arith.constant 0 : i32
      %dma_start3A_141 = arith.constant 0 : i32
      %dma_start3A_142 = tpu.memref_slice %arg4[%add3A, %dma_start3A_140, %dma_start3A_141] : memref<32x125x80xi32, #tpu.memory_space<hbm>> -> memref<1x125x80xi32, #tpu.memory_space<hbm>>
      %dma_start3A_143 = tpu.memref_squeeze %dma_start3A_142 : memref<1x125x80xi32, #tpu.memory_space<hbm>> -> memref<125x80xi32, #tpu.memory_space<hbm>>
      %dma_start3A_144 = arith.constant 0 : i32
      %dma_start3A_145 = arith.constant 0 : i32
      %dma_start3A_146 = tpu.memref_slice %arg4[%add3A, %dma_start3A_144, %dma_start3A_145] : memref<32x125x80xi32, #tpu.memory_space<hbm>> -> memref<1x125x80xi32, #tpu.memory_space<hbm>>
      %dma_start3A_147 = tpu.memref_squeeze %dma_start3A_146 : memref<1x125x80xi32, #tpu.memory_space<hbm>> -> memref<125x80xi32, #tpu.memory_space<hbm>>
      tpu.enqueue_dma source(%dma_start3A_147 : memref<125x80xi32, #tpu.memory_space<hbm>>) target(%arg8 : memref<125x80xi32, #tpu.memory_space<vmem>>) target_semaphore(%run_scoped3A : memref<!tpu.dma_semaphore, #tpu.memory_space<semaphore_mem>>)
      %dma_wait3A_148 = arith.constant 0 : i32
      %dma_wait3A_149 = arith.constant 0 : i32
      %dma_wait3A_150 = tpu.memref_slice %arg4[%add3A, %dma_wait3A_148, %dma_wait3A_149] : memref<32x125x80xi32, #tpu.memory_space<hbm>> -> memref<1x125x80xi32, #tpu.memory_space<hbm>>
      %dma_wait3A_151 = tpu.memref_squeeze %dma_wait3A_150 : memref<1x125x80xi32, #tpu.memory_space<hbm>> -> memref<125x80xi32, #tpu.memory_space<hbm>>
      %dma_wait3A_152 = arith.constant 0 : i32
      %dma_wait3A_153 = arith.constant 0 : i32
      %dma_wait3A_154 = tpu.memref_slice %arg4[%add3A, %dma_wait3A_152, %dma_wait3A_153] : memref<32x125x80xi32, #tpu.memory_space<hbm>> -> memref<1x125x80xi32, #tpu.memory_space<hbm>>
      %dma_wait3A_155 = tpu.memref_squeeze %dma_wait3A_154 : memref<1x125x80xi32, #tpu.memory_space<hbm>> -> memref<125x80xi32, #tpu.memory_space<hbm>>
      tpu.wait_dma2 semaphore(%run_scoped3A : memref<!tpu.dma_semaphore, #tpu.memory_space<semaphore_mem>>) src(%dma_wait3A_155 : memref<125x80xi32, #tpu.memory_space<hbm>>) dst(%arg8 : memref<125x80xi32, #tpu.memory_space<vmem>>)
      tpu.yield
    }) : () -> ()
    %barrier3A = arith.constant 0 : index
    tpu.barrier barrier_id(%barrier3A)
    %multiple_of3A_51 = arith.constant 0 : i32
    %multiple_of3A_52 = tpu.assume_multiple %multiple_of3A_51, 8 : i32
    %dma_start3A = tpu.memref_slice %arg7[%multiple_of3A_52] : memref<10000xi32, #tpu.memory_space<vmem>> -> memref<80xi32, #tpu.memory_space<vmem>>
    %dma_start3A_53 = arith.constant 0 : i32
    %dma_start3A_54 = arith.constant 0 : i32
    %dma_start3A_55 = tpu.memref_slice %arg2[%dma_start3A_53, %dma_start3A_54] : memref<10000x128xf32, #tpu.memory_space<hbm>> -> memref<10000x128xf32, #tpu.memory_space<hbm>>
    tpu.enqueue_indirect_dma source(%dma_start3A_55 : memref<10000x128xf32, #tpu.memory_space<hbm>>) target(%arg9 : memref<80x128xf32, #tpu.memory_space<vmem>>) offsets(%dma_start3A : memref<80xi32, #tpu.memory_space<vmem>>) semaphore(%arg11 : memref<!tpu.dma_semaphore, #tpu.memory_space<semaphore_mem>>)
    %multiple_of3A_56 = arith.constant 0 : i32
    %multiple_of3A_57 = tpu.assume_multiple %multiple_of3A_56, 8 : i32
    %dma_wait3A = tpu.memref_slice %arg7[%multiple_of3A_57] : memref<10000xi32, #tpu.memory_space<vmem>> -> memref<80xi32, #tpu.memory_space<vmem>>
    %dma_wait3A_58 = arith.constant 0 : i32
    %dma_wait3A_59 = arith.constant 0 : i32
    %dma_wait3A_60 = tpu.memref_slice %arg2[%dma_wait3A_58, %dma_wait3A_59] : memref<10000x128xf32, #tpu.memory_space<hbm>> -> memref<10000x128xf32, #tpu.memory_space<hbm>>
    tpu.wait_indirect_dma semaphore(%arg11 : memref<!tpu.dma_semaphore, #tpu.memory_space<semaphore_mem>>) src(%dma_wait3A_60 : memref<10000x128xf32, #tpu.memory_space<hbm>>) dst(%arg9 : memref<80x128xf32, #tpu.memory_space<vmem>>)
    %dma_start3A_61 = arith.constant 0 : i32
    %dma_start3A_62 = arith.constant 0 : i32
    %dma_start3A_63 = tpu.memref_slice %arg8[%dma_start3A_61, %dma_start3A_62] : memref<125x80xi32, #tpu.memory_space<vmem>> -> memref<1x80xi32, #tpu.memory_space<vmem>>
    %dma_start3A_64 = tpu.memref_squeeze %dma_start3A_63 : memref<1x80xi32, #tpu.memory_space<vmem>> -> memref<80xi32, #tpu.memory_space<vmem>>
    %dma_start3A_65 = arith.constant 0 : i32
    %dma_start3A_66 = arith.constant 0 : i32
    %dma_start3A_67 = tpu.memref_slice %arg6[%dma_start3A_65, %dma_start3A_66] : memref<10240x128xf32, #tpu.memory_space<vmem_shared>> -> memref<10240x128xf32, #tpu.memory_space<vmem_shared>>
    tpu.enqueue_indirect_dma source(%arg9 : memref<80x128xf32, #tpu.memory_space<vmem>>) target(%dma_start3A_67 : memref<10240x128xf32, #tpu.memory_space<vmem_shared>>) offsets(%dma_start3A_64 : memref<80xi32, #tpu.memory_space<vmem>>) semaphore(%arg13 : memref<!tpu.dma_semaphore, #tpu.memory_space<semaphore_mem>>) {add = true}
    %multiple_of3A_68 = arith.constant 80 : i32
    %multiple_of3A_69 = tpu.assume_multiple %multiple_of3A_68, 8 : i32
    %dma_start3A_70 = tpu.memref_slice %arg7[%multiple_of3A_69] : memref<10000xi32, #tpu.memory_space<vmem>> -> memref<80xi32, #tpu.memory_space<vmem>>
    %dma_start3A_71 = arith.constant 0 : i32
    %dma_start3A_72 = arith.constant 0 : i32
    %dma_start3A_73 = tpu.memref_slice %arg2[%dma_start3A_71, %dma_start3A_72] : memref<10000x128xf32, #tpu.memory_space<hbm>> -> memref<10000x128xf32, #tpu.memory_space<hbm>>
    tpu.enqueue_indirect_dma source(%dma_start3A_73 : memref<10000x128xf32, #tpu.memory_space<hbm>>) target(%arg10 : memref<80x128xf32, #tpu.memory_space<vmem>>) offsets(%dma_start3A_70 : memref<80xi32, #tpu.memory_space<vmem>>) semaphore(%arg12 : memref<!tpu.dma_semaphore, #tpu.memory_space<semaphore_mem>>)
    %scan3A_74 = arith.constant 0 : i32
    %scan3A_75 = arith.constant 0 : i32
    %scan3A_76 = arith.constant 61 : i32
    %scan3A_77 = arith.addi %scan3A_75, %scan3A_76 : i32
    %scan3A_78 = arith.constant 1 : i32
    scf.for %scan3A_140 = %scan3A_75 to %scan3A_77 step %scan3A_78  : i32 {
      %mul3A_141 = arith.constant 2 : i32
      %mul3A_142 = arith.muli %mul3A_141, %scan3A_140 : i32
      %add3A_143 = arith.constant 1 : i32
      %add3A_144 = arith.addi %mul3A_142, %add3A_143 : i32
      %multiple_of3A_145 = arith.constant 0 : i32
      %multiple_of3A_146 = tpu.assume_multiple %multiple_of3A_145, 8 : i32
      %dma_wait3A_147 = tpu.memref_slice %arg7[%multiple_of3A_146] : memref<10000xi32, #tpu.memory_space<vmem>> -> memref<80xi32, #tpu.memory_space<vmem>>
      %dma_wait3A_148 = arith.constant 0 : i32
      %dma_wait3A_149 = arith.constant 0 : i32
      %dma_wait3A_150 = tpu.memref_slice %arg2[%dma_wait3A_148, %dma_wait3A_149] : memref<10000x128xf32, #tpu.memory_space<hbm>> -> memref<10000x128xf32, #tpu.memory_space<hbm>>
      tpu.wait_indirect_dma semaphore(%arg12 : memref<!tpu.dma_semaphore, #tpu.memory_space<semaphore_mem>>) src(%dma_wait3A_150 : memref<10000x128xf32, #tpu.memory_space<hbm>>) dst(%arg10 : memref<80x128xf32, #tpu.memory_space<vmem>>)
      %dma_start3A_151 = arith.constant 0 : i32
      %dma_start3A_152 = tpu.memref_slice %arg8[%add3A_144, %dma_start3A_151] : memref<125x80xi32, #tpu.memory_space<vmem>> -> memref<1x80xi32, #tpu.memory_space<vmem>>
      %dma_start3A_153 = tpu.memref_squeeze %dma_start3A_152 : memref<1x80xi32, #tpu.memory_space<vmem>> -> memref<80xi32, #tpu.memory_space<vmem>>
      %dma_start3A_154 = arith.constant 0 : i32
      %dma_start3A_155 = arith.constant 0 : i32
      %dma_start3A_156 = tpu.memref_slice %arg6[%dma_start3A_154, %dma_start3A_155] : memref<10240x128xf32, #tpu.memory_space<vmem_shared>> -> memref<10240x128xf32, #tpu.memory_space<vmem_shared>>
      tpu.enqueue_indirect_dma source(%arg10 : memref<80x128xf32, #tpu.memory_space<vmem>>) target(%dma_start3A_156 : memref<10240x128xf32, #tpu.memory_space<vmem_shared>>) offsets(%dma_start3A_153 : memref<80xi32, #tpu.memory_space<vmem>>) semaphore(%arg14 : memref<!tpu.dma_semaphore, #tpu.memory_space<semaphore_mem>>) {add = true}
      %dma_wait3A_157 = arith.constant 0 : i32
      %dma_wait3A_158 = arith.constant 0 : i32
      %dma_wait3A_159 = tpu.memref_slice %arg8[%dma_wait3A_157, %dma_wait3A_158] : memref<125x80xi32, #tpu.memory_space<vmem>> -> memref<1x80xi32, #tpu.memory_space<vmem>>
      %dma_wait3A_160 = tpu.memref_squeeze %dma_wait3A_159 : memref<1x80xi32, #tpu.memory_space<vmem>> -> memref<80xi32, #tpu.memory_space<vmem>>
      %dma_wait3A_161 = arith.constant 0 : i32
      %dma_wait3A_162 = arith.constant 0 : i32
      %dma_wait3A_163 = tpu.memref_slice %arg6[%dma_wait3A_161, %dma_wait3A_162] : memref<10240x128xf32, #tpu.memory_space<vmem_shared>> -> memref<10240x128xf32, #tpu.memory_space<vmem_shared>>
      tpu.wait_indirect_dma semaphore(%arg13 : memref<!tpu.dma_semaphore, #tpu.memory_space<semaphore_mem>>) src(%arg9 : memref<80x128xf32, #tpu.memory_space<vmem>>) dst(%dma_wait3A_163 : memref<10240x128xf32, #tpu.memory_space<vmem_shared>>)
      %add3A_164 = arith.constant 1 : i32
      %add3A_165 = arith.addi %add3A_144, %add3A_164 : i32
      %mul3A_166 = arith.constant 80 : i32
      %mul3A_167 = arith.muli %add3A_165, %mul3A_166 : i32
      %multiple_of3A_168 = tpu.assume_multiple %mul3A_167, 8 : i32
      %dma_start3A_169 = tpu.memref_slice %arg7[%multiple_of3A_168] : memref<10000xi32, #tpu.memory_space<vmem>> -> memref<80xi32, #tpu.memory_space<vmem>>
      %dma_start3A_170 = arith.constant 0 : i32
      %dma_start3A_171 = arith.constant 0 : i32
      %dma_start3A_172 = tpu.memref_slice %arg2[%dma_start3A_170, %dma_start3A_171] : memref<10000x128xf32, #tpu.memory_space<hbm>> -> memref<10000x128xf32, #tpu.memory_space<hbm>>
      tpu.enqueue_indirect_dma source(%dma_start3A_172 : memref<10000x128xf32, #tpu.memory_space<hbm>>) target(%arg9 : memref<80x128xf32, #tpu.memory_space<vmem>>) offsets(%dma_start3A_169 : memref<80xi32, #tpu.memory_space<vmem>>) semaphore(%arg11 : memref<!tpu.dma_semaphore, #tpu.memory_space<semaphore_mem>>)
      %multiple_of3A_173 = arith.constant 0 : i32
      %multiple_of3A_174 = tpu.assume_multiple %multiple_of3A_173, 8 : i32
      %dma_wait3A_175 = tpu.memref_slice %arg7[%multiple_of3A_174] : memref<10000xi32, #tpu.memory_space<vmem>> -> memref<80xi32, #tpu.memory_space<vmem>>
      %dma_wait3A_176 = arith.constant 0 : i32
      %dma_wait3A_177 = arith.constant 0 : i32
      %dma_wait3A_178 = tpu.memref_slice %arg2[%dma_wait3A_176, %dma_wait3A_177] : memref<10000x128xf32, #tpu.memory_space<hbm>> -> memref<10000x128xf32, #tpu.memory_space<hbm>>
      tpu.wait_indirect_dma semaphore(%arg11 : memref<!tpu.dma_semaphore, #tpu.memory_space<semaphore_mem>>) src(%dma_wait3A_178 : memref<10000x128xf32, #tpu.memory_space<hbm>>) dst(%arg9 : memref<80x128xf32, #tpu.memory_space<vmem>>)
      %add3A_179 = arith.constant 1 : i32
      %add3A_180 = arith.addi %add3A_144, %add3A_179 : i32
      %dma_start3A_181 = arith.constant 0 : i32
      %dma_start3A_182 = tpu.memref_slice %arg8[%add3A_180, %dma_start3A_181] : memref<125x80xi32, #tpu.memory_space<vmem>> -> memref<1x80xi32, #tpu.memory_space<vmem>>
      %dma_start3A_183 = tpu.memref_squeeze %dma_start3A_182 : memref<1x80xi32, #tpu.memory_space<vmem>> -> memref<80xi32, #tpu.memory_space<vmem>>
      %dma_start3A_184 = arith.constant 0 : i32
      %dma_start3A_185 = arith.constant 0 : i32
      %dma_start3A_186 = tpu.memref_slice %arg6[%dma_start3A_184, %dma_start3A_185] : memref<10240x128xf32, #tpu.memory_space<vmem_shared>> -> memref<10240x128xf32, #tpu.memory_space<vmem_shared>>
      tpu.enqueue_indirect_dma source(%arg9 : memref<80x128xf32, #tpu.memory_space<vmem>>) target(%dma_start3A_186 : memref<10240x128xf32, #tpu.memory_space<vmem_shared>>) offsets(%dma_start3A_183 : memref<80xi32, #tpu.memory_space<vmem>>) semaphore(%arg13 : memref<!tpu.dma_semaphore, #tpu.memory_space<semaphore_mem>>) {add = true}
      %dma_wait3A_187 = arith.constant 0 : i32
      %dma_wait3A_188 = arith.constant 0 : i32
      %dma_wait3A_189 = tpu.memref_slice %arg8[%dma_wait3A_187, %dma_wait3A_188] : memref<125x80xi32, #tpu.memory_space<vmem>> -> memref<1x80xi32, #tpu.memory_space<vmem>>
      %dma_wait3A_190 = tpu.memref_squeeze %dma_wait3A_189 : memref<1x80xi32, #tpu.memory_space<vmem>> -> memref<80xi32, #tpu.memory_space<vmem>>
      %dma_wait3A_191 = arith.constant 0 : i32
      %dma_wait3A_192 = arith.constant 0 : i32
      %dma_wait3A_193 = tpu.memref_slice %arg6[%dma_wait3A_191, %dma_wait3A_192] : memref<10240x128xf32, #tpu.memory_space<vmem_shared>> -> memref<10240x128xf32, #tpu.memory_space<vmem_shared>>
      tpu.wait_indirect_dma semaphore(%arg14 : memref<!tpu.dma_semaphore, #tpu.memory_space<semaphore_mem>>) src(%arg10 : memref<80x128xf32, #tpu.memory_space<vmem>>) dst(%dma_wait3A_193 : memref<10240x128xf32, #tpu.memory_space<vmem_shared>>)
      %add3A_194 = arith.constant 2 : i32
      %add3A_195 = arith.addi %add3A_144, %add3A_194 : i32
      %mul3A_196 = arith.constant 80 : i32
      %mul3A_197 = arith.muli %add3A_195, %mul3A_196 : i32
      %multiple_of3A_198 = tpu.assume_multiple %mul3A_197, 8 : i32
      %dma_start3A_199 = tpu.memref_slice %arg7[%multiple_of3A_198] : memref<10000xi32, #tpu.memory_space<vmem>> -> memref<80xi32, #tpu.memory_space<vmem>>
      %dma_start3A_200 = arith.constant 0 : i32
      %dma_start3A_201 = arith.constant 0 : i32
      %dma_start3A_202 = tpu.memref_slice %arg2[%dma_start3A_200, %dma_start3A_201] : memref<10000x128xf32, #tpu.memory_space<hbm>> -> memref<10000x128xf32, #tpu.memory_space<hbm>>
      tpu.enqueue_indirect_dma source(%dma_start3A_202 : memref<10000x128xf32, #tpu.memory_space<hbm>>) target(%arg10 : memref<80x128xf32, #tpu.memory_space<vmem>>) offsets(%dma_start3A_199 : memref<80xi32, #tpu.memory_space<vmem>>) semaphore(%arg12 : memref<!tpu.dma_semaphore, #tpu.memory_space<semaphore_mem>>)
    }
    %scan3A_79 = arith.constant 61 : i32
    %multiple_of3A_80 = arith.constant 0 : i32
    %multiple_of3A_81 = tpu.assume_multiple %multiple_of3A_80, 8 : i32
    %dma_wait3A_82 = tpu.memref_slice %arg7[%multiple_of3A_81] : memref<10000xi32, #tpu.memory_space<vmem>> -> memref<80xi32, #tpu.memory_space<vmem>>
    %dma_wait3A_83 = arith.constant 0 : i32
    %dma_wait3A_84 = arith.constant 0 : i32
    %dma_wait3A_85 = tpu.memref_slice %arg2[%dma_wait3A_83, %dma_wait3A_84] : memref<10000x128xf32, #tpu.memory_space<hbm>> -> memref<10000x128xf32, #tpu.memory_space<hbm>>
    tpu.wait_indirect_dma semaphore(%arg12 : memref<!tpu.dma_semaphore, #tpu.memory_space<semaphore_mem>>) src(%dma_wait3A_85 : memref<10000x128xf32, #tpu.memory_space<hbm>>) dst(%arg10 : memref<80x128xf32, #tpu.memory_space<vmem>>)
    %dma_start3A_86 = arith.constant 123 : i32
    %dma_start3A_87 = arith.constant 0 : i32
    %dma_start3A_88 = tpu.memref_slice %arg8[%dma_start3A_86, %dma_start3A_87] : memref<125x80xi32, #tpu.memory_space<vmem>> -> memref<1x80xi32, #tpu.memory_space<vmem>>
    %dma_start3A_89 = tpu.memref_squeeze %dma_start3A_88 : memref<1x80xi32, #tpu.memory_space<vmem>> -> memref<80xi32, #tpu.memory_space<vmem>>
    %dma_start3A_90 = arith.constant 0 : i32
    %dma_start3A_91 = arith.constant 0 : i32
    %dma_start3A_92 = tpu.memref_slice %arg6[%dma_start3A_90, %dma_start3A_91] : memref<10240x128xf32, #tpu.memory_space<vmem_shared>> -> memref<10240x128xf32, #tpu.memory_space<vmem_shared>>
    tpu.enqueue_indirect_dma source(%arg10 : memref<80x128xf32, #tpu.memory_space<vmem>>) target(%dma_start3A_92 : memref<10240x128xf32, #tpu.memory_space<vmem_shared>>) offsets(%dma_start3A_89 : memref<80xi32, #tpu.memory_space<vmem>>) semaphore(%arg14 : memref<!tpu.dma_semaphore, #tpu.memory_space<semaphore_mem>>) {add = true}
    %dma_wait3A_93 = arith.constant 0 : i32
    %dma_wait3A_94 = arith.constant 0 : i32
    %dma_wait3A_95 = tpu.memref_slice %arg8[%dma_wait3A_93, %dma_wait3A_94] : memref<125x80xi32, #tpu.memory_space<vmem>> -> memref<1x80xi32, #tpu.memory_space<vmem>>
    %dma_wait3A_96 = tpu.memref_squeeze %dma_wait3A_95 : memref<1x80xi32, #tpu.memory_space<vmem>> -> memref<80xi32, #tpu.memory_space<vmem>>
    %dma_wait3A_97 = arith.constant 0 : i32
    %dma_wait3A_98 = arith.constant 0 : i32
    %dma_wait3A_99 = tpu.memref_slice %arg6[%dma_wait3A_97, %dma_wait3A_98] : memref<10240x128xf32, #tpu.memory_space<vmem_shared>> -> memref<10240x128xf32, #tpu.memory_space<vmem_shared>>
    tpu.wait_indirect_dma semaphore(%arg13 : memref<!tpu.dma_semaphore, #tpu.memory_space<semaphore_mem>>) src(%arg9 : memref<80x128xf32, #tpu.memory_space<vmem>>) dst(%dma_wait3A_99 : memref<10240x128xf32, #tpu.memory_space<vmem_shared>>)
    %multiple_of3A_100 = arith.constant 9920 : i32
    %multiple_of3A_101 = tpu.assume_multiple %multiple_of3A_100, 8 : i32
    %dma_start3A_102 = tpu.memref_slice %arg7[%multiple_of3A_101] : memref<10000xi32, #tpu.memory_space<vmem>> -> memref<80xi32, #tpu.memory_space<vmem>>
    %dma_start3A_103 = arith.constant 0 : i32
    %dma_start3A_104 = arith.constant 0 : i32
    %dma_start3A_105 = tpu.memref_slice %arg2[%dma_start3A_103, %dma_start3A_104] : memref<10000x128xf32, #tpu.memory_space<hbm>> -> memref<10000x128xf32, #tpu.memory_space<hbm>>
    tpu.enqueue_indirect_dma source(%dma_start3A_105 : memref<10000x128xf32, #tpu.memory_space<hbm>>) target(%arg9 : memref<80x128xf32, #tpu.memory_space<vmem>>) offsets(%dma_start3A_102 : memref<80xi32, #tpu.memory_space<vmem>>) semaphore(%arg11 : memref<!tpu.dma_semaphore, #tpu.memory_space<semaphore_mem>>)
    %multiple_of3A_106 = arith.constant 0 : i32
    %multiple_of3A_107 = tpu.assume_multiple %multiple_of3A_106, 8 : i32
    %dma_wait3A_108 = tpu.memref_slice %arg7[%multiple_of3A_107] : memref<10000xi32, #tpu.memory_space<vmem>> -> memref<80xi32, #tpu.memory_space<vmem>>
    %dma_wait3A_109 = arith.constant 0 : i32
    %dma_wait3A_110 = arith.constant 0 : i32
    %dma_wait3A_111 = tpu.memref_slice %arg2[%dma_wait3A_109, %dma_wait3A_110] : memref<10000x128xf32, #tpu.memory_space<hbm>> -> memref<10000x128xf32, #tpu.memory_space<hbm>>
    tpu.wait_indirect_dma semaphore(%arg11 : memref<!tpu.dma_semaphore, #tpu.memory_space<semaphore_mem>>) src(%dma_wait3A_111 : memref<10000x128xf32, #tpu.memory_space<hbm>>) dst(%arg9 : memref<80x128xf32, #tpu.memory_space<vmem>>)
    %dma_start3A_112 = arith.constant 124 : i32
    %dma_start3A_113 = arith.constant 0 : i32
    %dma_start3A_114 = tpu.memref_slice %arg8[%dma_start3A_112, %dma_start3A_113] : memref<125x80xi32, #tpu.memory_space<vmem>> -> memref<1x80xi32, #tpu.memory_space<vmem>>
    %dma_start3A_115 = tpu.memref_squeeze %dma_start3A_114 : memref<1x80xi32, #tpu.memory_space<vmem>> -> memref<80xi32, #tpu.memory_space<vmem>>
    %dma_start3A_116 = arith.constant 0 : i32
    %dma_start3A_117 = arith.constant 0 : i32
    %dma_start3A_118 = tpu.memref_slice %arg6[%dma_start3A_116, %dma_start3A_117] : memref<10240x128xf32, #tpu.memory_space<vmem_shared>> -> memref<10240x128xf32, #tpu.memory_space<vmem_shared>>
    tpu.enqueue_indirect_dma source(%arg9 : memref<80x128xf32, #tpu.memory_space<vmem>>) target(%dma_start3A_118 : memref<10240x128xf32, #tpu.memory_space<vmem_shared>>) offsets(%dma_start3A_115 : memref<80xi32, #tpu.memory_space<vmem>>) semaphore(%arg13 : memref<!tpu.dma_semaphore, #tpu.memory_space<semaphore_mem>>) {add = true}
    %dma_wait3A_119 = arith.constant 0 : i32
    %dma_wait3A_120 = arith.constant 0 : i32
    %dma_wait3A_121 = tpu.memref_slice %arg8[%dma_wait3A_119, %dma_wait3A_120] : memref<125x80xi32, #tpu.memory_space<vmem>> -> memref<1x80xi32, #tpu.memory_space<vmem>>
    %dma_wait3A_122 = tpu.memref_squeeze %dma_wait3A_121 : memref<1x80xi32, #tpu.memory_space<vmem>> -> memref<80xi32, #tpu.memory_space<vmem>>
    %dma_wait3A_123 = arith.constant 0 : i32
    %dma_wait3A_124 = arith.constant 0 : i32
    %dma_wait3A_125 = tpu.memref_slice %arg6[%dma_wait3A_123, %dma_wait3A_124] : memref<10240x128xf32, #tpu.memory_space<vmem_shared>> -> memref<10240x128xf32, #tpu.memory_space<vmem_shared>>
    tpu.wait_indirect_dma semaphore(%arg14 : memref<!tpu.dma_semaphore, #tpu.memory_space<semaphore_mem>>) src(%arg10 : memref<80x128xf32, #tpu.memory_space<vmem>>) dst(%dma_wait3A_125 : memref<10240x128xf32, #tpu.memory_space<vmem_shared>>)
    %dma_wait3A_126 = arith.constant 0 : i32
    %dma_wait3A_127 = arith.constant 0 : i32
    %dma_wait3A_128 = tpu.memref_slice %arg8[%dma_wait3A_126, %dma_wait3A_127] : memref<125x80xi32, #tpu.memory_space<vmem>> -> memref<1x80xi32, #tpu.memory_space<vmem>>
    %dma_wait3A_129 = tpu.memref_squeeze %dma_wait3A_128 : memref<1x80xi32, #tpu.memory_space<vmem>> -> memref<80xi32, #tpu.memory_space<vmem>>
    %dma_wait3A_130 = arith.constant 0 : i32
    %dma_wait3A_131 = arith.constant 0 : i32
    %dma_wait3A_132 = tpu.memref_slice %arg6[%dma_wait3A_130, %dma_wait3A_131] : memref<10240x128xf32, #tpu.memory_space<vmem_shared>> -> memref<10240x128xf32, #tpu.memory_space<vmem_shared>>
    tpu.wait_indirect_dma semaphore(%arg13 : memref<!tpu.dma_semaphore, #tpu.memory_space<semaphore_mem>>) src(%arg9 : memref<80x128xf32, #tpu.memory_space<vmem>>) dst(%dma_wait3A_132 : memref<10240x128xf32, #tpu.memory_space<vmem_shared>>)
    %barrier3A_133 = arith.constant 0 : index
    tpu.barrier barrier_id(%barrier3A_133)
    %mul3A_134 = arith.constant 10240 : i32
    %mul3A_135 = arith.muli %arg0, %mul3A_134 : i32
    %mul3A_136 = arith.constant 640 : i32
    %mul3A_137 = arith.muli %arg1, %mul3A_136 : i32
    %add3A_138 = arith.addi %mul3A_135, %mul3A_137 : i32
    %multiple_of3A_139 = tpu.assume_multiple %add3A_138, 8 : i32
    "tpu.region"() ({
      %run_scoped3A = tpu.sem_alloc : memref<!tpu.dma_semaphore, #tpu.memory_space<semaphore_mem>>
      %dma_start3A_140 = arith.constant 0 : i32
      %dma_start3A_141 = tpu.memref_slice %arg5[%multiple_of3A_139, %dma_start3A_140] : memref<20480x128xf32, #tpu.memory_space<hbm>> -> memref<640x128xf32, #tpu.memory_space<hbm>>
      %dma_start3A_142 = arith.constant 0 : i32
      %dma_start3A_143 = tpu.memref_slice %arg6[%multiple_of3A, %dma_start3A_142] : memref<10240x128xf32, #tpu.memory_space<vmem_shared>> -> memref<640x128xf32, #tpu.memory_space<vmem_shared>>
      tpu.enqueue_dma source(%dma_start3A_143 : memref<640x128xf32, #tpu.memory_space<vmem_shared>>) target(%dma_start3A_141 : memref<640x128xf32, #tpu.memory_space<hbm>>) target_semaphore(%run_scoped3A : memref<!tpu.dma_semaphore, #tpu.memory_space<semaphore_mem>>)
      %dma_wait3A_144 = arith.constant 0 : i32
      %dma_wait3A_145 = tpu.memref_slice %arg5[%multiple_of3A_139, %dma_wait3A_144] : memref<20480x128xf32, #tpu.memory_space<hbm>> -> memref<640x128xf32, #tpu.memory_space<hbm>>
      %dma_wait3A_146 = arith.constant 0 : i32
      %dma_wait3A_147 = tpu.memref_slice %arg6[%multiple_of3A, %dma_wait3A_146] : memref<10240x128xf32, #tpu.memory_space<vmem_shared>> -> memref<640x128xf32, #tpu.memory_space<vmem_shared>>
      tpu.wait_dma2 semaphore(%run_scoped3A : memref<!tpu.dma_semaphore, #tpu.memory_space<semaphore_mem>>) src(%dma_wait3A_147 : memref<640x128xf32, #tpu.memory_space<vmem_shared>>) dst(%dma_wait3A_145 : memref<640x128xf32, #tpu.memory_space<hbm>>)
      tpu.yield
    }) : () -> ()
    return
  }
}

module attributes {stable_mosaic.version = 14 : i64} {
  func.func @_den_body(%arg0: i32, %arg1: memref<2x2000x128xf32, #tpu.memory_space<vmem>>, %arg2: memref<2000x1xf32, #tpu.memory_space<vmem>>) attributes {dimension_semantics = [#tpu.dimension_semantics<arbitrary>], iteration_bounds = array<i64: 5>, scalar_prefetch = 0 : i64, scratch_operands = 0 : i64, tpu.core_type = #tpu.core_type<tc>, window_params = [{transform_indices = @transform_0, window_bounds = array<i64: 2, 2000, 128>}, {transform_indices = @transform_1, window_bounds = array<i64: 2000, 1>}]} {
    %get3A = arith.constant 0 : index
    %get3A_0 = arith.constant 0 : index
    %get3A_1 = arith.constant 0 : index
    %get3A_2 = vector.load %arg1[%get3A, %get3A_0, %get3A_1] : memref<2x2000x128xf32, #tpu.memory_space<vmem>>, vector<2x2000x128xf32>
    %reduce_sum3A = arith.constant dense<0.000000e+00> : vector<2000xf32>
    %reduce_sum3A_3 = vector.multi_reduction <add>, %get3A_2, %reduce_sum3A [0, 2] : vector<2x2000x128xf32> to vector<2000xf32>
    %add3A = arith.constant 1.000000e+00 : f32
    %add3A_4 = vector.broadcast %add3A : f32 to vector<2000xf32>
    %add3A_5 = arith.addf %reduce_sum3A_3, %add3A_4 : vector<2000xf32>
    %div3A = arith.constant 1.000000e+00 : f32
    %div3A_6 = vector.broadcast %div3A : f32 to vector<2000xf32>
    %div3A_7 = arith.divf %div3A_6, %add3A_5 : vector<2000xf32>
    %broadcast_in_dim3A = vector.shape_cast %div3A_7 : vector<2000xf32> to vector<2000x1xf32>
    %swap3A = arith.constant 0 : index
    %swap3A_8 = arith.constant 0 : index
    %swap3A_9 = vector.load %arg2[%swap3A, %swap3A_8] : memref<2000x1xf32, #tpu.memory_space<vmem>>, vector<2000x1xf32>
    tpu.vector_store %arg2[%swap3A, %swap3A_8], %broadcast_in_dim3A {strides = array<i32>} : memref<2000x1xf32, #tpu.memory_space<vmem>>, vector<2000x1xf32>,
    return
  }
  func.func @transform_0(%arg0: i32) -> (i32, i32, i32) {
    %c0_i32 = arith.constant 0 : i32
    %c0_i32_0 = arith.constant 0 : i32
    %c0_i32_1 = arith.constant 0 : i32
    return %c0_i32, %arg0, %c0_i32_0 : i32, i32, i32
  }
  func.func @transform_1(%arg0: i32) -> (i32, i32) {
    %c0_i32 = arith.constant 0 : i32
    %c0_i32_0 = arith.constant 0 : i32
    return %arg0, %c0_i32 : i32, i32
  }
}

module attributes {stable_mosaic.version = 14 : i64} {
  func.func @_inproj_body(%arg0: i32, %arg1: memref<2000x128xf32, #tpu.memory_space<vmem>>, %arg2: memref<128x128xf32, #tpu.memory_space<vmem>>, %arg3: memref<1x128xf32, #tpu.memory_space<vmem>>, %arg4: memref<2000x128xf32, #tpu.memory_space<vmem>>) attributes {dimension_semantics = [#tpu.dimension_semantics<arbitrary>], iteration_bounds = array<i64: 5>, scalar_prefetch = 0 : i64, scratch_operands = 0 : i64, tpu.core_type = #tpu.core_type<tc>, window_params = [{transform_indices = @transform_0, window_bounds = array<i64: 2000, 128>}, {pipeline_mode = #tpu.pipeline_mode<synchronous>, transform_indices = @transform_1, window_bounds = array<i64: 128, 128>}, {pipeline_mode = #tpu.pipeline_mode<synchronous>, transform_indices = @transform_2, window_bounds = array<i64: 1, 128>}, {transform_indices = @transform_3, window_bounds = array<i64: 2000, 128>}]} {
    %get3A = arith.constant 0 : index
    %get3A_0 = arith.constant 0 : index
    %get3A_1 = vector.load %arg1[%get3A, %get3A_0] : memref<2000x128xf32, #tpu.memory_space<vmem>>, vector<2000x128xf32>
    %get3A_2 = arith.constant 0 : index
    %get3A_3 = arith.constant 0 : index
    %get3A_4 = vector.load %arg2[%get3A_2, %get3A_3] : memref<128x128xf32, #tpu.memory_space<vmem>>, vector<128x128xf32>
    %dot_general3A = arith.constant dense<0.000000e+00> : vector<2000x128xf32>
    %dot_general3A_5 = tpu.matmul %get3A_1, %get3A_4, %dot_general3A {dimension_numbers = #tpu.dot_dimension_numbers<[1], [0], [0], [1], [0, 0, 1, 1], [], []>, transpose_lhs_hint = false} : vector<2000x128xf32>, vector<128x128xf32>, vector<2000x128xf32> -> vector<2000x128xf32>
    %get3A_6 = arith.constant 0 : index
    %get3A_7 = arith.constant 0 : index
    %get3A_8 = vector.load %arg3[%get3A_6, %get3A_7] : memref<1x128xf32, #tpu.memory_space<vmem>>, vector<1x128xf32>
    %add3A = vector.broadcast %get3A_8 : vector<1x128xf32> to vector<2000x128xf32>
    %add3A_9 = arith.addf %dot_general3A_5, %add3A : vector<2000x128xf32>
    %swap3A = arith.constant 0 : index
    %swap3A_10 = arith.constant 0 : index
    %swap3A_11 = vector.load %arg4[%swap3A, %swap3A_10] : memref<2000x128xf32, #tpu.memory_space<vmem>>, vector<2000x128xf32>
    tpu.vector_store %arg4[%swap3A, %swap3A_10], %add3A_9 {strides = array<i32>} : memref<2000x128xf32, #tpu.memory_space<vmem>>, vector<2000x128xf32>,
    return
  }
  func.func @transform_0(%arg0: i32) -> (i32, i32) {
    %c0_i32 = arith.constant 0 : i32
    %c0_i32_0 = arith.constant 0 : i32
    return %arg0, %c0_i32 : i32, i32
  }
  func.func @transform_1(%arg0: i32) -> (i32, i32) {
    %c0_i32 = arith.constant 0 : i32
    %c0_i32_0 = arith.constant 0 : i32
    %c0_i32_1 = arith.constant 0 : i32
    return %c0_i32, %c0_i32_0 : i32, i32
  }
  func.func @transform_2(%arg0: i32) -> (i32, i32) {
    %c0_i32 = arith.constant 0 : i32
    %c0_i32_0 = arith.constant 0 : i32
    %c0_i32_1 = arith.constant 0 : i32
    return %c0_i32, %c0_i32_0 : i32, i32
  }
  func.func @transform_3(%arg0: i32) -> (i32, i32) {
    %c0_i32 = arith.constant 0 : i32
    %c0_i32_0 = arith.constant 0 : i32
    return %arg0, %c0_i32 : i32, i32
  }
}

module attributes {stable_mosaic.version = 14 : i64} {
  func.func @_update_body(%arg0: i32, %arg1: memref<2x2000x128xf32, #tpu.memory_space<vmem>>, %arg2: memref<2000x1xf32, #tpu.memory_space<vmem>>, %arg3: memref<2000x128xf32, #tpu.memory_space<vmem>>, %arg4: memref<128x128xf32, #tpu.memory_space<vmem>>, %arg5: memref<1x128xf32, #tpu.memory_space<vmem>>, %arg6: memref<1x128xf32, #tpu.memory_space<vmem>>, %arg7: memref<1x128xf32, #tpu.memory_space<vmem>>, %arg8: memref<128x64xf32, #tpu.memory_space<vmem>>, %arg9: memref<1x64xf32, #tpu.memory_space<vmem>>, %arg10: memref<2000x128xf32, #tpu.memory_space<vmem>>) attributes {dimension_semantics = [#tpu.dimension_semantics<arbitrary>], iteration_bounds = array<i64: 5>, scalar_prefetch = 0 : i64, scratch_operands = 0 : i64, tpu.core_type = #tpu.core_type<tc>, window_params = [{transform_indices = @transform_0, window_bounds = array<i64: 2, 2000, 128>}, {transform_indices = @transform_1, window_bounds = array<i64: 2000, 1>}, {transform_indices = @transform_2, window_bounds = array<i64: 2000, 128>}, {pipeline_mode = #tpu.pipeline_mode<synchronous>, transform_indices = @transform_3, window_bounds = array<i64: 128, 128>}, {pipeline_mode = #tpu.pipeline_mode<synchronous>, transform_indices = @transform_4, window_bounds = array<i64: 1, 128>}, {pipeline_mode = #tpu.pipeline_mode<synchronous>, transform_indices = @transform_5, window_bounds = array<i64: 1, 128>}, {pipeline_mode = #tpu.pipeline_mode<synchronous>, transform_indices = @transform_6, window_bounds = array<i64: 1, 128>}, {pipeline_mode = #tpu.pipeline_mode<synchronous>, transform_indices = @transform_7, window_bounds = array<i64: 128, 64>}, {pipeline_mode = #tpu.pipeline_mode<synchronous>, transform_indices = @transform_8, window_bounds = array<i64: 1, 64>}, {transform_indices = @transform_9, window_bounds = array<i64: 2000, 128>}]} {
    %get3A = arith.constant 0 : index
    %get3A_0 = arith.constant 0 : index
    %get3A_1 = arith.constant 0 : index
    %get3A_2 = vector.load %arg1[%get3A, %get3A_0, %get3A_1] : memref<2x2000x128xf32, #tpu.memory_space<vmem>>, vector<1x2000x128xf32>
    %get3A_3 = vector.shape_cast %get3A_2 : vector<1x2000x128xf32> to vector<2000x128xf32>
    %get3A_4 = arith.constant 1 : index
    %get3A_5 = arith.constant 0 : index
    %get3A_6 = arith.constant 0 : index
    %get3A_7 = vector.load %arg1[%get3A_4, %get3A_5, %get3A_6] : memref<2x2000x128xf32, #tpu.memory_space<vmem>>, vector<1x2000x128xf32>
    %get3A_8 = vector.shape_cast %get3A_7 : vector<1x2000x128xf32> to vector<2000x128xf32>
    %add3A = arith.addf %get3A_3, %get3A_8 : vector<2000x128xf32>
    %get3A_9 = arith.constant 0 : index
    %get3A_10 = arith.constant 0 : index
    %get3A_11 = vector.load %arg3[%get3A_9, %get3A_10] : memref<2000x128xf32, #tpu.memory_space<vmem>>, vector<2000x128xf32>
    %add3A_12 = arith.addf %add3A, %get3A_11 : vector<2000x128xf32>
    %get3A_13 = arith.constant 0 : index
    %get3A_14 = arith.constant 0 : index
    %get3A_15 = vector.load %arg2[%get3A_13, %get3A_14] : memref<2000x1xf32, #tpu.memory_space<vmem>>, vector<2000x1xf32>
    %mul3A = vector.broadcast %get3A_15 : vector<2000x1xf32> to vector<2000x128xf32>
    %mul3A_16 = arith.mulf %add3A_12, %mul3A : vector<2000x128xf32>
    %get3A_17 = arith.constant 0 : index
    %get3A_18 = arith.constant 0 : index
    %get3A_19 = vector.load %arg4[%get3A_17, %get3A_18] : memref<128x128xf32, #tpu.memory_space<vmem>>, vector<128x128xf32>
    %dot_general3A = arith.constant dense<0.000000e+00> : vector<2000x128xf32>
    %dot_general3A_20 = tpu.matmul %mul3A_16, %get3A_19, %dot_general3A {dimension_numbers = #tpu.dot_dimension_numbers<[1], [0], [0], [1], [0, 0, 1, 1], [], []>, transpose_lhs_hint = false} : vector<2000x128xf32>, vector<128x128xf32>, vector<2000x128xf32> -> vector<2000x128xf32>
    %get3A_21 = arith.constant 0 : index
    %get3A_22 = arith.constant 0 : index
    %get3A_23 = vector.load %arg5[%get3A_21, %get3A_22] : memref<1x128xf32, #tpu.memory_space<vmem>>, vector<1x128xf32>
    %add3A_24 = vector.broadcast %get3A_23 : vector<1x128xf32> to vector<2000x128xf32>
    %add3A_25 = arith.addf %dot_general3A_20, %add3A_24 : vector<2000x128xf32>
    %max3A = arith.constant 0.000000e+00 : f32
    %max3A_26 = vector.broadcast %max3A : f32 to vector<2000x128xf32>
    %max3A_27 = arith.maximumf %add3A_25, %max3A_26 : vector<2000x128xf32>
    %reduce_sum3A = arith.constant dense<0.000000e+00> : vector<2000xf32>
    %reduce_sum3A_28 = vector.multi_reduction <add>, %max3A_27, %reduce_sum3A [1] : vector<2000x128xf32> to vector<2000xf32>
    %broadcast_in_dim3A = vector.shape_cast %reduce_sum3A_28 : vector<2000xf32> to vector<2000x1xf32>
    %div3A = arith.constant 1.280000e+02 : f32
    %div3A_29 = vector.broadcast %div3A : f32 to vector<2000x1xf32>
    %div3A_30 = arith.divf %broadcast_in_dim3A, %div3A_29 : vector<2000x1xf32>
    %sub3A = vector.broadcast %div3A_30 : vector<2000x1xf32> to vector<2000x128xf32>
    %sub3A_31 = arith.subf %max3A_27, %sub3A : vector<2000x128xf32>
    %mul3A_32 = arith.mulf %sub3A_31, %sub3A_31 : vector<2000x128xf32>
    %reduce_sum3A_33 = arith.constant dense<0.000000e+00> : vector<2000xf32>
    %reduce_sum3A_34 = vector.multi_reduction <add>, %mul3A_32, %reduce_sum3A_33 [1] : vector<2000x128xf32> to vector<2000xf32>
    %broadcast_in_dim3A_35 = vector.shape_cast %reduce_sum3A_34 : vector<2000xf32> to vector<2000x1xf32>
    %div3A_36 = arith.constant 1.280000e+02 : f32
    %div3A_37 = vector.broadcast %div3A_36 : f32 to vector<2000x1xf32>
    %div3A_38 = arith.divf %broadcast_in_dim3A_35, %div3A_37 : vector<2000x1xf32>
    %add3A_39 = arith.constant 9.99999974E-6 : f32
    %add3A_40 = vector.broadcast %add3A_39 : f32 to vector<2000x1xf32>
    %add3A_41 = arith.addf %div3A_38, %add3A_40 : vector<2000x1xf32>
    %rsqrt3A = math.rsqrt %add3A_41 : vector<2000x1xf32>
    %mul3A_42 = vector.broadcast %rsqrt3A : vector<2000x1xf32> to vector<2000x128xf32>
    %mul3A_43 = arith.mulf %sub3A_31, %mul3A_42 : vector<2000x128xf32>
    %get3A_44 = arith.constant 0 : index
    %get3A_45 = arith.constant 0 : index
    %get3A_46 = vector.load %arg6[%get3A_44, %get3A_45] : memref<1x128xf32, #tpu.memory_space<vmem>>, vector<1x128xf32>
    %mul3A_47 = vector.broadcast %get3A_46 : vector<1x128xf32> to vector<2000x128xf32>
    %mul3A_48 = arith.mulf %mul3A_43, %mul3A_47 : vector<2000x128xf32>
    %get3A_49 = arith.constant 0 : index
    %get3A_50 = arith.constant 0 : index
    %get3A_51 = vector.load %arg7[%get3A_49, %get3A_50] : memref<1x128xf32, #tpu.memory_space<vmem>>, vector<1x128xf32>
    %add3A_52 = vector.broadcast %get3A_51 : vector<1x128xf32> to vector<2000x128xf32>
    %add3A_53 = arith.addf %mul3A_48, %add3A_52 : vector<2000x128xf32>
    %swap3A = arith.constant 0 : index
    %swap3A_54 = arith.constant 0 : index
    %swap3A_55 = vector.load %arg10[%swap3A, %swap3A_54] : memref<2000x128xf32, #tpu.memory_space<vmem>>, vector<2000x128xf32>
    tpu.vector_store %arg10[%swap3A, %swap3A_54], %add3A_53 {strides = array<i32>} : memref<2000x128xf32, #tpu.memory_space<vmem>>, vector<2000x128xf32>,
    return
  }
  func.func @transform_0(%arg0: i32) -> (i32, i32, i32) {
    %c0_i32 = arith.constant 0 : i32
    %c0_i32_0 = arith.constant 0 : i32
    %c0_i32_1 = arith.constant 0 : i32
    return %c0_i32, %arg0, %c0_i32_0 : i32, i32, i32
  }
  func.func @transform_1(%arg0: i32) -> (i32, i32) {
    %c0_i32 = arith.constant 0 : i32
    %c0_i32_0 = arith.constant 0 : i32
    return %arg0, %c0_i32 : i32, i32
  }
  func.func @transform_2(%arg0: i32) -> (i32, i32) {
    %c0_i32 = arith.constant 0 : i32
    %c0_i32_0 = arith.constant 0 : i32
    return %arg0, %c0_i32 : i32, i32
  }
  func.func @transform_3(%arg0: i32) -> (i32, i32) {
    %c0_i32 = arith.constant 0 : i32
    %c0_i32_0 = arith.constant 0 : i32
    %c0_i32_1 = arith.constant 0 : i32
    return %c0_i32, %c0_i32_0 : i32, i32
  }
  func.func @transform_4(%arg0: i32) -> (i32, i32) {
    %c0_i32 = arith.constant 0 : i32
    %c0_i32_0 = arith.constant 0 : i32
    %c0_i32_1 = arith.constant 0 : i32
    return %c0_i32, %c0_i32_0 : i32, i32
  }
  func.func @transform_5(%arg0: i32) -> (i32, i32) {
    %c0_i32 = arith.constant 0 : i32
    %c0_i32_0 = arith.constant 0 : i32
    %c0_i32_1 = arith.constant 0 : i32
    return %c0_i32, %c0_i32_0 : i32, i32
  }
  func.func @transform_6(%arg0: i32) -> (i32, i32) {
    %c0_i32 = arith.constant 0 : i32
    %c0_i32_0 = arith.constant 0 : i32
    %c0_i32_1 = arith.constant 0 : i32
    return %c0_i32, %c0_i32_0 : i32, i32
  }
  func.func @transform_7(%arg0: i32) -> (i32, i32) {
    %c0_i32 = arith.constant 0 : i32
    %c0_i32_0 = arith.constant 0 : i32
    %c0_i32_1 = arith.constant 0 : i32
    return %c0_i32, %c0_i32_0 : i32, i32
  }
  func.func @transform_8(%arg0: i32) -> (i32, i32) {
    %c0_i32 = arith.constant 0 : i32
    %c0_i32_0 = arith.constant 0 : i32
    %c0_i32_1 = arith.constant 0 : i32
    return %c0_i32, %c0_i32_0 : i32, i32
  }
  func.func @transform_9(%arg0: i32) -> (i32, i32) {
    %c0_i32 = arith.constant 0 : i32
    %c0_i32_0 = arith.constant 0 : i32
    return %arg0, %c0_i32 : i32, i32
  }
}

module attributes {stable_mosaic.version = 14 : i64} {
  func.func @_update_body(%arg0: i32, %arg1: memref<2x2000x128xf32, #tpu.memory_space<vmem>>, %arg2: memref<2000x1xf32, #tpu.memory_space<vmem>>, %arg3: memref<2000x128xf32, #tpu.memory_space<vmem>>, %arg4: memref<128x128xf32, #tpu.memory_space<vmem>>, %arg5: memref<1x128xf32, #tpu.memory_space<vmem>>, %arg6: memref<1x128xf32, #tpu.memory_space<vmem>>, %arg7: memref<1x128xf32, #tpu.memory_space<vmem>>, %arg8: memref<128x64xf32, #tpu.memory_space<vmem>>, %arg9: memref<1x64xf32, #tpu.memory_space<vmem>>, %arg10: memref<2000x64xf32, #tpu.memory_space<vmem>>) attributes {dimension_semantics = [#tpu.dimension_semantics<arbitrary>], iteration_bounds = array<i64: 5>, scalar_prefetch = 0 : i64, scratch_operands = 0 : i64, tpu.core_type = #tpu.core_type<tc>, window_params = [{transform_indices = @transform_0, window_bounds = array<i64: 2, 2000, 128>}, {transform_indices = @transform_1, window_bounds = array<i64: 2000, 1>}, {transform_indices = @transform_2, window_bounds = array<i64: 2000, 128>}, {pipeline_mode = #tpu.pipeline_mode<synchronous>, transform_indices = @transform_3, window_bounds = array<i64: 128, 128>}, {pipeline_mode = #tpu.pipeline_mode<synchronous>, transform_indices = @transform_4, window_bounds = array<i64: 1, 128>}, {pipeline_mode = #tpu.pipeline_mode<synchronous>, transform_indices = @transform_5, window_bounds = array<i64: 1, 128>}, {pipeline_mode = #tpu.pipeline_mode<synchronous>, transform_indices = @transform_6, window_bounds = array<i64: 1, 128>}, {pipeline_mode = #tpu.pipeline_mode<synchronous>, transform_indices = @transform_7, window_bounds = array<i64: 128, 64>}, {pipeline_mode = #tpu.pipeline_mode<synchronous>, transform_indices = @transform_8, window_bounds = array<i64: 1, 64>}, {transform_indices = @transform_9, window_bounds = array<i64: 2000, 64>}]} {
    %get3A = arith.constant 0 : index
    %get3A_0 = arith.constant 0 : index
    %get3A_1 = arith.constant 0 : index
    %get3A_2 = vector.load %arg1[%get3A, %get3A_0, %get3A_1] : memref<2x2000x128xf32, #tpu.memory_space<vmem>>, vector<1x2000x128xf32>
    %get3A_3 = vector.shape_cast %get3A_2 : vector<1x2000x128xf32> to vector<2000x128xf32>
    %get3A_4 = arith.constant 1 : index
    %get3A_5 = arith.constant 0 : index
    %get3A_6 = arith.constant 0 : index
    %get3A_7 = vector.load %arg1[%get3A_4, %get3A_5, %get3A_6] : memref<2x2000x128xf32, #tpu.memory_space<vmem>>, vector<1x2000x128xf32>
    %get3A_8 = vector.shape_cast %get3A_7 : vector<1x2000x128xf32> to vector<2000x128xf32>
    %add3A = arith.addf %get3A_3, %get3A_8 : vector<2000x128xf32>
    %get3A_9 = arith.constant 0 : index
    %get3A_10 = arith.constant 0 : index
    %get3A_11 = vector.load %arg3[%get3A_9, %get3A_10] : memref<2000x128xf32, #tpu.memory_space<vmem>>, vector<2000x128xf32>
    %add3A_12 = arith.addf %add3A, %get3A_11 : vector<2000x128xf32>
    %get3A_13 = arith.constant 0 : index
    %get3A_14 = arith.constant 0 : index
    %get3A_15 = vector.load %arg2[%get3A_13, %get3A_14] : memref<2000x1xf32, #tpu.memory_space<vmem>>, vector<2000x1xf32>
    %mul3A = vector.broadcast %get3A_15 : vector<2000x1xf32> to vector<2000x128xf32>
    %mul3A_16 = arith.mulf %add3A_12, %mul3A : vector<2000x128xf32>
    %get3A_17 = arith.constant 0 : index
    %get3A_18 = arith.constant 0 : index
    %get3A_19 = vector.load %arg4[%get3A_17, %get3A_18] : memref<128x128xf32, #tpu.memory_space<vmem>>, vector<128x128xf32>
    %dot_general3A = arith.constant dense<0.000000e+00> : vector<2000x128xf32>
    %dot_general3A_20 = tpu.matmul %mul3A_16, %get3A_19, %dot_general3A {dimension_numbers = #tpu.dot_dimension_numbers<[1], [0], [0], [1], [0, 0, 1, 1], [], []>, transpose_lhs_hint = false} : vector<2000x128xf32>, vector<128x128xf32>, vector<2000x128xf32> -> vector<2000x128xf32>
    %get3A_21 = arith.constant 0 : index
    %get3A_22 = arith.constant 0 : index
    %get3A_23 = vector.load %arg5[%get3A_21, %get3A_22] : memref<1x128xf32, #tpu.memory_space<vmem>>, vector<1x128xf32>
    %add3A_24 = vector.broadcast %get3A_23 : vector<1x128xf32> to vector<2000x128xf32>
    %add3A_25 = arith.addf %dot_general3A_20, %add3A_24 : vector<2000x128xf32>
    %max3A = arith.constant 0.000000e+00 : f32
    %max3A_26 = vector.broadcast %max3A : f32 to vector<2000x128xf32>
    %max3A_27 = arith.maximumf %add3A_25, %max3A_26 : vector<2000x128xf32>
    %reduce_sum3A = arith.constant dense<0.000000e+00> : vector<2000xf32>
    %reduce_sum3A_28 = vector.multi_reduction <add>, %max3A_27, %reduce_sum3A [1] : vector<2000x128xf32> to vector<2000xf32>
    %broadcast_in_dim3A = vector.shape_cast %reduce_sum3A_28 : vector<2000xf32> to vector<2000x1xf32>
    %div3A = arith.constant 1.280000e+02 : f32
    %div3A_29 = vector.broadcast %div3A : f32 to vector<2000x1xf32>
    %div3A_30 = arith.divf %broadcast_in_dim3A, %div3A_29 : vector<2000x1xf32>
    %sub3A = vector.broadcast %div3A_30 : vector<2000x1xf32> to vector<2000x128xf32>
    %sub3A_31 = arith.subf %max3A_27, %sub3A : vector<2000x128xf32>
    %mul3A_32 = arith.mulf %sub3A_31, %sub3A_31 : vector<2000x128xf32>
    %reduce_sum3A_33 = arith.constant dense<0.000000e+00> : vector<2000xf32>
    %reduce_sum3A_34 = vector.multi_reduction <add>, %mul3A_32, %reduce_sum3A_33 [1] : vector<2000x128xf32> to vector<2000xf32>
    %broadcast_in_dim3A_35 = vector.shape_cast %reduce_sum3A_34 : vector<2000xf32> to vector<2000x1xf32>
    %div3A_36 = arith.constant 1.280000e+02 : f32
    %div3A_37 = vector.broadcast %div3A_36 : f32 to vector<2000x1xf32>
    %div3A_38 = arith.divf %broadcast_in_dim3A_35, %div3A_37 : vector<2000x1xf32>
    %add3A_39 = arith.constant 9.99999974E-6 : f32
    %add3A_40 = vector.broadcast %add3A_39 : f32 to vector<2000x1xf32>
    %add3A_41 = arith.addf %div3A_38, %add3A_40 : vector<2000x1xf32>
    %rsqrt3A = math.rsqrt %add3A_41 : vector<2000x1xf32>
    %mul3A_42 = vector.broadcast %rsqrt3A : vector<2000x1xf32> to vector<2000x128xf32>
    %mul3A_43 = arith.mulf %sub3A_31, %mul3A_42 : vector<2000x128xf32>
    %get3A_44 = arith.constant 0 : index
    %get3A_45 = arith.constant 0 : index
    %get3A_46 = vector.load %arg6[%get3A_44, %get3A_45] : memref<1x128xf32, #tpu.memory_space<vmem>>, vector<1x128xf32>
    %mul3A_47 = vector.broadcast %get3A_46 : vector<1x128xf32> to vector<2000x128xf32>
    %mul3A_48 = arith.mulf %mul3A_43, %mul3A_47 : vector<2000x128xf32>
    %get3A_49 = arith.constant 0 : index
    %get3A_50 = arith.constant 0 : index
    %get3A_51 = vector.load %arg7[%get3A_49, %get3A_50] : memref<1x128xf32, #tpu.memory_space<vmem>>, vector<1x128xf32>
    %add3A_52 = vector.broadcast %get3A_51 : vector<1x128xf32> to vector<2000x128xf32>
    %add3A_53 = arith.addf %mul3A_48, %add3A_52 : vector<2000x128xf32>
    %get3A_54 = arith.constant 0 : index
    %get3A_55 = arith.constant 0 : index
    %get3A_56 = vector.load %arg8[%get3A_54, %get3A_55] : memref<128x64xf32, #tpu.memory_space<vmem>>, vector<128x64xf32>
    %dot_general3A_57 = arith.constant dense<0.000000e+00> : vector<2000x64xf32>
    %dot_general3A_58 = tpu.matmul %add3A_53, %get3A_56, %dot_general3A_57 {dimension_numbers = #tpu.dot_dimension_numbers<[1], [0], [0], [1], [0, 0, 1, 1], [], []>, transpose_lhs_hint = false} : vector<2000x128xf32>, vector<128x64xf32>, vector<2000x64xf32> -> vector<2000x64xf32>
    %get3A_59 = arith.constant 0 : index
    %get3A_60 = arith.constant 0 : index
    %get3A_61 = vector.load %arg9[%get3A_59, %get3A_60] : memref<1x64xf32, #tpu.memory_space<vmem>>, vector<1x64xf32>
    %add3A_62 = vector.broadcast %get3A_61 : vector<1x64xf32> to vector<2000x64xf32>
    %add3A_63 = arith.addf %dot_general3A_58, %add3A_62 : vector<2000x64xf32>
    %swap3A = arith.constant 0 : index
    %swap3A_64 = arith.constant 0 : index
    %swap3A_65 = vector.load %arg10[%swap3A, %swap3A_64] : memref<2000x64xf32, #tpu.memory_space<vmem>>, vector<2000x64xf32>
    tpu.vector_store %arg10[%swap3A, %swap3A_64], %add3A_63 {strides = array<i32>} : memref<2000x64xf32, #tpu.memory_space<vmem>>, vector<2000x64xf32>,
    return
  }
  func.func @transform_0(%arg0: i32) -> (i32, i32, i32) {
    %c0_i32 = arith.constant 0 : i32
    %c0_i32_0 = arith.constant 0 : i32
    %c0_i32_1 = arith.constant 0 : i32
    return %c0_i32, %arg0, %c0_i32_0 : i32, i32, i32
  }
  func.func @transform_1(%arg0: i32) -> (i32, i32) {
    %c0_i32 = arith.constant 0 : i32
    %c0_i32_0 = arith.constant 0 : i32
    return %arg0, %c0_i32 : i32, i32
  }
  func.func @transform_2(%arg0: i32) -> (i32, i32) {
    %c0_i32 = arith.constant 0 : i32
    %c0_i32_0 = arith.constant 0 : i32
    return %arg0, %c0_i32 : i32, i32
  }
  func.func @transform_3(%arg0: i32) -> (i32, i32) {
    %c0_i32 = arith.constant 0 : i32
    %c0_i32_0 = arith.constant 0 : i32
    %c0_i32_1 = arith.constant 0 : i32
    return %c0_i32, %c0_i32_0 : i32, i32
  }
  func.func @transform_4(%arg0: i32) -> (i32, i32) {
    %c0_i32 = arith.constant 0 : i32
    %c0_i32_0 = arith.constant 0 : i32
    %c0_i32_1 = arith.constant 0 : i32
    return %c0_i32, %c0_i32_0 : i32, i32
  }
  func.func @transform_5(%arg0: i32) -> (i32, i32) {
    %c0_i32 = arith.constant 0 : i32
    %c0_i32_0 = arith.constant 0 : i32
    %c0_i32_1 = arith.constant 0 : i32
    return %c0_i32, %c0_i32_0 : i32, i32
  }
  func.func @transform_6(%arg0: i32) -> (i32, i32) {
    %c0_i32 = arith.constant 0 : i32
    %c0_i32_0 = arith.constant 0 : i32
    %c0_i32_1 = arith.constant 0 : i32
    return %c0_i32, %c0_i32_0 : i32, i32
  }
  func.func @transform_7(%arg0: i32) -> (i32, i32) {
    %c0_i32 = arith.constant 0 : i32
    %c0_i32_0 = arith.constant 0 : i32
    %c0_i32_1 = arith.constant 0 : i32
    return %c0_i32, %c0_i32_0 : i32, i32
  }
  func.func @transform_8(%arg0: i32) -> (i32, i32) {
    %c0_i32 = arith.constant 0 : i32
    %c0_i32_0 = arith.constant 0 : i32
    %c0_i32_1 = arith.constant 0 : i32
    return %c0_i32, %c0_i32_0 : i32, i32
  }
  func.func @transform_9(%arg0: i32) -> (i32, i32) {
    %c0_i32 = arith.constant 0 : i32
    %c0_i32_0 = arith.constant 0 : i32
    return %arg0, %c0_i32 : i32, i32
  }
}

</mosaic_0001>

<sc_bundles>
// kernel: kernel.11.cloned.1.call-start
scs
__scs_entry_jumppad:
0x0: {  	(pc) =	sbr.rel $0x88, $3  }
0x1: {  	(tag) =	ssettag $0x0;
	lr =	simm.s32 $0x1  }
0x2: {  	[smem:$0x3F97] =	sst lr;
	_ =	strace $0xD0000000  }
0x3: {  	_ = 	snop  }
0x4: {  	_ = 	snop  }
0x5: {  	_ = 	snop  }
0x6: {  	_ = 	snop  }
0x7: {  	_ = 	snop  }
__scs_overlays_trampoline_lowered:
0x8: {  	[smem:$0x3FA6] =	sst s0  }
0x9: {  	[smem:$0x3FA7] =	sst s1  }
0xa: {  	[smem:$0x3FA8] =	sst s2  }
0xb: {  	[smem:$0x3FA9] =	sst s3  }
0xc: {  	[smem:$0x3FAA] =	sst s4  }
0xd: {  	[smem:$0x3FAB] =	sst s5  }
0xe: {  	[smem:$0x3FAC] =	sst s6  }
0xf: {  	[smem:$0x3FAD] =	sst s7  }
0x10: {  	[smem:$0x3FAE] =	sst s8  }
0x11: {  	[smem:$0x3FAF] =	sst s9;
	s0 =	simm.s32 @!p0 $0x0  }
0x12: {  	s1 =	sld [smem:$0x3F95];
	s0 =	simm.s32 @p0 $0x1  }
0x13: {  	[smem:$0x3FB0] =	sst s0;
	s0 =	simm.s32 @!p1 $0x0  }
0x14: {  	s2 =	sld [smem:$0x3F94];
	s0 =	simm.s32 @p1 $0x1  }
0x15: {  	[smem:$0x3FB1] =	sst s0;
	s0 =	simm.s32 @!p2 $0x0  }
0x16: {  	s3 =	sld [smem:$0x3FDB];
	s0 =	simm.s32 @p2 $0x1  }
0x17: {  	s4 =	simm.s32 $0x1BF5;
	[smem:$0x3FB3] =	sst s0  }
0x18: {  	s0 =	sld [smem:$0x3F96];
	_ =	swait.ge [sflag:s4], $0x0  }
0x19: {  	s7 =	sld [smem:$0x3F97]  }
0x1a: {  	s8 =	sadd.s32 $0xFFFFE003, lr  }
0x1b: {  	s9 =	sadd.s32 $0xFFFFFEF7, lr;
	s5 =	simm.s32 $0xFFFFFFFF;
	p2 =	slt.u32 s8, $0xFFFFF086  }
0x1c: {  	p1 =	slt.u32 s9, $0xF7A;
	s5 =	simm.s32 @!p2 $0x0  }
0x1d: {  	s5 =	simm.s32 @p1 $0x1;
	p0 =	seq.s32 s7, s2  }
0x1e: {  	s7 =	smul.u32 @!p0 $0xF7A, s2;
	p2 =	seq.s32 @!p0 s5, $0x0  }
0x1f: {  	s9 =	smul.u32 $0xF7A, s1;
	s8 =	simm.s32 @!p0 $0x1BF5;
	p2 =	por !p2, p0  }
0x20: {  	[sflag:s8] =	ssyncset.s32 @!p0 $0xFFFFF086;
	s6 =	sadd.s32 @!p0 s3, s7;
	s7 =	simm.s32 @!p0 $0x108  }
0x21: {  	s3 =	sadd.s32 s3, s9;
	s6 =	sadd.s32 @!p0 $0x88, s6;
	s7 =	simm.s32 @p2 $0x1082  }
0x22: {  	[simem:s7], [sflag:s8] =	dma.local @!p0 [hbm:s6], $0xF7A  }
0x23: {  	s9 =	sor.u32 $0xD0000000, s2;
	s6 =	simm.s32 $0x108;
	_ =	swait.ge @!p0 [sflag:s8], $0x0  }
0x24: {  	s3 =	sadd.s32 $0x88, s3;
	s6 =	simm.s32 @!p1 $0x1082;
	[sflag:s4] =	ssyncset.s32 $0xFFFFF086  }
0x25: {  	[simem:s6], [sflag:s4] =	dma.local [hbm:s3], $0xF7A  }
0x26: {  	[smem:$0x3F97] =	sst s1;
	(tag) =	ssettag s2;
	_ =	strace s9  }
0x27: {  	s1 =	sld [smem:$0x3FA7]  }
0x28: {  	s2 =	sld [smem:$0x3FA8]  }
0x29: {  	s4 =	sld [smem:$0x3FAA]  }
0x2a: {  	p0 =	seq.s32 s5, $0x0;
	s5 =	sld [smem:$0x3FAB]  }
0x2b: {  	s6 =	sld [smem:$0x3FAC]  }
0x2c: {  	s7 =	sld [smem:$0x3FAD]  }
0x2d: {  	s3 =	simm.s32 $0x108;
	s8 =	sld [smem:$0x3FAE]  }
0x2e: {  	s3 =	simm.s32 @!p0 $0x1082;
	s9 =	sld [smem:$0x3FAF]  }
0x2f: {  	lr =	sadd.s32 s0, s3;
	s0 =	sld [smem:$0x3FA6]  }
0x30: {  	s3 =	sld [smem:$0x3FA9]  }
0x31: {  	[smem:$0x3FB2] =	sst s10  }
0x32: {  	s10 =	sld [smem:$0x3FB0];
	_ =	sdelay $0x3  }
0x33: {  	p0 =	seq.s32 s10, $0x1;
	s10 =	sld [smem:$0x3FB2];
	_ =	sdelay $0x3  }
0x34: {  	[smem:$0x3FB2] =	sst s10  }
0x35: {  	s10 =	sld [smem:$0x3FB1];
	_ =	sdelay $0x3  }
0x36: {  	p1 =	seq.s32 s10, $0x1;
	s10 =	sld [smem:$0x3FB2];
	_ =	sdelay $0x3  }
0x37: {  	[smem:$0x3FB2] =	sst s10  }
0x38: {  	s10 =	sld [smem:$0x3FB3]  }
0x39: {  	_ = 	snop;
	(pc) =	sbr.ind lr, $3  }
0x3a: {  	_ = 	snop  }
0x3b: {  	_ = 	snop  }
0x3c: {  	p2 =	seq.s32 s10, $0x1;
	s10 =	sld [smem:$0x3FB2]  }
0x3d: {  	_ =	shalt  }
0x3e: {  	_ =	shalt  }
0x3f: {  	_ =	shalt  }
0x40: {  	_ =	shalt  }
0x41: {  	_ =	shalt  }
0x42: {  	_ =	shalt  }
0x43: {  	_ =	shalt  }
0x44: {  	_ =	shalt  }
0x45: {  	_ =	shalt  }
0x46: {  	_ =	shalt  }
0x47: {  	_ =	shalt  }
0x48: {  	_ =	shalt  }
0x49: {  	_ =	shalt  }
0x4a: {  	_ =	shalt  }
0x4b: {  	_ =	shalt  }
0x4c: {  	_ =	shalt  }
0x4d: {  	_ =	shalt  }
0x4e: {  	_ =	shalt  }
0x4f: {  	_ =	shalt  }
0x50: {  	_ =	shalt  }
0x51: {  	_ =	shalt  }
0x52: {  	_ =	shalt  }
0x53: {  	_ =	shalt  }
0x54: {  	_ =	shalt  }
0x55: {  	_ =	shalt  }
0x56: {  	_ =	shalt  }
0x57: {  	_ =	shalt  }
0x58: {  	_ =	shalt  }
0x59: {  	_ =	shalt  }
0x5a: {  	_ =	shalt  }
0x5b: {  	_ =	shalt  }
0x5c: {  	_ =	shalt  }
0x5d: {  	_ =	shalt  }
0x5e: {  	_ =	shalt  }
0x5f: {  	_ =	shalt  }
0x60: {  	_ =	shalt  }
0x61: {  	_ =	shalt  }
0x62: {  	_ =	shalt  }
0x63: {  	_ =	shalt  }
0x64: {  	_ =	shalt  }
0x65: {  	_ =	shalt  }
0x66: {  	_ =	shalt  }
0x67: {  	_ =	shalt  }
0x68: {  	_ =	shalt  }
0x69: {  	_ =	shalt  }
0x6a: {  	_ =	shalt  }
0x6b: {  	_ =	shalt  }
0x6c: {  	_ =	shalt  }
0x6d: {  	_ =	shalt  }
0x6e: {  	_ =	shalt  }
0x6f: {  	_ =	shalt  }
0x70: {  	_ =	shalt  }
0x71: {  	_ =	shalt  }
0x72: {  	_ =	shalt  }
0x73: {  	_ =	shalt  }
0x74: {  	_ =	shalt  }
0x75: {  	_ =	shalt  }
0x76: {  	_ =	shalt  }
0x77: {  	_ =	shalt  }
0x78: {  	_ =	shalt  }
0x79: {  	_ =	shalt  }
0x7a: {  	_ =	shalt  }
0x7b: {  	_ =	shalt  }
0x7c: {  	_ =	shalt  }
0x7d: {  	_ =	shalt  }
0x7e: {  	_ =	shalt  }
0x7f: {  	_ =	shalt  }
0x80: {  	_ =	shalt  }
0x81: {  	_ =	shalt  }
0x82: {  	_ =	shalt  }
0x83: {  	_ =	shalt  }
0x84: {  	_ =	shalt  }
0x85: {  	_ =	shalt  }
0x86: {  	_ =	shalt  }
0x87: {  	_ =	shalt  }
.Lfunc_end0:
.L_simem_size_0:
called_computation_lowered:
.L_overlay_start_0:
0x88: {  	s2 =	sld [smem:$0x3FD9]  }
0x89: {  	s3 =	sld [smem:$0x3FFE];
	_ =	sdelay $0x1  }
0x8a: {  	s1 =	srdreg.scid  }
0x8b: {  	s0 =	sand.u32 $0x1, s1  }
0x8c: {  	s17 =	sshll.u32 s0, $0xA;
	s2 =	sadd.s32 s3, s2  }
0x8d: {  	s2 =	sadd.s32 s2, s17  }
0x8e: {  	[smem:$0x3FBE] =	sst s2  }
0x8f: {  	_ = 	snop  }
0x90: {  	s2 =	sld [smem:$0x3FD0];
	(tm) =	ssettm $0x1  }
0x91: {  	s18 =	sld [smem:$0x3FFB];
	_ =	sdelay $0x3  }
0x92: {  	_ =	strace s18  }
0x93: {  	s3 =	sld [smem:$0x3FFC];
	_ =	sdelay $0x3  }
0x94: {  	_ =	strace s3  }
0x95: {  	s3 =	sld [smem:$0x3FFD];
	_ =	sdelay $0x3  }
0x96: {  	_ =	strace s3  }
0x97: {  	_ =	strace $0x8FFFFFFF  }
0x98: {  	s19 =	sld [smem:$0x3FDB];
	_ =	sdelay $0x1  }
0x99: {  	s4 =	simm.s32 $_scs_section_size  }
0x9a: {  	s5 =	simm.s32 $_size__tile_overlayer_lowered;
	s6 =	simm.s32 $_tile_overlayer_lowered  }
0x9b: {  	s22 =	simm.s32 $0x1BFF;
	s21 =	sshll.u32 s6, $0x1;
	s3 =	sadd.s32 s4, s19  }
0x9c: {  	s7 =	simm.s32 $0x0;
	s20 =	sshll.u32 s5, $0x1;
	s5 =	sadd.s32 s21, s3  }
0x9d: {  	[timem:s7], [sflag:s22] =	dma.local [hbm:s5], s20  }
0x9e: {  	_ =	swait.ge [sflag:s22], s20  }
0x9f: {  	s4 =	ssub.s32 $0x0, s20;
	[sflag:s22] =	ssyncset.done $0x0  }
0xa0: {  	[sflag:s22] =	ssyncadd.s32 s4;
	_ =	sdelay $0x1  }
0xa1: {  	s23 =	simm.s32 $0x1B8B  }
0xa2: {  	_ =	swait.ge [sflag:s23], $0x1  }
0xa3: {  	[sflag:s23] =	ssyncset.done $0x0  }
0xa4: {  	s25 =	simm.s32 $0x1B8E;
	s24 =	sld [smem:$0x3FFE];
	[sflag:s23] =	ssyncadd.s32 $0xFFFFFFFF  }
0xa5: {  	s26 =	simm.s32 $execute0_lowered;
	[smem:$0x3FD2] =	sst s25  }
0xa6: {  	s5 =	sshll.u32 s26, $0x1;
	_ =	strace $0x80000046;
	[dreg:$0x1] =	wrdreg $0xFFFFFFFF  }
0xa7: {  	s28 =	simm.s32 $_size_execute0_lowered;
	s3 =	sadd.s32 s3, s5;
	[dreg:$0x0] =	wrdreg $0x0  }
0xa8: {  	s5 =	sshll.u32 s28, $0x1;
	[dreg:$0x2] =	wrdreg s3  }
0xa9: {  	[dreg:$0x3] =	wrdreg s5  }
0xaa: {  	[dreg:$0x4] =	wrdreg $0xC0  }
0xab: {  	_ =	task [dreg:s7], $0x5FFFF  }
0xac: {  	[dreg:$0x1] =	wrdreg $0xFFFFFFFF  }
0xad: {  	[dreg:$0x0] =	wrdreg $0x60  }
0xae: {  	[dreg:$0x2] =	wrdreg s2  }
0xaf: {  	[dreg:$0x3] =	wrdreg s24  }
0xb0: {  	[dreg:$0x4] =	wrdreg $0x0  }
0xb1: {  	[dreg:$0x5] =	wrdreg $0x9  }
0xb2: {  	_ =	task.clear_ibuf [dreg:s7], $0x6FFFF;
	_ =	strace $0x90000046  }
0xb3: {  	s29 =	simm.s32 $0x9;
	_ =	strace $0x80000048  }
0xb4: {  	_ =	swait.ge [sflag:s29], $0x1  }
0xb5: {  	[sflag:s29] =	ssyncadd.s32 $0xFFFFFFFF  }
0xb6: {  	_ =	strace $0x90000048  }
0xb7: {  	_ =	sfence  }
0xb8: {  	s30 =	sld [smem:$0x0];
	_ =	sdelay $0x2  }
0xb9: {  	s31 =	sshll.u32 s1, $0xD;
	s1 =	sshrl.u32 s1, $0x2  }
0xba: {  	s3 =	sand.u32 $0x4000, s31;
	s1 =	sadd.s32 s1, s30  }
0xbb: {  	s0 =	sor.u32 s3, s0;
	s1 =	sshll.u32 s1, $0x11  }
0xbc: {  	s0 =	sor.u32 s1, s0  }
0xbd: {  	s0 =	sadd.s32 $0x8F2B, s0  }
0xbe: {  	[sflag:s0] =	ssyncadd.remote.s32 $0x1  }
0xbf: {  	_ =	sfence.sel $0xFFFF  }
0xc0: {  	[dreg:$0x0] =	wrdreg $0xFFFFFFFF;
	(pc) =	sbr.abs _section_cstart, $3  }
0xc1: {  	[dreg:$0x1] =	wrdreg $0xFFFFFFFF  }
0xc2: {  	_ =	task.clear_ibuf [dreg:s7], $0x2FFFF;
	_ =	strace $0x9FFFFFFF  }
0xc3: {  	(tm) =	ssettm $0x7FFFFFFF  }
tec
execute0_lowered:
.L_overlay_start_1:
0x0: {  	(tag) =	ssettag $0x1  }
0x1: {  	s11 =	rddreg [dreg:$0x0]  }
0x2: {  	s4 =	rddreg [dreg:$0x1];
	s1 =	srdreg.scid  }
0x3: {  	s0 =	stileid.u32;
	s2 =	rddreg [dreg:$0x2]  }
0x4: {  	s3 =	simm.s32 $0x0;
	s16 =	simm.s32 $0x2;
	s17 =	simm.s32 $0x14000  }
0x5: {  	s18 =	simm.s32 $0x50;
	s10 =	sand.u32 $0x1, s1;
	s1 =	rddreg [dreg:$0x3]  }
0x6: {  	s19 =	simm.s32 $0x1;
	s5 =	smul.u32 $0x2800, s0;
	[smem:$0x7FF] =	sst s3  }
0x7: {  	s7 =	smul.u32 $0x50000, s0;
	s15 =	sshll.u32 s0, $0xC;
	s20 =	sshll.u32 s0, $0x6  }
0x8: {  	s6 =	smul.u32 $0x28000, s10;
	_ =	strace $0x80000047;
	s8 =	ssub.s32 $0x2, s10  }
0x9: {  	s12 =	sshll.u32 s10, $0xB;
	s20 =	sor.u32 $0x1C02, s20;
	s31 =	sshrl.u32 s8, $0x1  }
0xa: {  	s7 =	sshrl.u32 s7, $0x2;
	s12 =	sadd.s32 s11, s12;
	s5 =	sadd.s32 s5, s6  }
0xb: {  	s14 =	ssub.s32 s8, s31;
	s12 =	sadd.s32 s15, s12;
	s15 =	simm.s32 $0x18000  }
0xc: {  	s13 =	sadd.s32 s5, s4;
	s4 =	sadd.s32 s7, s2;
	s14 =	smax.u32 s14, $0x1  }
0xd: {  	s5 =	sadd.s32 $0x2800, s4;
	s6 =	sadd.s32 $0x5000, s4;
	s7 =	sadd.s32 $0x7800, s4  }
0xe: {  	v0 =	vimm.f32 $0.0e+00;
	vm0 =	vcmask $0x300;
	s8 =	sadd.s32 $0xA000, s4;
	s9 =	sadd.s32 $0xC800, s4;
	s10 =	sadd.s32 $0xF000, s4  }
0xf: {  	v1 =	vsel vm0, $0x3F800000, v0;
	s11 =	sadd.s32 $0x11800, s4;
	s13 =	sadd.s32 $0xD200, s13;
	s21 =	sshrl.u32 s4, $0x3  }
.LBB2_1:
0x10: {  	s22 =	simm.s32 $0x0;
	s23 =	simm.s32 $0x200  }
.LBB2_2:
0x11: {  	p0 =	sne.s32 s23, $0x9E00;
	[tilespmem:s22+$0x18070] =	vst v0  }
0x12: {  	[tilespmem:s22+$0x18000] =	vst v0  }
0x13: {  	[tilespmem:s22+$0x18010] =	vst v0  }
.Ltmp0:
0x14: {  	[tilespmem:s22+$0x18020] =	vst v0;
	(pc) =	sbr.rel @p0 .LBB2_2-.Ltmp0, $4  }
0x15: {  	[tilespmem:s22+$0x18030] =	vst v0  }
0x16: {  	[tilespmem:s22+$0x18040] =	vst v0  }
0x17: {  	[tilespmem:s22+$0x18050] =	vst v0  }
0x18: {  	[tilespmem:s22+$0x18060] =	vst v0;
	s22 =	sshra.s32 s23, $0x2;
	s23 =	sadd.s32 $0x200, s23  }
0x19: {  	[tilespmem:s22+$0x18070] =	vst v0  }
0x1a: {  	[tilespmem:s22+$0x18000] =	vst v0  }
0x1b: {  	[tilespmem:s22+$0x18010] =	vst v0  }
0x1c: {  	[tilespmem:s22+$0x18020] =	vst v0  }
0x1d: {  	[tilespmem:s22+$0x18030] =	vst v0  }
0x1e: {  	[tilespmem:s22+$0x18040] =	vst v0  }
0x1f: {  	[tilespmem:s22+$0x18050] =	vst v0  }
0x20: {  	[tilespmem:s22+$0x18060] =	vst v0  }
0x21: {  	[spmem:s4] =	stream.linear.scatter [tilespmem:s15], [sflag:$0x2], $0x2800, $0x38;
	[tilespmem:$0x1A800] =	vst v63  }
0x22: {  	_ =	swait.ge [sflag:s16], $0x2800  }
0x23: {  	[sflag:s16] =	ssyncset.done $0x0  }
0x24: {  	[sflag:s16] =	ssyncadd.s32 $0xFFFFD800  }
0x25: {  	[spmem:s5] =	stream.linear.scatter [tilespmem:s15], [sflag:$0x2], $0x2800, $0x38;
	[tilespmem:$0x1A800] =	vst v63  }
0x26: {  	_ =	swait.ge [sflag:s16], $0x2800  }
0x27: {  	[sflag:s16] =	ssyncset.done $0x0  }
0x28: {  	[sflag:s16] =	ssyncadd.s32 $0xFFFFD800  }
0x29: {  	[spmem:s6] =	stream.linear.scatter [tilespmem:s15], [sflag:$0x2], $0x2800, $0x38;
	[tilespmem:$0x1A800] =	vst v63  }
0x2a: {  	_ =	swait.ge [sflag:s16], $0x2800  }
0x2b: {  	[sflag:s16] =	ssyncset.done $0x0  }
0x2c: {  	[sflag:s16] =	ssyncadd.s32 $0xFFFFD800  }
0x2d: {  	[spmem:s7] =	stream.linear.scatter [tilespmem:s15], [sflag:$0x2], $0x2800, $0x38;
	[tilespmem:$0x1A800] =	vst v63  }
0x2e: {  	_ =	swait.ge [sflag:s16], $0x2800  }
0x2f: {  	[sflag:s16] =	ssyncset.done $0x0  }
0x30: {  	[sflag:s16] =	ssyncadd.s32 $0xFFFFD800  }
0x31: {  	[spmem:s8] =	stream.linear.scatter [tilespmem:s15], [sflag:$0x2], $0x2800, $0x38;
	[tilespmem:$0x1A800] =	vst v63  }
0x32: {  	_ =	swait.ge [sflag:s16], $0x2800  }
0x33: {  	[sflag:s16] =	ssyncset.done $0x0  }
0x34: {  	[sflag:s16] =	ssyncadd.s32 $0xFFFFD800  }
0x35: {  	[spmem:s9] =	stream.linear.scatter [tilespmem:s15], [sflag:$0x2], $0x2800, $0x38;
	[tilespmem:$0x1A800] =	vst v63  }
0x36: {  	_ =	swait.ge [sflag:s16], $0x2800  }
0x37: {  	[sflag:s16] =	ssyncset.done $0x0  }
0x38: {  	[sflag:s16] =	ssyncadd.s32 $0xFFFFD800  }
0x39: {  	[spmem:s10] =	stream.linear.scatter [tilespmem:s15], [sflag:$0x2], $0x2800, $0x38;
	[tilespmem:$0x1A800] =	vst v63  }
0x3a: {  	_ =	swait.ge [sflag:s16], $0x2800  }
0x3b: {  	[sflag:s16] =	ssyncset.done $0x0  }
0x3c: {  	[sflag:s16] =	ssyncadd.s32 $0xFFFFD800  }
0x3d: {  	[spmem:s11] =	stream.linear.scatter [tilespmem:s15], [sflag:$0x2], $0x2800, $0x38;
	[tilespmem:$0x1A800] =	vst v63  }
0x3e: {  	_ =	swait.ge [sflag:s16], $0x2800  }
0x3f: {  	[sflag:s16] =	ssyncset.done $0x0  }
0x40: {  	s22 =	simm.s32 $0x200;
	s23 =	simm.s32 $0x0;
	[sflag:s16] =	ssyncadd.s32 $0xFFFFD800  }
.LBB2_4:
0x41: {  	p0 =	sne.s32 s22, $0x9E00;
	[tilespmem:s23+$0x18000] =	vst v1;
	s23 =	smov.u32 s22;
	s22 =	sadd.s32 $0x200, s22  }
.Ltmp1:
0x42: {  	(pc) =	sbr.rel @p0 .LBB2_4-.Ltmp1, $2  }
0x43: {  	_ =	sdelay $0x2  }
0x44: {  	s23 =	sshra.s32 s23, $0x2  }
0x45: {  	[tilespmem:s23+$0x18000] =	vst v1;
	s22 =	simm.s32 $0x0  }
0x46: {  	[tilespmem:s17], [sflag:$0x2] =	stream.linear.gather [hbm4b:s12+s22], $0x3E80, $0x38;
	[tilespmem:$0x1A800] =	vst v63  }
0x47: {  	_ =	swait.ge [sflag:s16], $0x3E80  }
0x48: {  	[sflag:s16] =	ssyncset.done $0x0  }
0x49: {  	[sflag:s16] =	ssyncadd.s32 $0xFFFFC180  }
0x4a: {  	s26 =	simm.s32 $0x14000;
	[bflag:$0x0] =	sbarrier.arrive $0xFFFF  }
0x4b: {  	[spmem:s2] =	stream.indirect.scatter.add.f32 [tilespmem:s15], [sflag:$0x1], $0x80, s26, s18, $0xb8;
	[tilespmem:$0x1A800] =	vst v63  }
0x4c: {  	s28 =	simm.s32 $0x14080  }
0x4d: {  	[spmem:s2] =	stream.indirect.scatter.add.f32 [tilespmem:s15], [sflag:$0x1], $0x80, s28, s18, $0xb8;
	[tilespmem:$0x1A800] =	vst v63  }
0x4e: {  	s29 =	simm.s32 $0x14100  }
0x4f: {  	[spmem:s2] =	stream.indirect.scatter.add.f32 [tilespmem:s15], [sflag:$0x1], $0x80, s29, s18, $0xb8;
	[tilespmem:$0x1A800] =	vst v63  }
0x50: {  	s30 =	simm.s32 $0x14180  }
0x51: {  	[spmem:s2] =	stream.indirect.scatter.add.f32 [tilespmem:s15], [sflag:$0x1], $0x80, s30, s18, $0xb8;
	[tilespmem:$0x1A800] =	vst v63  }
0x52: {  	s31 =	simm.s32 $0x14200  }
0x53: {  	[spmem:s2] =	stream.indirect.scatter.add.f32 [tilespmem:s15], [sflag:$0x1], $0x80, s31, s18, $0xb8;
	[tilespmem:$0x1A800] =	vst v63  }
0x54: {  	_ =	swait.ge [sflag:s19], $0x2800  }
0x55: {  	[sflag:s19] =	ssyncset.done $0x0  }
0x56: {  	[sflag:s19] =	ssyncadd.s32 $0xFFFFD800  }
0x57: {  	_ =	swait.ge [sflag:s19], $0x2800  }
0x58: {  	[sflag:s19] =	ssyncset.done $0x0  }
0x59: {  	[sflag:s19] =	ssyncadd.s32 $0xFFFFD800  }
0x5a: {  	_ =	swait.ge [sflag:s19], $0x2800  }
0x5b: {  	[sflag:s19] =	ssyncset.done $0x0  }
0x5c: {  	[sflag:s19] =	ssyncadd.s32 $0xFFFFD800  }
0x5d: {  	_ =	swait.ge [sflag:s19], $0x2800  }
0x5e: {  	[sflag:s19] =	ssyncset.done $0x0  }
0x5f: {  	[sflag:s19] =	ssyncadd.s32 $0xFFFFD800  }
0x60: {  	_ =	swait.ge [sflag:s19], $0x2800  }
0x61: {  	s23 =	simm.s32 $0x1400;
	s22 =	simm.s32 $0x280;
	[sflag:s19] =	ssyncset.done $0x0  }
.LBB2_6:
0x62: {  	s24 =	sadd.s32 $0x14000, s22  }
0x63: {  	[sflag:s19] =	ssyncadd.s32 $0xFFFFD800;
	s25 =	smov.u32 s23;
	s26 =	sadd.s32 $0xA00, s23  }
0x64: {  	[spmem:s2] =	stream.indirect.scatter.add.f32 [tilespmem:s15], [sflag:$0x1], $0x80, s24, s18, $0xb8;
	[tilespmem:$0x1A800] =	vst v63  }
0x65: {  	p0 =	sne.s32 s23, $0xF000;
	s23 =	sadd.s32 $0x14080, s22  }
0x66: {  	[spmem:s2] =	stream.indirect.scatter.add.f32 [tilespmem:s15], [sflag:$0x1], $0x80, s23, s18, $0xb8;
	[tilespmem:$0x1A800] =	vst v63  }
0x67: {  	s23 =	sadd.s32 $0x14100, s22  }
0x68: {  	[spmem:s2] =	stream.indirect.scatter.add.f32 [tilespmem:s15], [sflag:$0x1], $0x80, s23, s18, $0xb8;
	[tilespmem:$0x1A800] =	vst v63  }
0x69: {  	s23 =	sadd.s32 $0x14180, s22  }
0x6a: {  	[spmem:s2] =	stream.indirect.scatter.add.f32 [tilespmem:s15], [sflag:$0x1], $0x80, s23, s18, $0xb8;
	[tilespmem:$0x1A800] =	vst v63  }
0x6b: {  	s22 =	sadd.s32 $0x14200, s22  }
0x6c: {  	[spmem:s2] =	stream.indirect.scatter.add.f32 [tilespmem:s15], [sflag:$0x1], $0x80, s22, s18, $0xb8;
	[tilespmem:$0x1A800] =	vst v63  }
0x6d: {  	_ =	swait.ge [sflag:s19], $0x2800  }
0x6e: {  	[sflag:s19] =	ssyncset.done $0x0  }
0x6f: {  	[sflag:s19] =	ssyncadd.s32 $0xFFFFD800  }
0x70: {  	_ =	swait.ge [sflag:s19], $0x2800  }
0x71: {  	[sflag:s19] =	ssyncset.done $0x0  }
0x72: {  	[sflag:s19] =	ssyncadd.s32 $0xFFFFD800  }
0x73: {  	_ =	swait.ge [sflag:s19], $0x2800  }
0x74: {  	[sflag:s19] =	ssyncset.done $0x0  }
0x75: {  	[sflag:s19] =	ssyncadd.s32 $0xFFFFD800  }
.Ltmp2:
0x76: {  	_ =	swait.ge [sflag:s19], $0x2800;
	(pc) =	sbr.rel @p0 .LBB2_6-.Ltmp2, $4  }
0x77: {  	[sflag:s19] =	ssyncset.done $0x0  }
0x78: {  	[sflag:s19] =	ssyncadd.s32 $0xFFFFD800  }
0x79: {  	_ =	swait.ge [sflag:s19], $0x2800  }
0x7a: {  	s23 =	smov.u32 s26;
	s22 =	sshra.s32 s25, $0x2;
	[sflag:s19] =	ssyncset.done $0x0  }
0x7b: {  	s23 =	sadd.s32 $0x14000, s22;
	[sflag:s19] =	ssyncadd.s32 $0xFFFFD800  }
0x7c: {  	[spmem:s2] =	stream.indirect.scatter.add.f32 [tilespmem:s15], [sflag:$0x1], $0x80, s23, s18, $0xb8;
	[tilespmem:$0x1A800] =	vst v63  }
0x7d: {  	s28 =	sadd.s32 $0x14080, s22  }
0x7e: {  	[spmem:s2] =	stream.indirect.scatter.add.f32 [tilespmem:s15], [sflag:$0x1], $0x80, s28, s18, $0xb8;
	[tilespmem:$0x1A800] =	vst v63  }
0x7f: {  	s29 =	sadd.s32 $0x14100, s22  }
0x80: {  	[spmem:s2] =	stream.indirect.scatter.add.f32 [tilespmem:s15], [sflag:$0x1], $0x80, s29, s18, $0xb8;
	[tilespmem:$0x1A800] =	vst v63  }
0x81: {  	s30 =	sadd.s32 $0x14180, s22  }
0x82: {  	[spmem:s2] =	stream.indirect.scatter.add.f32 [tilespmem:s15], [sflag:$0x1], $0x80, s30, s18, $0xb8;
	[tilespmem:$0x1A800] =	vst v63  }
0x83: {  	s31 =	sadd.s32 $0x14200, s22  }
0x84: {  	[spmem:s2] =	stream.indirect.scatter.add.f32 [tilespmem:s15], [sflag:$0x1], $0x80, s31, s18, $0xb8;
	[tilespmem:$0x1A800] =	vst v63  }
0x85: {  	_ =	swait.ge [sflag:s19], $0x2800  }
0x86: {  	[sflag:s19] =	ssyncset.done $0x0  }
0x87: {  	[sflag:s19] =	ssyncadd.s32 $0xFFFFD800  }
0x88: {  	_ =	swait.ge [sflag:s19], $0x2800  }
0x89: {  	[sflag:s19] =	ssyncset.done $0x0  }
0x8a: {  	[sflag:s19] =	ssyncadd.s32 $0xFFFFD800  }
0x8b: {  	_ =	swait.ge [sflag:s19], $0x2800  }
0x8c: {  	[sflag:s19] =	ssyncset.done $0x0  }
0x8d: {  	[sflag:s19] =	ssyncadd.s32 $0xFFFFD800  }
0x8e: {  	_ =	swait.ge [sflag:s19], $0x2800  }
0x8f: {  	[sflag:s19] =	ssyncset.done $0x0  }
0x90: {  	[sflag:s19] =	ssyncadd.s32 $0xFFFFD800  }
0x91: {  	_ =	swait.ge [sflag:s19], $0x2800  }
0x92: {  	s3 =	sadd.s32 $0x1, s3;
	[sflag:s19] =	ssyncset.done $0x0  }
0x93: {  	p0 =	sne.s32 s3, s14;
	[sflag:s19] =	ssyncadd.s32 $0xFFFFD800  }
.Ltmp3:
0x94: {  	[bflag:$0x0] =	sbarrier.arrive $0xFFFF;
	(pc) =	sbr.rel @p0 .LBB2_1-.Ltmp3, $4  }
0x95: {  	[hbm:s13], [sflag:s20] =	dma.local [spmem:s21], $0x2800  }
0x96: {  	_ =	swait.ge [sflag:s16], $0x2800  }
0x97: {  	[sflag:s16] =	ssyncset.done $0x0  }
0x98: {  	[sflag:s16] =	ssyncadd.s32 $0xFFFFD800  }
0x99: {  	_ =	sfence.sel $0x180000  }
0x9a: {  	[bflag:$0x0] =	sbarrier.arrive $0xFFFF  }
0x9b: {  	p0 =	sne.s32 s0, $0x0;
	_ =	strace $0x90000047  }
0x9c: {  	s0 =	sadd.s32 @!p0 $0x100000, s1;
	[bflag:$0x2] =	sbarrier.arrive $0xFFFF  }
0x9d: {  	[sflag:s0] =	ssyncadd.tile.s32 @!p0 $0x1;
	_ =	shalt  }
.Lfunc_end2:
_tile_overlayer_lowered:
.L_overlay_start_2:
0x9e: {  	(tag) =	ssettag $0x2  }
0x9f: {  	s0 =	rddreg [dreg:$0x0];
	s2 =	stileid.u32  }
0xa0: {  	s1 =	rddreg [dreg:$0x1];
	p0 =	sne.s32 s2, $0x0  }
0xa1: {  	s3 =	rddreg [dreg:$0x2];
	[bflag:$0x3] =	sbarrier.arrive $0xFFFF;
	s2 =	simm.s32 @!p0 $0x1C02  }
0xa2: {  	[timem:s3], [sflag:s2] =	dma.local @!p0 [hbm:s0], s1  }
0xa3: {  	s0 =	simm.s32 @!p0 $0x2  }
0xa4: {  	_ =	swait.ge @!p0 [sflag:s0], s1  }
0xa5: {  	s1 =	ssub.s32 @!p0 $0x0, s1;
	[sflag:s0] =	ssyncset.done @!p0 $0x0  }
0xa6: {  	[sflag:s0] =	ssyncadd.s32 @!p0 s1  }
0xa7: {  	[bflag:$0x3] =	sbarrier.arrive $0xFFFF  }
0xa8: {  	_ =	shalt  }

// kernel: kernel.14.cloned.1.call-start
scs
__scs_entry_jumppad:
0x0: {  	(pc) =	sbr.rel $0x88, $3  }
0x1: {  	(tag) =	ssettag $0x0;
	lr =	simm.s32 $0x1  }
0x2: {  	[smem:$0x3F97] =	sst lr;
	_ =	strace $0xD0000000  }
0x3: {  	_ = 	snop  }
0x4: {  	_ = 	snop  }
0x5: {  	_ = 	snop  }
0x6: {  	_ = 	snop  }
0x7: {  	_ = 	snop  }
__scs_overlays_trampoline_lowered:
0x8: {  	[smem:$0x3FA6] =	sst s0  }
0x9: {  	[smem:$0x3FA7] =	sst s1  }
0xa: {  	[smem:$0x3FA8] =	sst s2  }
0xb: {  	[smem:$0x3FA9] =	sst s3  }
0xc: {  	[smem:$0x3FAA] =	sst s4  }
0xd: {  	[smem:$0x3FAB] =	sst s5  }
0xe: {  	[smem:$0x3FAC] =	sst s6  }
0xf: {  	[smem:$0x3FAD] =	sst s7  }
0x10: {  	[smem:$0x3FAE] =	sst s8  }
0x11: {  	[smem:$0x3FAF] =	sst s9;
	s0 =	simm.s32 @!p0 $0x0  }
0x12: {  	s1 =	sld [smem:$0x3F95];
	s0 =	simm.s32 @p0 $0x1  }
0x13: {  	[smem:$0x3FB0] =	sst s0;
	s0 =	simm.s32 @!p1 $0x0  }
0x14: {  	s2 =	sld [smem:$0x3F94];
	s0 =	simm.s32 @p1 $0x1  }
0x15: {  	[smem:$0x3FB1] =	sst s0;
	s0 =	simm.s32 @!p2 $0x0  }
0x16: {  	s3 =	sld [smem:$0x3FDB];
	s0 =	simm.s32 @p2 $0x1  }
0x17: {  	s4 =	simm.s32 $0x1BF5;
	[smem:$0x3FB3] =	sst s0  }
0x18: {  	s0 =	sld [smem:$0x3F96];
	_ =	swait.ge [sflag:s4], $0x0  }
0x19: {  	s7 =	sld [smem:$0x3F97]  }
0x1a: {  	s8 =	sadd.s32 $0xFFFFE003, lr  }
0x1b: {  	s9 =	sadd.s32 $0xFFFFFEF7, lr;
	s5 =	simm.s32 $0xFFFFFFFF;
	p2 =	slt.u32 s8, $0xFFFFF086  }
0x1c: {  	p1 =	slt.u32 s9, $0xF7A;
	s5 =	simm.s32 @!p2 $0x0  }
0x1d: {  	s5 =	simm.s32 @p1 $0x1;
	p0 =	seq.s32 s7, s2  }
0x1e: {  	s7 =	smul.u32 @!p0 $0xF7A, s2;
	p2 =	seq.s32 @!p0 s5, $0x0  }
0x1f: {  	s9 =	smul.u32 $0xF7A, s1;
	s8 =	simm.s32 @!p0 $0x1BF5;
	p2 =	por !p2, p0  }
0x20: {  	[sflag:s8] =	ssyncset.s32 @!p0 $0xFFFFF086;
	s6 =	sadd.s32 @!p0 s3, s7;
	s7 =	simm.s32 @!p0 $0x108  }
0x21: {  	s3 =	sadd.s32 s3, s9;
	s6 =	sadd.s32 @!p0 $0x88, s6;
	s7 =	simm.s32 @p2 $0x1082  }
0x22: {  	[simem:s7], [sflag:s8] =	dma.local @!p0 [hbm:s6], $0xF7A  }
0x23: {  	s9 =	sor.u32 $0xD0000000, s2;
	s6 =	simm.s32 $0x108;
	_ =	swait.ge @!p0 [sflag:s8], $0x0  }
0x24: {  	s3 =	sadd.s32 $0x88, s3;
	s6 =	simm.s32 @!p1 $0x1082;
	[sflag:s4] =	ssyncset.s32 $0xFFFFF086  }
0x25: {  	[simem:s6], [sflag:s4] =	dma.local [hbm:s3], $0xF7A  }
0x26: {  	[smem:$0x3F97] =	sst s1;
	(tag) =	ssettag s2;
	_ =	strace s9  }
0x27: {  	s1 =	sld [smem:$0x3FA7]  }
0x28: {  	s2 =	sld [smem:$0x3FA8]  }
0x29: {  	s4 =	sld [smem:$0x3FAA]  }
0x2a: {  	p0 =	seq.s32 s5, $0x0;
	s5 =	sld [smem:$0x3FAB]  }
0x2b: {  	s6 =	sld [smem:$0x3FAC]  }
0x2c: {  	s7 =	sld [smem:$0x3FAD]  }
0x2d: {  	s3 =	simm.s32 $0x108;
	s8 =	sld [smem:$0x3FAE]  }
0x2e: {  	s3 =	simm.s32 @!p0 $0x1082;
	s9 =	sld [smem:$0x3FAF]  }
0x2f: {  	lr =	sadd.s32 s0, s3;
	s0 =	sld [smem:$0x3FA6]  }
0x30: {  	s3 =	sld [smem:$0x3FA9]  }
0x31: {  	[smem:$0x3FB2] =	sst s10  }
0x32: {  	s10 =	sld [smem:$0x3FB0];
	_ =	sdelay $0x3  }
0x33: {  	p0 =	seq.s32 s10, $0x1;
	s10 =	sld [smem:$0x3FB2];
	_ =	sdelay $0x3  }
0x34: {  	[smem:$0x3FB2] =	sst s10  }
0x35: {  	s10 =	sld [smem:$0x3FB1];
	_ =	sdelay $0x3  }
0x36: {  	p1 =	seq.s32 s10, $0x1;
	s10 =	sld [smem:$0x3FB2];
	_ =	sdelay $0x3  }
0x37: {  	[smem:$0x3FB2] =	sst s10  }
0x38: {  	s10 =	sld [smem:$0x3FB3]  }
0x39: {  	_ = 	snop;
	(pc) =	sbr.ind lr, $3  }
0x3a: {  	_ = 	snop  }
0x3b: {  	_ = 	snop  }
0x3c: {  	p2 =	seq.s32 s10, $0x1;
	s10 =	sld [smem:$0x3FB2]  }
0x3d: {  	_ =	shalt  }
0x3e: {  	_ =	shalt  }
0x3f: {  	_ =	shalt  }
0x40: {  	_ =	shalt  }
0x41: {  	_ =	shalt  }
0x42: {  	_ =	shalt  }
0x43: {  	_ =	shalt  }
0x44: {  	_ =	shalt  }
0x45: {  	_ =	shalt  }
0x46: {  	_ =	shalt  }
0x47: {  	_ =	shalt  }
0x48: {  	_ =	shalt  }
0x49: {  	_ =	shalt  }
0x4a: {  	_ =	shalt  }
0x4b: {  	_ =	shalt  }
0x4c: {  	_ =	shalt  }
0x4d: {  	_ =	shalt  }
0x4e: {  	_ =	shalt  }
0x4f: {  	_ =	shalt  }
0x50: {  	_ =	shalt  }
0x51: {  	_ =	shalt  }
0x52: {  	_ =	shalt  }
0x53: {  	_ =	shalt  }
0x54: {  	_ =	shalt  }
0x55: {  	_ =	shalt  }
0x56: {  	_ =	shalt  }
0x57: {  	_ =	shalt  }
0x58: {  	_ =	shalt  }
0x59: {  	_ =	shalt  }
0x5a: {  	_ =	shalt  }
0x5b: {  	_ =	shalt  }
0x5c: {  	_ =	shalt  }
0x5d: {  	_ =	shalt  }
0x5e: {  	_ =	shalt  }
0x5f: {  	_ =	shalt  }
0x60: {  	_ =	shalt  }
0x61: {  	_ =	shalt  }
0x62: {  	_ =	shalt  }
0x63: {  	_ =	shalt  }
0x64: {  	_ =	shalt  }
0x65: {  	_ =	shalt  }
0x66: {  	_ =	shalt  }
0x67: {  	_ =	shalt  }
0x68: {  	_ =	shalt  }
0x69: {  	_ =	shalt  }
0x6a: {  	_ =	shalt  }
0x6b: {  	_ =	shalt  }
0x6c: {  	_ =	shalt  }
0x6d: {  	_ =	shalt  }
0x6e: {  	_ =	shalt  }
0x6f: {  	_ =	shalt  }
0x70: {  	_ =	shalt  }
0x71: {  	_ =	shalt  }
0x72: {  	_ =	shalt  }
0x73: {  	_ =	shalt  }
0x74: {  	_ =	shalt  }
0x75: {  	_ =	shalt  }
0x76: {  	_ =	shalt  }
0x77: {  	_ =	shalt  }
0x78: {  	_ =	shalt  }
0x79: {  	_ =	shalt  }
0x7a: {  	_ =	shalt  }
0x7b: {  	_ =	shalt  }
0x7c: {  	_ =	shalt  }
0x7d: {  	_ =	shalt  }
0x7e: {  	_ =	shalt  }
0x7f: {  	_ =	shalt  }
0x80: {  	_ =	shalt  }
0x81: {  	_ =	shalt  }
0x82: {  	_ =	shalt  }
0x83: {  	_ =	shalt  }
0x84: {  	_ =	shalt  }
0x85: {  	_ =	shalt  }
0x86: {  	_ =	shalt  }
0x87: {  	_ =	shalt  }
.Lfunc_end0:
.L_simem_size_0:
called_computation.1_lowered:
.L_overlay_start_0:
0x88: {  	s2 =	sld [smem:$0x3FD9]  }
0x89: {  	s3 =	sld [smem:$0x3FFE];
	_ =	sdelay $0x1  }
0x8a: {  	s1 =	srdreg.scid  }
0x8b: {  	s0 =	sand.u32 $0x1, s1  }
0x8c: {  	s17 =	sshll.u32 s0, $0xA;
	s2 =	sadd.s32 s3, s2  }
0x8d: {  	s2 =	sadd.s32 s2, s17  }
0x8e: {  	[smem:$0x3FBE] =	sst s2  }
0x8f: {  	_ = 	snop  }
0x90: {  	s18 =	sld [smem:$0x3FD0];
	(tm) =	ssettm $0x1  }
0x91: {  	s19 =	sld [smem:$0x3FFB];
	_ =	sdelay $0x3  }
0x92: {  	_ =	strace s19  }
0x93: {  	s2 =	sld [smem:$0x3FFC];
	_ =	sdelay $0x3  }
0x94: {  	_ =	strace s2  }
0x95: {  	s2 =	sld [smem:$0x3FFD];
	_ =	sdelay $0x3  }
0x96: {  	_ =	strace s2  }
0x97: {  	_ =	strace $0x8FFFFFFF  }
0x98: {  	s20 =	sld [smem:$0x3FDB];
	_ =	sdelay $0x1  }
0x99: {  	s4 =	simm.s32 $_scs_section_size  }
0x9a: {  	s5 =	simm.s32 $_size__tile_overlayer_lowered;
	s6 =	simm.s32 $_tile_overlayer_lowered  }
0x9b: {  	s7 =	simm.s32 $0x1BFF;
	s21 =	sshll.u32 s6, $0x1;
	s4 =	sadd.s32 s4, s20  }
0x9c: {  	s22 =	simm.s32 $0x0;
	s5 =	sshll.u32 s5, $0x1;
	s6 =	sadd.s32 s21, s4  }
0x9d: {  	[timem:s22], [sflag:s7] =	dma.local [hbm:s6], s5  }
0x9e: {  	_ =	swait.ge [sflag:s7], s5  }
0x9f: {  	s5 =	ssub.s32 $0x0, s5;
	[sflag:s7] =	ssyncset.done $0x0  }
0xa0: {  	[sflag:s7] =	ssyncadd.s32 s5;
	_ =	sdelay $0x1  }
0xa1: {  	s23 =	simm.s32 $0x1B8B  }
0xa2: {  	_ =	swait.ge [sflag:s23], $0x1  }
0xa3: {  	[sflag:s23] =	ssyncset.done $0x0  }
0xa4: {  	[sflag:s23] =	ssyncadd.s32 $0xFFFFFFFF  }
0xa5: {  	s5 =	sld [smem:$0x0]  }
0xa6: {  	s6 =	sand.u32 $0xFFFFFFFE, s1  }
0xa7: {  	p0 =	sne.s32 s1, s6  }
0xa8: {  	s6 =	sshll.u32 @p0 s6, $0xE  }
0xa9: {  	s6 =	sadd.s32 @p0 $0x11B8D, s6;
	s7 =	sshll.u32 @p0 s5, $0x11  }
0xaa: {  	s6 =	sor.u32 @p0 s7, s6  }
0xab: {  	[sflag:s6] =	ssyncadd.remote.s32 @p0 $0x1;
	_ =	sdelay $0x1  }
0xac: {  	s6 =	simm.s32 @p0 $0x1B8D  }
0xad: {  	_ =	swait.eq @p0 [sflag:s6], $0x1  }
0xae: {  	[sflag:s6] =	ssyncadd.s32 @p0 $0xFFFFFFFF  }
0xaf: {  	s7 =	sshll.u32 @!p0 s1, $0xE  }
0xb0: {  	s7 =	sor.u32 @!p0 $0x4000, s7;
	s6 =	simm.s32 @!p0 $0x1B8D  }
0xb1: {  	s5 =	sshll.u32 @!p0 s5, $0x11;
	s7 =	sadd.s32 @!p0 $0x11B8D, s7;
	_ =	swait.eq @!p0 [sflag:s6], $0x1  }
0xb2: {  	s5 =	sor.u32 @!p0 s5, s7;
	[sflag:s6] =	ssyncadd.s32 @!p0 $0xFFFFFFFF  }
0xb3: {  	s25 =	simm.s32 $0x1B8E;
	s24 =	sld [smem:$0x3FFE];
	[sflag:s5] =	ssyncadd.remote.s32 @!p0 $0x1  }
0xb4: {  	s26 =	simm.s32 $execute0_lowered;
	[smem:$0x3FD2] =	sst s25  }
0xb5: {  	s6 =	sshll.u32 s26, $0x1;
	_ =	strace $0x80000049;
	[dreg:$0x1] =	wrdreg $0xFFFFFFFF  }
0xb6: {  	s28 =	simm.s32 $_size_execute0_lowered;
	s4 =	sadd.s32 s4, s6;
	[dreg:$0x0] =	wrdreg $0x0  }
0xb7: {  	s6 =	sshll.u32 s28, $0x1;
	[dreg:$0x2] =	wrdreg s4  }
0xb8: {  	[dreg:$0x3] =	wrdreg s6  }
0xb9: {  	[dreg:$0x4] =	wrdreg $0xC0  }
0xba: {  	_ =	task [dreg:s22], $0x5FFFF  }
0xbb: {  	[dreg:$0x1] =	wrdreg $0xFFFFFFFF  }
0xbc: {  	[dreg:$0x0] =	wrdreg $0x60  }
0xbd: {  	[dreg:$0x2] =	wrdreg s24  }
0xbe: {  	[dreg:$0x3] =	wrdreg s18  }
0xbf: {  	[dreg:$0x4] =	wrdreg $0x0  }
0xc0: {  	[dreg:$0x5] =	wrdreg $0xA  }
0xc1: {  	_ =	task.clear_ibuf [dreg:s22], $0x6FFFF;
	_ =	strace $0x90000049  }
0xc2: {  	s29 =	simm.s32 $0xA;
	_ =	strace $0x8000004B  }
0xc3: {  	_ =	swait.ge [sflag:s29], $0x1  }
0xc4: {  	[sflag:s29] =	ssyncadd.s32 $0xFFFFFFFF  }
0xc5: {  	_ =	strace $0x9000004B  }
0xc6: {  	_ =	sfence  }
0xc7: {  	s30 =	sld [smem:$0x0];
	_ =	sdelay $0x2  }
0xc8: {  	s31 =	sshll.u32 s1, $0xD;
	s1 =	sshrl.u32 s1, $0x2  }
0xc9: {  	s4 =	sand.u32 $0x4000, s31;
	s1 =	sadd.s32 s1, s30  }
0xca: {  	s0 =	sor.u32 s4, s0;
	s1 =	sshll.u32 s1, $0x11  }
0xcb: {  	s0 =	sor.u32 s1, s0  }
0xcc: {  	s0 =	sadd.s32 $0x8F2B, s0  }
0xcd: {  	[sflag:s0] =	ssyncadd.remote.s32 $0x1  }
0xce: {  	_ =	sfence.sel $0xFFFF  }
0xcf: {  	[dreg:$0x0] =	wrdreg $0xFFFFFFFF;
	(pc) =	sbr.abs _section_cstart, $3  }
0xd0: {  	[dreg:$0x1] =	wrdreg $0xFFFFFFFF  }
0xd1: {  	_ =	task.clear_ibuf [dreg:s22], $0x2FFFF;
	_ =	strace $0x9FFFFFFF  }
0xd2: {  	(tm) =	ssettm $0x7FFFFFFF  }
0xd3: {  	_ =	shalt  }
tec
execute0_lowered:
.L_overlay_start_1:
0x0: {  	(tag) =	ssettag $0x1  }
0x1: {  	s0 =	srdreg.scid  }
0x2: {  	s4 =	stileid.u32;
	s1 =	rddreg [dreg:$0x0]  }
0x3: {  	s14 =	rddreg [dreg:$0x1];
	s3 =	simm.s32 $0x0;
	s17 =	simm.s32 $0x1A780  }
0x4: {  	s18 =	simm.s32 $0x5;
	s19 =	simm.s32 $0x14000;
	s20 =	simm.s32 $0x16780  }
0x5: {  	s21 =	simm.s32 $0x50;
	s22 =	simm.s32 $0x1;
	s24 =	simm.s32 $0x1CF80  }
0x6: {  	s25 =	simm.s32 $0x2;
	s28 =	simm.s32 $0x4;
	s31 =	simm.s32 $0x1A580  }
0x7: {  	s0 =	sand.u32 $0x1, s0;
	s2 =	sshll.u32 s4, $0x1;
	s6 =	smul.u32 $0x2800, s4  }
0x8: {  	[smem:$0x7FF] =	sst s3;
	s8 =	smul.u32 $0x50000, s4;
	s4 =	sadd.s32 $0x5D200, s1  }
0x9: {  	s15 =	sor.u32 s0, s2;
	s2 =	rddreg [dreg:$0x2];
	s7 =	smul.u32 $0x28000, s0  }
0xa: {  	_ =	strace $0x8000004A;
	s0 =	ssub.s32 $0x2, s0;
	s5 =	smul.u32 $0x4E2, s15  }
0xb: {  	s29 =	sshrl.u32 s0, $0x1;
	s30 =	sshrl.u32 s8, $0x2;
	s15 =	sshll.u32 s15, $0xB  }
0xc: {  	s26 =	sadd.s32 s6, s7;
	s0 =	ssub.s32 s0, s29;
	s14 =	sadd.s32 s14, s15  }
0xd: {  	s13 =	sadd.s32 s5, s1;
	s1 =	sadd.s32 s26, s1;
	s5 =	sadd.s32 s30, s2  }
0xe: {  	s16 =	smax.u32 s0, $0x1;
	s26 =	simm.s32 $0x3;
	s6 =	sadd.s32 $0x2800, s5  }
0xf: {  	s7 =	sadd.s32 $0x5000, s5;
	s8 =	sadd.s32 $0x7800, s5;
	s9 =	sadd.s32 $0xA000, s5  }
0x10: {  	s10 =	sadd.s32 $0xC800, s5;
	s11 =	sadd.s32 $0xF000, s5;
	s12 =	sadd.s32 $0x11800, s5  }
0x11: {  	v0 =	vimm.f32 $0.0e+00;
	s13 =	sadd.s32 $0x3400, s13;
	s15 =	sadd.s32 $0x84400, s1;
	s1 =	simm.s32 $0x0  }
.LBB2_1:
0x12: {  	s0 =	simm.s32 $0x0;
	s23 =	simm.s32 $0x200  }
.LBB2_2:
0x13: {  	p0 =	sne.s32 s23, $0x9E00;
	[tilespmem:s0+$0x1A7F0] =	vst v0  }
0x14: {  	[tilespmem:s0+$0x1A780] =	vst v0  }
0x15: {  	[tilespmem:s0+$0x1A790] =	vst v0  }
.Ltmp0:
0x16: {  	[tilespmem:s0+$0x1A7A0] =	vst v0;
	(pc) =	sbr.rel @p0 .LBB2_2-.Ltmp0, $4  }
0x17: {  	[tilespmem:s0+$0x1A7B0] =	vst v0  }
0x18: {  	[tilespmem:s0+$0x1A7C0] =	vst v0  }
0x19: {  	[tilespmem:s0+$0x1A7D0] =	vst v0  }
0x1a: {  	[tilespmem:s0+$0x1A7E0] =	vst v0;
	s0 =	sshra.s32 s23, $0x2;
	s23 =	sadd.s32 $0x200, s23  }
0x1b: {  	[tilespmem:s0+$0x1A7F0] =	vst v0  }
0x1c: {  	[tilespmem:s0+$0x1A780] =	vst v0  }
0x1d: {  	[tilespmem:s0+$0x1A790] =	vst v0  }
0x1e: {  	[tilespmem:s0+$0x1A7A0] =	vst v0  }
0x1f: {  	[tilespmem:s0+$0x1A7B0] =	vst v0  }
0x20: {  	[tilespmem:s0+$0x1A7C0] =	vst v0  }
0x21: {  	[tilespmem:s0+$0x1A7D0] =	vst v0  }
0x22: {  	[tilespmem:s0+$0x1A7E0] =	vst v0  }
0x23: {  	[spmem:s5] =	stream.linear.scatter [tilespmem:s17], [sflag:$0x5], $0x2800, $0x38;
	[tilespmem:$0x1F780] =	vst v63  }
0x24: {  	_ =	swait.ge [sflag:s18], $0x2800  }
0x25: {  	[sflag:s18] =	ssyncset.done $0x0  }
0x26: {  	[sflag:s18] =	ssyncadd.s32 $0xFFFFD800  }
0x27: {  	[spmem:s6] =	stream.linear.scatter [tilespmem:s17], [sflag:$0x5], $0x2800, $0x38;
	[tilespmem:$0x1F780] =	vst v63  }
0x28: {  	_ =	swait.ge [sflag:s18], $0x2800  }
0x29: {  	[sflag:s18] =	ssyncset.done $0x0  }
0x2a: {  	[sflag:s18] =	ssyncadd.s32 $0xFFFFD800  }
0x2b: {  	[spmem:s7] =	stream.linear.scatter [tilespmem:s17], [sflag:$0x5], $0x2800, $0x38;
	[tilespmem:$0x1F780] =	vst v63  }
0x2c: {  	_ =	swait.ge [sflag:s18], $0x2800  }
0x2d: {  	[sflag:s18] =	ssyncset.done $0x0  }
0x2e: {  	[sflag:s18] =	ssyncadd.s32 $0xFFFFD800  }
0x2f: {  	[spmem:s8] =	stream.linear.scatter [tilespmem:s17], [sflag:$0x5], $0x2800, $0x38;
	[tilespmem:$0x1F780] =	vst v63  }
0x30: {  	_ =	swait.ge [sflag:s18], $0x2800  }
0x31: {  	[sflag:s18] =	ssyncset.done $0x0  }
0x32: {  	[sflag:s18] =	ssyncadd.s32 $0xFFFFD800  }
0x33: {  	[spmem:s9] =	stream.linear.scatter [tilespmem:s17], [sflag:$0x5], $0x2800, $0x38;
	[tilespmem:$0x1F780] =	vst v63  }
0x34: {  	_ =	swait.ge [sflag:s18], $0x2800  }
0x35: {  	[sflag:s18] =	ssyncset.done $0x0  }
0x36: {  	[sflag:s18] =	ssyncadd.s32 $0xFFFFD800  }
0x37: {  	[spmem:s10] =	stream.linear.scatter [tilespmem:s17], [sflag:$0x5], $0x2800, $0x38;
	[tilespmem:$0x1F780] =	vst v63  }
0x38: {  	_ =	swait.ge [sflag:s18], $0x2800  }
0x39: {  	[sflag:s18] =	ssyncset.done $0x0  }
0x3a: {  	[sflag:s18] =	ssyncadd.s32 $0xFFFFD800  }
0x3b: {  	[spmem:s11] =	stream.linear.scatter [tilespmem:s17], [sflag:$0x5], $0x2800, $0x38;
	[tilespmem:$0x1F780] =	vst v63  }
0x3c: {  	_ =	swait.ge [sflag:s18], $0x2800  }
0x3d: {  	[sflag:s18] =	ssyncset.done $0x0  }
0x3e: {  	[sflag:s18] =	ssyncadd.s32 $0xFFFFD800  }
0x3f: {  	[spmem:s12] =	stream.linear.scatter [tilespmem:s17], [sflag:$0x5], $0x2800, $0x38;
	[tilespmem:$0x1F780] =	vst v63  }
0x40: {  	_ =	swait.ge [sflag:s18], $0x2800  }
0x41: {  	[sflag:s18] =	ssyncset.done $0x0  }
0x42: {  	[sflag:s18] =	ssyncadd.s32 $0xFFFFD800  }
0x43: {  	[tilespmem:s19], [sflag:$0x5] =	stream.linear.gather [hbm4b:s13+s3], $0x2710, $0x38;
	[tilespmem:$0x1F780] =	vst v63  }
0x44: {  	_ =	swait.ge [sflag:s18], $0x2710  }
0x45: {  	[sflag:s18] =	ssyncset.done $0x0  }
0x46: {  	[sflag:s18] =	ssyncadd.s32 $0xFFFFD8F0  }
0x47: {  	[tilespmem:s20], [sflag:$0x5] =	stream.linear.gather [hbm4b:s14+s3], $0x3E80, $0x38;
	[tilespmem:$0x1F780] =	vst v63  }
0x48: {  	_ =	swait.ge [sflag:s18], $0x3E80  }
0x49: {  	[sflag:s18] =	ssyncset.done $0x0  }
0x4a: {  	[sflag:s18] =	ssyncadd.s32 $0xFFFFC180  }
0x4b: {  	[bflag:$0x0] =	sbarrier.arrive $0xFFFF  }
0x4c: {  	[tilespmem:s17], [sflag:$0x1] =	stream.indirect.gather [hbm4b:s4+s21], $0x80, s19, s21, $0xb8;
	[tilespmem:$0x1F780] =	vst v63  }
0x4d: {  	_ =	swait.ge [sflag:s22], $0x2800  }
0x4e: {  	[sflag:s22] =	ssyncset.done $0x0  }
0x4f: {  	[sflag:s22] =	ssyncadd.s32 $0xFFFFD800  }
0x50: {  	[spmem:s2] =	stream.indirect.scatter.add.f32 [tilespmem:s17], [sflag:$0x3], $0x80, s20, s21, $0xb8;
	[tilespmem:$0x1F780] =	vst v63  }
0x51: {  	s23 =	simm.s32 $0x14050  }
0x52: {  	[tilespmem:s24], [sflag:$0x2] =	stream.indirect.gather [hbm4b:s4+s21], $0x80, s23, s21, $0xb8;
	[tilespmem:$0x1F780] =	vst v63  }
0x53: {  	_ =	swait.ge [sflag:s25], $0x2800  }
0x54: {  	[sflag:s25] =	ssyncset.done $0x0  }
0x55: {  	s30 =	simm.s32 $0x16800;
	[sflag:s25] =	ssyncadd.s32 $0xFFFFD800  }
0x56: {  	[spmem:s2] =	stream.indirect.scatter.add.f32 [tilespmem:s24], [sflag:$0x4], $0x80, s30, s21, $0xb8;
	[tilespmem:$0x1F780] =	vst v63  }
0x57: {  	_ =	swait.ge [sflag:s26], $0x2800  }
0x58: {  	[sflag:s26] =	ssyncset.done $0x0  }
0x59: {  	s23 =	simm.s32 $0x140A0;
	[sflag:s26] =	ssyncadd.s32 $0xFFFFD800  }
0x5a: {  	[tilespmem:s17], [sflag:$0x1] =	stream.indirect.gather [hbm4b:s4+s21], $0x80, s23, s21, $0xb8;
	[tilespmem:$0x1F780] =	vst v63  }
0x5b: {  	_ =	swait.ge [sflag:s22], $0x2800  }
0x5c: {  	[sflag:s22] =	ssyncset.done $0x0  }
0x5d: {  	s30 =	simm.s32 $0x16880;
	[sflag:s22] =	ssyncadd.s32 $0xFFFFD800  }
0x5e: {  	[spmem:s2] =	stream.indirect.scatter.add.f32 [tilespmem:s17], [sflag:$0x3], $0x80, s30, s21, $0xb8;
	[tilespmem:$0x1F780] =	vst v63  }
0x5f: {  	_ =	swait.ge [sflag:s28], $0x2800  }
0x60: {  	s0 =	simm.s32 $0xFFFF6A00;
	[sflag:s28] =	ssyncset.done $0x0  }
0x61: {  	s29 =	simm.s32 $0x140F0;
	s23 =	simm.s32 $0x16900;
	[sflag:s28] =	ssyncadd.s32 $0xFFFFD800  }
.LBB2_4:
0x62: {  	[tilespmem:s24], [sflag:$0x2] =	stream.indirect.gather [hbm4b:s4+s21], $0x80, s29, s21, $0xb8;
	[tilespmem:$0x1F780] =	vst v63  }
0x63: {  	s29 =	smov.u32 s0  }
0x64: {  	p0 =	sne.s32 s0, $0xFFFFFD80;
	s0 =	sadd.s32 $0x280, s0;
	_ =	swait.ge [sflag:s25], $0x2800  }
0x65: {  	[sflag:s25] =	ssyncset.done $0x0  }
0x66: {  	[sflag:s25] =	ssyncadd.s32 $0xFFFFD800  }
0x67: {  	[spmem:s2] =	stream.indirect.scatter.add.f32 [tilespmem:s24], [sflag:$0x4], $0x80, s23, s21, $0xb8;
	[tilespmem:$0x1F780] =	vst v63  }
0x68: {  	_ =	swait.ge [sflag:s26], $0x2800  }
0x69: {  	s29 =	sshra.s32 s29, $0x2;
	[sflag:s26] =	ssyncset.done $0x0  }
0x6a: {  	s30 =	sadd.s32 $0x166C0, s29;
	[sflag:s26] =	ssyncadd.s32 $0xFFFFD800  }
0x6b: {  	[tilespmem:s17], [sflag:$0x1] =	stream.indirect.gather [hbm4b:s4+s21], $0x80, s30, s21, $0xb8;
	[tilespmem:$0x1F780] =	vst v63  }
0x6c: {  	_ =	swait.ge [sflag:s22], $0x2800  }
0x6d: {  	[sflag:s22] =	ssyncset.done $0x0  }
.Ltmp1:
0x6e: {  	s30 =	sadd.s32 $0x80, s23;
	[sflag:s22] =	ssyncadd.s32 $0xFFFFD800;
	(pc) =	sbr.rel @p0 .LBB2_4-.Ltmp1, $4  }
0x6f: {  	[spmem:s2] =	stream.indirect.scatter.add.f32 [tilespmem:s17], [sflag:$0x3], $0x80, s30, s21, $0xb8;
	[tilespmem:$0x1F780] =	vst v63  }
0x70: {  	_ =	swait.ge [sflag:s28], $0x2800  }
0x71: {  	[sflag:s28] =	ssyncset.done $0x0  }
0x72: {  	s29 =	sadd.s32 $0x16710, s29;
	s23 =	sadd.s32 $0x100, s23;
	[sflag:s28] =	ssyncadd.s32 $0xFFFFD800  }
0x73: {  	[tilespmem:s24], [sflag:$0x2] =	stream.indirect.gather [hbm4b:s4+s21], $0x80, s29, s21, $0xb8;
	[tilespmem:$0x1F780] =	vst v63  }
0x74: {  	_ =	swait.ge [sflag:s25], $0x2800  }
0x75: {  	[sflag:s25] =	ssyncset.done $0x0  }
0x76: {  	s0 =	simm.s32 $0x1A500;
	[sflag:s25] =	ssyncadd.s32 $0xFFFFD800  }
0x77: {  	[spmem:s2] =	stream.indirect.scatter.add.f32 [tilespmem:s24], [sflag:$0x4], $0x80, s0, s21, $0xb8;
	[tilespmem:$0x1F780] =	vst v63  }
0x78: {  	_ =	swait.ge [sflag:s26], $0x2800  }
0x79: {  	[sflag:s26] =	ssyncset.done $0x0  }
0x7a: {  	s29 =	simm.s32 $0x166C0;
	[sflag:s26] =	ssyncadd.s32 $0xFFFFD800  }
0x7b: {  	[tilespmem:s17], [sflag:$0x1] =	stream.indirect.gather [hbm4b:s4+s21], $0x80, s29, s21, $0xb8;
	[tilespmem:$0x1F780] =	vst v63  }
0x7c: {  	_ =	swait.ge [sflag:s22], $0x2800  }
0x7d: {  	[sflag:s22] =	ssyncset.done $0x0  }
0x7e: {  	[sflag:s22] =	ssyncadd.s32 $0xFFFFD800  }
0x7f: {  	[spmem:s2] =	stream.indirect.scatter.add.f32 [tilespmem:s17], [sflag:$0x3], $0x80, s31, s21, $0xb8;
	[tilespmem:$0x1F780] =	vst v63  }
0x80: {  	_ =	swait.ge [sflag:s28], $0x2800  }
0x81: {  	[sflag:s28] =	ssyncset.done $0x0  }
0x82: {  	[sflag:s28] =	ssyncadd.s32 $0xFFFFD800  }
0x83: {  	s30 =	stileid.u32;
	_ =	swait.ge [sflag:s26], $0x2800  }
0x84: {  	s23 =	sshrl.u32 s5, $0x3;
	s1 =	sadd.s32 $0x1, s1;
	[sflag:s26] =	ssyncset.done $0x0  }
0x85: {  	p0 =	sne.s32 s1, s16;
	s0 =	sshll.u32 s30, $0x6;
	[sflag:s26] =	ssyncadd.s32 $0xFFFFD800  }
.Ltmp2:
0x86: {  	s0 =	sor.u32 $0x1C05, s0;
	[bflag:$0x0] =	sbarrier.arrive $0xFFFF;
	(pc) =	sbr.rel @p0 .LBB2_1-.Ltmp2, $4  }
0x87: {  	[hbm:s15], [sflag:s0] =	dma.local [spmem:s23], $0x2800  }
0x88: {  	_ =	swait.ge [sflag:s18], $0x2800  }
0x89: {  	[sflag:s18] =	ssyncset.done $0x0  }
0x8a: {  	[sflag:s18] =	ssyncadd.s32 $0xFFFFD800  }
0x8b: {  	_ =	sfence.sel $0x180000  }
0x8c: {  	[bflag:$0x0] =	sbarrier.arrive $0xFFFF  }
0x8d: {  	_ =	strace $0x9000004A  }
0x8e: {  	s0 =	stileid.u32;
	[bflag:$0x2] =	sbarrier.arrive $0xFFFF  }
0x8f: {  	p0 =	sne.s32 s0, $0x0;
	s0 =	rddreg [dreg:$0x3]  }
0x90: {  	s0 =	sadd.s32 @!p0 $0x100000, s0  }
0x91: {  	[sflag:s0] =	ssyncadd.tile.s32 @!p0 $0x1;
	_ =	shalt  }
.Lfunc_end2:
_tile_overlayer_lowered:
.L_overlay_start_2:
0x92: {  	(tag) =	ssettag $0x2  }
0x93: {  	s0 =	rddreg [dreg:$0x0];
	s2 =	stileid.u32  }
0x94: {  	s1 =	rddreg [dreg:$0x1];
	p0 =	sne.s32 s2, $0x0  }
0x95: {  	s3 =	rddreg [dreg:$0x2];
	[bflag:$0x3] =	sbarrier.arrive $0xFFFF;
	s2 =	simm.s32 @!p0 $0x1C05  }
0x96: {  	[timem:s3], [sflag:s2] =	dma.local @!p0 [hbm:s0], s1  }
0x97: {  	s0 =	simm.s32 @!p0 $0x5  }
0x98: {  	_ =	swait.ge @!p0 [sflag:s0], s1  }
0x99: {  	s1 =	ssub.s32 @!p0 $0x0, s1;
	[sflag:s0] =	ssyncset.done @!p0 $0x0  }
0x9a: {  	[sflag:s0] =	ssyncadd.s32 @!p0 s1  }
0x9b: {  	[bflag:$0x3] =	sbarrier.arrive $0xFFFF  }
0x9c: {  	_ =	shalt  }

// kernel: kernel.17.cloned.1.call-start
scs
__scs_entry_jumppad:
0x0: {  	(pc) =	sbr.rel $0x88, $3  }
0x1: {  	(tag) =	ssettag $0x0;
	lr =	simm.s32 $0x1  }
0x2: {  	[smem:$0x3F97] =	sst lr;
	_ =	strace $0xD0000000  }
0x3: {  	_ = 	snop  }
0x4: {  	_ = 	snop  }
0x5: {  	_ = 	snop  }
0x6: {  	_ = 	snop  }
0x7: {  	_ = 	snop  }
__scs_overlays_trampoline_lowered:
0x8: {  	[smem:$0x3FA6] =	sst s0  }
0x9: {  	[smem:$0x3FA7] =	sst s1  }
0xa: {  	[smem:$0x3FA8] =	sst s2  }
0xb: {  	[smem:$0x3FA9] =	sst s3  }
0xc: {  	[smem:$0x3FAA] =	sst s4  }
0xd: {  	[smem:$0x3FAB] =	sst s5  }
0xe: {  	[smem:$0x3FAC] =	sst s6  }
0xf: {  	[smem:$0x3FAD] =	sst s7  }
0x10: {  	[smem:$0x3FAE] =	sst s8  }
0x11: {  	[smem:$0x3FAF] =	sst s9;
	s0 =	simm.s32 @!p0 $0x0  }
0x12: {  	s1 =	sld [smem:$0x3F95];
	s0 =	simm.s32 @p0 $0x1  }
0x13: {  	[smem:$0x3FB0] =	sst s0;
	s0 =	simm.s32 @!p1 $0x0  }
0x14: {  	s2 =	sld [smem:$0x3F94];
	s0 =	simm.s32 @p1 $0x1  }
0x15: {  	[smem:$0x3FB1] =	sst s0;
	s0 =	simm.s32 @!p2 $0x0  }
0x16: {  	s3 =	sld [smem:$0x3FDB];
	s0 =	simm.s32 @p2 $0x1  }
0x17: {  	s4 =	simm.s32 $0x1BF5;
	[smem:$0x3FB3] =	sst s0  }
0x18: {  	s0 =	sld [smem:$0x3F96];
	_ =	swait.ge [sflag:s4], $0x0  }
0x19: {  	s7 =	sld [smem:$0x3F97]  }
0x1a: {  	s8 =	sadd.s32 $0xFFFFE003, lr  }
0x1b: {  	s9 =	sadd.s32 $0xFFFFFEF7, lr;
	s5 =	simm.s32 $0xFFFFFFFF;
	p2 =	slt.u32 s8, $0xFFFFF086  }
0x1c: {  	p1 =	slt.u32 s9, $0xF7A;
	s5 =	simm.s32 @!p2 $0x0  }
0x1d: {  	s5 =	simm.s32 @p1 $0x1;
	p0 =	seq.s32 s7, s2  }
0x1e: {  	s7 =	smul.u32 @!p0 $0xF7A, s2;
	p2 =	seq.s32 @!p0 s5, $0x0  }
0x1f: {  	s9 =	smul.u32 $0xF7A, s1;
	s8 =	simm.s32 @!p0 $0x1BF5;
	p2 =	por !p2, p0  }
0x20: {  	[sflag:s8] =	ssyncset.s32 @!p0 $0xFFFFF086;
	s6 =	sadd.s32 @!p0 s3, s7;
	s7 =	simm.s32 @!p0 $0x108  }
0x21: {  	s3 =	sadd.s32 s3, s9;
	s6 =	sadd.s32 @!p0 $0x88, s6;
	s7 =	simm.s32 @p2 $0x1082  }
0x22: {  	[simem:s7], [sflag:s8] =	dma.local @!p0 [hbm:s6], $0xF7A  }
0x23: {  	s9 =	sor.u32 $0xD0000000, s2;
	s6 =	simm.s32 $0x108;
	_ =	swait.ge @!p0 [sflag:s8], $0x0  }
0x24: {  	s3 =	sadd.s32 $0x88, s3;
	s6 =	simm.s32 @!p1 $0x1082;
	[sflag:s4] =	ssyncset.s32 $0xFFFFF086  }
0x25: {  	[simem:s6], [sflag:s4] =	dma.local [hbm:s3], $0xF7A  }
0x26: {  	[smem:$0x3F97] =	sst s1;
	(tag) =	ssettag s2;
	_ =	strace s9  }
0x27: {  	s1 =	sld [smem:$0x3FA7]  }
0x28: {  	s2 =	sld [smem:$0x3FA8]  }
0x29: {  	s4 =	sld [smem:$0x3FAA]  }
0x2a: {  	p0 =	seq.s32 s5, $0x0;
	s5 =	sld [smem:$0x3FAB]  }
0x2b: {  	s6 =	sld [smem:$0x3FAC]  }
0x2c: {  	s7 =	sld [smem:$0x3FAD]  }
0x2d: {  	s3 =	simm.s32 $0x108;
	s8 =	sld [smem:$0x3FAE]  }
0x2e: {  	s3 =	simm.s32 @!p0 $0x1082;
	s9 =	sld [smem:$0x3FAF]  }
0x2f: {  	lr =	sadd.s32 s0, s3;
	s0 =	sld [smem:$0x3FA6]  }
0x30: {  	s3 =	sld [smem:$0x3FA9]  }
0x31: {  	[smem:$0x3FB2] =	sst s10  }
0x32: {  	s10 =	sld [smem:$0x3FB0];
	_ =	sdelay $0x3  }
0x33: {  	p0 =	seq.s32 s10, $0x1;
	s10 =	sld [smem:$0x3FB2];
	_ =	sdelay $0x3  }
0x34: {  	[smem:$0x3FB2] =	sst s10  }
0x35: {  	s10 =	sld [smem:$0x3FB1];
	_ =	sdelay $0x3  }
0x36: {  	p1 =	seq.s32 s10, $0x1;
	s10 =	sld [smem:$0x3FB2];
	_ =	sdelay $0x3  }
0x37: {  	[smem:$0x3FB2] =	sst s10  }
0x38: {  	s10 =	sld [smem:$0x3FB3]  }
0x39: {  	_ = 	snop;
	(pc) =	sbr.ind lr, $3  }
0x3a: {  	_ = 	snop  }
0x3b: {  	_ = 	snop  }
0x3c: {  	p2 =	seq.s32 s10, $0x1;
	s10 =	sld [smem:$0x3FB2]  }
0x3d: {  	_ =	shalt  }
0x3e: {  	_ =	shalt  }
0x3f: {  	_ =	shalt  }
0x40: {  	_ =	shalt  }
0x41: {  	_ =	shalt  }
0x42: {  	_ =	shalt  }
0x43: {  	_ =	shalt  }
0x44: {  	_ =	shalt  }
0x45: {  	_ =	shalt  }
0x46: {  	_ =	shalt  }
0x47: {  	_ =	shalt  }
0x48: {  	_ =	shalt  }
0x49: {  	_ =	shalt  }
0x4a: {  	_ =	shalt  }
0x4b: {  	_ =	shalt  }
0x4c: {  	_ =	shalt  }
0x4d: {  	_ =	shalt  }
0x4e: {  	_ =	shalt  }
0x4f: {  	_ =	shalt  }
0x50: {  	_ =	shalt  }
0x51: {  	_ =	shalt  }
0x52: {  	_ =	shalt  }
0x53: {  	_ =	shalt  }
0x54: {  	_ =	shalt  }
0x55: {  	_ =	shalt  }
0x56: {  	_ =	shalt  }
0x57: {  	_ =	shalt  }
0x58: {  	_ =	shalt  }
0x59: {  	_ =	shalt  }
0x5a: {  	_ =	shalt  }
0x5b: {  	_ =	shalt  }
0x5c: {  	_ =	shalt  }
0x5d: {  	_ =	shalt  }
0x5e: {  	_ =	shalt  }
0x5f: {  	_ =	shalt  }
0x60: {  	_ =	shalt  }
0x61: {  	_ =	shalt  }
0x62: {  	_ =	shalt  }
0x63: {  	_ =	shalt  }
0x64: {  	_ =	shalt  }
0x65: {  	_ =	shalt  }
0x66: {  	_ =	shalt  }
0x67: {  	_ =	shalt  }
0x68: {  	_ =	shalt  }
0x69: {  	_ =	shalt  }
0x6a: {  	_ =	shalt  }
0x6b: {  	_ =	shalt  }
0x6c: {  	_ =	shalt  }
0x6d: {  	_ =	shalt  }
0x6e: {  	_ =	shalt  }
0x6f: {  	_ =	shalt  }
0x70: {  	_ =	shalt  }
0x71: {  	_ =	shalt  }
0x72: {  	_ =	shalt  }
0x73: {  	_ =	shalt  }
0x74: {  	_ =	shalt  }
0x75: {  	_ =	shalt  }
0x76: {  	_ =	shalt  }
0x77: {  	_ =	shalt  }
0x78: {  	_ =	shalt  }
0x79: {  	_ =	shalt  }
0x7a: {  	_ =	shalt  }
0x7b: {  	_ =	shalt  }
0x7c: {  	_ =	shalt  }
0x7d: {  	_ =	shalt  }
0x7e: {  	_ =	shalt  }
0x7f: {  	_ =	shalt  }
0x80: {  	_ =	shalt  }
0x81: {  	_ =	shalt  }
0x82: {  	_ =	shalt  }
0x83: {  	_ =	shalt  }
0x84: {  	_ =	shalt  }
0x85: {  	_ =	shalt  }
0x86: {  	_ =	shalt  }
0x87: {  	_ =	shalt  }
.Lfunc_end0:
.L_simem_size_0:
called_computation.2_lowered:
.L_overlay_start_0:
0x88: {  	s2 =	sld [smem:$0x3FD9]  }
0x89: {  	s3 =	sld [smem:$0x3FFE];
	_ =	sdelay $0x1  }
0x8a: {  	s1 =	srdreg.scid  }
0x8b: {  	s0 =	sand.u32 $0x1, s1  }
0x8c: {  	s17 =	sshll.u32 s0, $0xA;
	s2 =	sadd.s32 s3, s2  }
0x8d: {  	s2 =	sadd.s32 s2, s17  }
0x8e: {  	[smem:$0x3FBE] =	sst s2  }
0x8f: {  	_ = 	snop  }
0x90: {  	s2 =	sld [smem:$0x3FD0];
	(tm) =	ssettm $0x1  }
0x91: {  	s18 =	sld [smem:$0x3FFB];
	_ =	sdelay $0x3  }
0x92: {  	_ =	strace s18  }
0x93: {  	s3 =	sld [smem:$0x3FFC];
	_ =	sdelay $0x3  }
0x94: {  	_ =	strace s3  }
0x95: {  	s3 =	sld [smem:$0x3FFD];
	_ =	sdelay $0x3  }
0x96: {  	_ =	strace s3  }
0x97: {  	_ =	strace $0x8FFFFFFF  }
0x98: {  	s19 =	sld [smem:$0x3FDB];
	_ =	sdelay $0x1  }
0x99: {  	s4 =	simm.s32 $_scs_section_size  }
0x9a: {  	s5 =	simm.s32 $_size__tile_overlayer_lowered;
	s6 =	simm.s32 $_tile_overlayer_lowered  }
0x9b: {  	s22 =	simm.s32 $0x1BFF;
	s21 =	sshll.u32 s6, $0x1;
	s3 =	sadd.s32 s4, s19  }
0x9c: {  	s7 =	simm.s32 $0x0;
	s20 =	sshll.u32 s5, $0x1;
	s5 =	sadd.s32 s21, s3  }
0x9d: {  	[timem:s7], [sflag:s22] =	dma.local [hbm:s5], s20  }
0x9e: {  	_ =	swait.ge [sflag:s22], s20  }
0x9f: {  	s4 =	ssub.s32 $0x0, s20;
	[sflag:s22] =	ssyncset.done $0x0  }
0xa0: {  	[sflag:s22] =	ssyncadd.s32 s4;
	_ =	sdelay $0x1  }
0xa1: {  	s23 =	simm.s32 $0x1B8B  }
0xa2: {  	_ =	swait.ge [sflag:s23], $0x1  }
0xa3: {  	[sflag:s23] =	ssyncset.done $0x0  }
0xa4: {  	s25 =	simm.s32 $0x1B8E;
	s24 =	sld [smem:$0x3FFE];
	[sflag:s23] =	ssyncadd.s32 $0xFFFFFFFF  }
0xa5: {  	s26 =	simm.s32 $execute0_lowered;
	[smem:$0x3FD2] =	sst s25  }
0xa6: {  	s5 =	sshll.u32 s26, $0x1;
	_ =	strace $0x8000004C;
	[dreg:$0x1] =	wrdreg $0xFFFFFFFF  }
0xa7: {  	s28 =	simm.s32 $_size_execute0_lowered;
	s3 =	sadd.s32 s3, s5;
	[dreg:$0x0] =	wrdreg $0x0  }
0xa8: {  	s5 =	sshll.u32 s28, $0x1;
	[dreg:$0x2] =	wrdreg s3  }
0xa9: {  	[dreg:$0x3] =	wrdreg s5  }
0xaa: {  	[dreg:$0x4] =	wrdreg $0xC0  }
0xab: {  	_ =	task [dreg:s7], $0x5FFFF  }
0xac: {  	[dreg:$0x1] =	wrdreg $0xFFFFFFFF  }
0xad: {  	[dreg:$0x0] =	wrdreg $0x60  }
0xae: {  	[dreg:$0x2] =	wrdreg s24  }
0xaf: {  	[dreg:$0x3] =	wrdreg s2  }
0xb0: {  	[dreg:$0x4] =	wrdreg $0x0  }
0xb1: {  	[dreg:$0x5] =	wrdreg $0x9  }
0xb2: {  	_ =	task.clear_ibuf [dreg:s7], $0x6FFFF;
	_ =	strace $0x9000004C  }
0xb3: {  	s29 =	simm.s32 $0x9;
	_ =	strace $0x8000004E  }
0xb4: {  	_ =	swait.ge [sflag:s29], $0x1  }
0xb5: {  	[sflag:s29] =	ssyncadd.s32 $0xFFFFFFFF  }
0xb6: {  	_ =	strace $0x9000004E  }
0xb7: {  	_ =	sfence  }
0xb8: {  	s30 =	sld [smem:$0x0];
	_ =	sdelay $0x2  }
0xb9: {  	s31 =	sshll.u32 s1, $0xD;
	s1 =	sshrl.u32 s1, $0x2  }
0xba: {  	s3 =	sand.u32 $0x4000, s31;
	s1 =	sadd.s32 s1, s30  }
0xbb: {  	s0 =	sor.u32 s3, s0;
	s1 =	sshll.u32 s1, $0x11  }
0xbc: {  	s0 =	sor.u32 s1, s0  }
0xbd: {  	s0 =	sadd.s32 $0x8F2B, s0  }
0xbe: {  	[sflag:s0] =	ssyncadd.remote.s32 $0x1  }
0xbf: {  	_ =	sfence.sel $0xFFFF  }
0xc0: {  	[dreg:$0x0] =	wrdreg $0xFFFFFFFF;
	(pc) =	sbr.abs _section_cstart, $3  }
0xc1: {  	[dreg:$0x1] =	wrdreg $0xFFFFFFFF  }
0xc2: {  	_ =	task.clear_ibuf [dreg:s7], $0x2FFFF;
	_ =	strace $0x9FFFFFFF  }
0xc3: {  	(tm) =	ssettm $0x7FFFFFFF  }
tec
execute0_lowered:
.L_overlay_start_1:
0x0: {  	(tag) =	ssettag $0x1  }
0x1: {  	s0 =	srdreg.scid  }
0x2: {  	s4 =	stileid.u32;
	s1 =	rddreg [dreg:$0x0]  }
0x3: {  	s14 =	rddreg [dreg:$0x1];
	s3 =	simm.s32 $0x0;
	s17 =	simm.s32 $0x1A780  }
0x4: {  	s18 =	simm.s32 $0x5;
	s19 =	simm.s32 $0x14000;
	s20 =	simm.s32 $0x16780  }
0x5: {  	s21 =	simm.s32 $0x50;
	s22 =	simm.s32 $0x1;
	s24 =	simm.s32 $0x1CF80  }
0x6: {  	s25 =	simm.s32 $0x2;
	s28 =	simm.s32 $0x4;
	s31 =	simm.s32 $0x1A580  }
0x7: {  	s0 =	sand.u32 $0x1, s0;
	s2 =	sshll.u32 s4, $0x1;
	s6 =	smul.u32 $0x2800, s4  }
0x8: {  	[smem:$0x7FF] =	sst s3;
	s8 =	smul.u32 $0x50000, s4;
	s4 =	sadd.s32 $0xD200, s1  }
0x9: {  	s15 =	sor.u32 s0, s2;
	s2 =	rddreg [dreg:$0x2];
	s7 =	smul.u32 $0x28000, s0  }
0xa: {  	_ =	strace $0x8000004D;
	s0 =	ssub.s32 $0x2, s0;
	s5 =	smul.u32 $0x4E2, s15  }
0xb: {  	s29 =	sshrl.u32 s0, $0x1;
	s30 =	sshrl.u32 s8, $0x2;
	s15 =	sshll.u32 s15, $0xB  }
0xc: {  	s26 =	sadd.s32 s6, s7;
	s0 =	ssub.s32 s0, s29;
	s14 =	sadd.s32 s14, s15  }
0xd: {  	s13 =	sadd.s32 s5, s1;
	s1 =	sadd.s32 s26, s1;
	s5 =	sadd.s32 s30, s2  }
0xe: {  	s16 =	smax.u32 s0, $0x1;
	s26 =	simm.s32 $0x3;
	s6 =	sadd.s32 $0x2800, s5  }
0xf: {  	s7 =	sadd.s32 $0x5000, s5;
	s8 =	sadd.s32 $0x7800, s5;
	s9 =	sadd.s32 $0xA000, s5  }
0x10: {  	s10 =	sadd.s32 $0xC800, s5;
	s11 =	sadd.s32 $0xF000, s5;
	s12 =	sadd.s32 $0x11800, s5  }
0x11: {  	v0 =	vimm.f32 $0.0e+00;
	s13 =	sadd.s32 $0x3400, s13;
	s15 =	sadd.s32 $0x34400, s1;
	s1 =	simm.s32 $0x0  }
.LBB2_1:
0x12: {  	s0 =	simm.s32 $0x0;
	s23 =	simm.s32 $0x200  }
.LBB2_2:
0x13: {  	p0 =	sne.s32 s23, $0x9E00;
	[tilespmem:s0+$0x1A7F0] =	vst v0  }
0x14: {  	[tilespmem:s0+$0x1A780] =	vst v0  }
0x15: {  	[tilespmem:s0+$0x1A790] =	vst v0  }
.Ltmp0:
0x16: {  	[tilespmem:s0+$0x1A7A0] =	vst v0;
	(pc) =	sbr.rel @p0 .LBB2_2-.Ltmp0, $4  }
0x17: {  	[tilespmem:s0+$0x1A7B0] =	vst v0  }
0x18: {  	[tilespmem:s0+$0x1A7C0] =	vst v0  }
0x19: {  	[tilespmem:s0+$0x1A7D0] =	vst v0  }
0x1a: {  	[tilespmem:s0+$0x1A7E0] =	vst v0;
	s0 =	sshra.s32 s23, $0x2;
	s23 =	sadd.s32 $0x200, s23  }
0x1b: {  	[tilespmem:s0+$0x1A7F0] =	vst v0  }
0x1c: {  	[tilespmem:s0+$0x1A780] =	vst v0  }
0x1d: {  	[tilespmem:s0+$0x1A790] =	vst v0  }
0x1e: {  	[tilespmem:s0+$0x1A7A0] =	vst v0  }
0x1f: {  	[tilespmem:s0+$0x1A7B0] =	vst v0  }
0x20: {  	[tilespmem:s0+$0x1A7C0] =	vst v0  }
0x21: {  	[tilespmem:s0+$0x1A7D0] =	vst v0  }
0x22: {  	[tilespmem:s0+$0x1A7E0] =	vst v0  }
0x23: {  	[spmem:s5] =	stream.linear.scatter [tilespmem:s17], [sflag:$0x5], $0x2800, $0x38;
	[tilespmem:$0x1F780] =	vst v63  }
0x24: {  	_ =	swait.ge [sflag:s18], $0x2800  }
0x25: {  	[sflag:s18] =	ssyncset.done $0x0  }
0x26: {  	[sflag:s18] =	ssyncadd.s32 $0xFFFFD800  }
0x27: {  	[spmem:s6] =	stream.linear.scatter [tilespmem:s17], [sflag:$0x5], $0x2800, $0x38;
	[tilespmem:$0x1F780] =	vst v63  }
0x28: {  	_ =	swait.ge [sflag:s18], $0x2800  }
0x29: {  	[sflag:s18] =	ssyncset.done $0x0  }
0x2a: {  	[sflag:s18] =	ssyncadd.s32 $0xFFFFD800  }
0x2b: {  	[spmem:s7] =	stream.linear.scatter [tilespmem:s17], [sflag:$0x5], $0x2800, $0x38;
	[tilespmem:$0x1F780] =	vst v63  }
0x2c: {  	_ =	swait.ge [sflag:s18], $0x2800  }
0x2d: {  	[sflag:s18] =	ssyncset.done $0x0  }
0x2e: {  	[sflag:s18] =	ssyncadd.s32 $0xFFFFD800  }
0x2f: {  	[spmem:s8] =	stream.linear.scatter [tilespmem:s17], [sflag:$0x5], $0x2800, $0x38;
	[tilespmem:$0x1F780] =	vst v63  }
0x30: {  	_ =	swait.ge [sflag:s18], $0x2800  }
0x31: {  	[sflag:s18] =	ssyncset.done $0x0  }
0x32: {  	[sflag:s18] =	ssyncadd.s32 $0xFFFFD800  }
0x33: {  	[spmem:s9] =	stream.linear.scatter [tilespmem:s17], [sflag:$0x5], $0x2800, $0x38;
	[tilespmem:$0x1F780] =	vst v63  }
0x34: {  	_ =	swait.ge [sflag:s18], $0x2800  }
0x35: {  	[sflag:s18] =	ssyncset.done $0x0  }
0x36: {  	[sflag:s18] =	ssyncadd.s32 $0xFFFFD800  }
0x37: {  	[spmem:s10] =	stream.linear.scatter [tilespmem:s17], [sflag:$0x5], $0x2800, $0x38;
	[tilespmem:$0x1F780] =	vst v63  }
0x38: {  	_ =	swait.ge [sflag:s18], $0x2800  }
0x39: {  	[sflag:s18] =	ssyncset.done $0x0  }
0x3a: {  	[sflag:s18] =	ssyncadd.s32 $0xFFFFD800  }
0x3b: {  	[spmem:s11] =	stream.linear.scatter [tilespmem:s17], [sflag:$0x5], $0x2800, $0x38;
	[tilespmem:$0x1F780] =	vst v63  }
0x3c: {  	_ =	swait.ge [sflag:s18], $0x2800  }
0x3d: {  	[sflag:s18] =	ssyncset.done $0x0  }
0x3e: {  	[sflag:s18] =	ssyncadd.s32 $0xFFFFD800  }
0x3f: {  	[spmem:s12] =	stream.linear.scatter [tilespmem:s17], [sflag:$0x5], $0x2800, $0x38;
	[tilespmem:$0x1F780] =	vst v63  }
0x40: {  	_ =	swait.ge [sflag:s18], $0x2800  }
0x41: {  	[sflag:s18] =	ssyncset.done $0x0  }
0x42: {  	[sflag:s18] =	ssyncadd.s32 $0xFFFFD800  }
0x43: {  	[tilespmem:s19], [sflag:$0x5] =	stream.linear.gather [hbm4b:s13+s3], $0x2710, $0x38;
	[tilespmem:$0x1F780] =	vst v63  }
0x44: {  	_ =	swait.ge [sflag:s18], $0x2710  }
0x45: {  	[sflag:s18] =	ssyncset.done $0x0  }
0x46: {  	[sflag:s18] =	ssyncadd.s32 $0xFFFFD8F0  }
0x47: {  	[tilespmem:s20], [sflag:$0x5] =	stream.linear.gather [hbm4b:s14+s3], $0x3E80, $0x38;
	[tilespmem:$0x1F780] =	vst v63  }
0x48: {  	_ =	swait.ge [sflag:s18], $0x3E80  }
0x49: {  	[sflag:s18] =	ssyncset.done $0x0  }
0x4a: {  	[sflag:s18] =	ssyncadd.s32 $0xFFFFC180  }
0x4b: {  	[bflag:$0x0] =	sbarrier.arrive $0xFFFF  }
0x4c: {  	[tilespmem:s17], [sflag:$0x1] =	stream.indirect.gather [hbm4b:s4+s21], $0x80, s19, s21, $0xb8;
	[tilespmem:$0x1F780] =	vst v63  }
0x4d: {  	_ =	swait.ge [sflag:s22], $0x2800  }
0x4e: {  	[sflag:s22] =	ssyncset.done $0x0  }
0x4f: {  	[sflag:s22] =	ssyncadd.s32 $0xFFFFD800  }
0x50: {  	[spmem:s2] =	stream.indirect.scatter.add.f32 [tilespmem:s17], [sflag:$0x3], $0x80, s20, s21, $0xb8;
	[tilespmem:$0x1F780] =	vst v63  }
0x51: {  	s23 =	simm.s32 $0x14050  }
0x52: {  	[tilespmem:s24], [sflag:$0x2] =	stream.indirect.gather [hbm4b:s4+s21], $0x80, s23, s21, $0xb8;
	[tilespmem:$0x1F780] =	vst v63  }
0x53: {  	_ =	swait.ge [sflag:s25], $0x2800  }
0x54: {  	[sflag:s25] =	ssyncset.done $0x0  }
0x55: {  	s30 =	simm.s32 $0x16800;
	[sflag:s25] =	ssyncadd.s32 $0xFFFFD800  }
0x56: {  	[spmem:s2] =	stream.indirect.scatter.add.f32 [tilespmem:s24], [sflag:$0x4], $0x80, s30, s21, $0xb8;
	[tilespmem:$0x1F780] =	vst v63  }
0x57: {  	_ =	swait.ge [sflag:s26], $0x2800  }
0x58: {  	[sflag:s26] =	ssyncset.done $0x0  }
0x59: {  	s23 =	simm.s32 $0x140A0;
	[sflag:s26] =	ssyncadd.s32 $0xFFFFD800  }
0x5a: {  	[tilespmem:s17], [sflag:$0x1] =	stream.indirect.gather [hbm4b:s4+s21], $0x80, s23, s21, $0xb8;
	[tilespmem:$0x1F780] =	vst v63  }
0x5b: {  	_ =	swait.ge [sflag:s22], $0x2800  }
0x5c: {  	[sflag:s22] =	ssyncset.done $0x0  }
0x5d: {  	s30 =	simm.s32 $0x16880;
	[sflag:s22] =	ssyncadd.s32 $0xFFFFD800  }
0x5e: {  	[spmem:s2] =	stream.indirect.scatter.add.f32 [tilespmem:s17], [sflag:$0x3], $0x80, s30, s21, $0xb8;
	[tilespmem:$0x1F780] =	vst v63  }
0x5f: {  	_ =	swait.ge [sflag:s28], $0x2800  }
0x60: {  	s0 =	simm.s32 $0xFFFF6A00;
	[sflag:s28] =	ssyncset.done $0x0  }
0x61: {  	s29 =	simm.s32 $0x140F0;
	s23 =	simm.s32 $0x16900;
	[sflag:s28] =	ssyncadd.s32 $0xFFFFD800  }
.LBB2_4:
0x62: {  	[tilespmem:s24], [sflag:$0x2] =	stream.indirect.gather [hbm4b:s4+s21], $0x80, s29, s21, $0xb8;
	[tilespmem:$0x1F780] =	vst v63  }
0x63: {  	s29 =	smov.u32 s0  }
0x64: {  	p0 =	sne.s32 s0, $0xFFFFFD80;
	s0 =	sadd.s32 $0x280, s0;
	_ =	swait.ge [sflag:s25], $0x2800  }
0x65: {  	[sflag:s25] =	ssyncset.done $0x0  }
0x66: {  	[sflag:s25] =	ssyncadd.s32 $0xFFFFD800  }
0x67: {  	[spmem:s2] =	stream.indirect.scatter.add.f32 [tilespmem:s24], [sflag:$0x4], $0x80, s23, s21, $0xb8;
	[tilespmem:$0x1F780] =	vst v63  }
0x68: {  	_ =	swait.ge [sflag:s26], $0x2800  }
0x69: {  	s29 =	sshra.s32 s29, $0x2;
	[sflag:s26] =	ssyncset.done $0x0  }
0x6a: {  	s30 =	sadd.s32 $0x166C0, s29;
	[sflag:s26] =	ssyncadd.s32 $0xFFFFD800  }
0x6b: {  	[tilespmem:s17], [sflag:$0x1] =	stream.indirect.gather [hbm4b:s4+s21], $0x80, s30, s21, $0xb8;
	[tilespmem:$0x1F780] =	vst v63  }
0x6c: {  	_ =	swait.ge [sflag:s22], $0x2800  }
0x6d: {  	[sflag:s22] =	ssyncset.done $0x0  }
.Ltmp1:
0x6e: {  	s30 =	sadd.s32 $0x80, s23;
	[sflag:s22] =	ssyncadd.s32 $0xFFFFD800;
	(pc) =	sbr.rel @p0 .LBB2_4-.Ltmp1, $4  }
0x6f: {  	[spmem:s2] =	stream.indirect.scatter.add.f32 [tilespmem:s17], [sflag:$0x3], $0x80, s30, s21, $0xb8;
	[tilespmem:$0x1F780] =	vst v63  }
0x70: {  	_ =	swait.ge [sflag:s28], $0x2800  }
0x71: {  	[sflag:s28] =	ssyncset.done $0x0  }
0x72: {  	s29 =	sadd.s32 $0x16710, s29;
	s23 =	sadd.s32 $0x100, s23;
	[sflag:s28] =	ssyncadd.s32 $0xFFFFD800  }
0x73: {  	[tilespmem:s24], [sflag:$0x2] =	stream.indirect.gather [hbm4b:s4+s21], $0x80, s29, s21, $0xb8;
	[tilespmem:$0x1F780] =	vst v63  }
0x74: {  	_ =	swait.ge [sflag:s25], $0x2800  }
0x75: {  	[sflag:s25] =	ssyncset.done $0x0  }
0x76: {  	s0 =	simm.s32 $0x1A500;
	[sflag:s25] =	ssyncadd.s32 $0xFFFFD800  }
0x77: {  	[spmem:s2] =	stream.indirect.scatter.add.f32 [tilespmem:s24], [sflag:$0x4], $0x80, s0, s21, $0xb8;
	[tilespmem:$0x1F780] =	vst v63  }
0x78: {  	_ =	swait.ge [sflag:s26], $0x2800  }
0x79: {  	[sflag:s26] =	ssyncset.done $0x0  }
0x7a: {  	s29 =	simm.s32 $0x166C0;
	[sflag:s26] =	ssyncadd.s32 $0xFFFFD800  }
0x7b: {  	[tilespmem:s17], [sflag:$0x1] =	stream.indirect.gather [hbm4b:s4+s21], $0x80, s29, s21, $0xb8;
	[tilespmem:$0x1F780] =	vst v63  }
0x7c: {  	_ =	swait.ge [sflag:s22], $0x2800  }
0x7d: {  	[sflag:s22] =	ssyncset.done $0x0  }
0x7e: {  	[sflag:s22] =	ssyncadd.s32 $0xFFFFD800  }
0x7f: {  	[spmem:s2] =	stream.indirect.scatter.add.f32 [tilespmem:s17], [sflag:$0x3], $0x80, s31, s21, $0xb8;
	[tilespmem:$0x1F780] =	vst v63  }
0x80: {  	_ =	swait.ge [sflag:s28], $0x2800  }
0x81: {  	[sflag:s28] =	ssyncset.done $0x0  }
0x82: {  	[sflag:s28] =	ssyncadd.s32 $0xFFFFD800  }
0x83: {  	s30 =	stileid.u32;
	_ =	swait.ge [sflag:s26], $0x2800  }
0x84: {  	s23 =	sshrl.u32 s5, $0x3;
	s1 =	sadd.s32 $0x1, s1;
	[sflag:s26] =	ssyncset.done $0x0  }
0x85: {  	p0 =	sne.s32 s1, s16;
	s0 =	sshll.u32 s30, $0x6;
	[sflag:s26] =	ssyncadd.s32 $0xFFFFD800  }
.Ltmp2:
0x86: {  	s0 =	sor.u32 $0x1C05, s0;
	[bflag:$0x0] =	sbarrier.arrive $0xFFFF;
	(pc) =	sbr.rel @p0 .LBB2_1-.Ltmp2, $4  }
0x87: {  	[hbm:s15], [sflag:s0] =	dma.local [spmem:s23], $0x2800  }
0x88: {  	_ =	swait.ge [sflag:s18], $0x2800  }
0x89: {  	[sflag:s18] =	ssyncset.done $0x0  }
0x8a: {  	[sflag:s18] =	ssyncadd.s32 $0xFFFFD800  }
0x8b: {  	_ =	sfence.sel $0x180000  }
0x8c: {  	[bflag:$0x0] =	sbarrier.arrive $0xFFFF  }
0x8d: {  	_ =	strace $0x9000004D  }
0x8e: {  	s0 =	stileid.u32;
	[bflag:$0x2] =	sbarrier.arrive $0xFFFF  }
0x8f: {  	p0 =	sne.s32 s0, $0x0;
	s0 =	rddreg [dreg:$0x3]  }
0x90: {  	s0 =	sadd.s32 @!p0 $0x100000, s0  }
0x91: {  	[sflag:s0] =	ssyncadd.tile.s32 @!p0 $0x1;
	_ =	shalt  }
.Lfunc_end2:
_tile_overlayer_lowered:
.L_overlay_start_2:
0x92: {  	(tag) =	ssettag $0x2  }
0x93: {  	s0 =	rddreg [dreg:$0x0];
	s2 =	stileid.u32  }
0x94: {  	s1 =	rddreg [dreg:$0x1];
	p0 =	sne.s32 s2, $0x0  }
0x95: {  	s3 =	rddreg [dreg:$0x2];
	[bflag:$0x3] =	sbarrier.arrive $0xFFFF;
	s2 =	simm.s32 @!p0 $0x1C05  }
0x96: {  	[timem:s3], [sflag:s2] =	dma.local @!p0 [hbm:s0], s1  }
0x97: {  	s0 =	simm.s32 @!p0 $0x5  }
0x98: {  	_ =	swait.ge @!p0 [sflag:s0], s1  }
0x99: {  	s1 =	ssub.s32 @!p0 $0x0, s1;
	[sflag:s0] =	ssyncset.done @!p0 $0x0  }
0x9a: {  	[sflag:s0] =	ssyncadd.s32 @!p0 s1  }
0x9b: {  	[bflag:$0x3] =	sbarrier.arrive $0xFFFF  }
0x9c: {  	_ =	shalt  }

// kernel: kernel.20.cloned.1.call-start
scs
__scs_entry_jumppad:
0x0: {  	(pc) =	sbr.rel $0x88, $3  }
0x1: {  	(tag) =	ssettag $0x0;
	lr =	simm.s32 $0x1  }
0x2: {  	[smem:$0x3F97] =	sst lr;
	_ =	strace $0xD0000000  }
0x3: {  	_ = 	snop  }
0x4: {  	_ = 	snop  }
0x5: {  	_ = 	snop  }
0x6: {  	_ = 	snop  }
0x7: {  	_ = 	snop  }
__scs_overlays_trampoline_lowered:
0x8: {  	[smem:$0x3FA6] =	sst s0  }
0x9: {  	[smem:$0x3FA7] =	sst s1  }
0xa: {  	[smem:$0x3FA8] =	sst s2  }
0xb: {  	[smem:$0x3FA9] =	sst s3  }
0xc: {  	[smem:$0x3FAA] =	sst s4  }
0xd: {  	[smem:$0x3FAB] =	sst s5  }
0xe: {  	[smem:$0x3FAC] =	sst s6  }
0xf: {  	[smem:$0x3FAD] =	sst s7  }
0x10: {  	[smem:$0x3FAE] =	sst s8  }
0x11: {  	[smem:$0x3FAF] =	sst s9;
	s0 =	simm.s32 @!p0 $0x0  }
0x12: {  	s1 =	sld [smem:$0x3F95];
	s0 =	simm.s32 @p0 $0x1  }
0x13: {  	[smem:$0x3FB0] =	sst s0;
	s0 =	simm.s32 @!p1 $0x0  }
0x14: {  	s2 =	sld [smem:$0x3F94];
	s0 =	simm.s32 @p1 $0x1  }
0x15: {  	[smem:$0x3FB1] =	sst s0;
	s0 =	simm.s32 @!p2 $0x0  }
0x16: {  	s3 =	sld [smem:$0x3FDB];
	s0 =	simm.s32 @p2 $0x1  }
0x17: {  	s4 =	simm.s32 $0x1BF5;
	[smem:$0x3FB3] =	sst s0  }
0x18: {  	s0 =	sld [smem:$0x3F96];
	_ =	swait.ge [sflag:s4], $0x0  }
0x19: {  	s7 =	sld [smem:$0x3F97]  }
0x1a: {  	s8 =	sadd.s32 $0xFFFFE003, lr  }
0x1b: {  	s9 =	sadd.s32 $0xFFFFFEF7, lr;
	s5 =	simm.s32 $0xFFFFFFFF;
	p2 =	slt.u32 s8, $0xFFFFF086  }
0x1c: {  	p1 =	slt.u32 s9, $0xF7A;
	s5 =	simm.s32 @!p2 $0x0  }
0x1d: {  	s5 =	simm.s32 @p1 $0x1;
	p0 =	seq.s32 s7, s2  }
0x1e: {  	s7 =	smul.u32 @!p0 $0xF7A, s2;
	p2 =	seq.s32 @!p0 s5, $0x0  }
0x1f: {  	s9 =	smul.u32 $0xF7A, s1;
	s8 =	simm.s32 @!p0 $0x1BF5;
	p2 =	por !p2, p0  }
0x20: {  	[sflag:s8] =	ssyncset.s32 @!p0 $0xFFFFF086;
	s6 =	sadd.s32 @!p0 s3, s7;
	s7 =	simm.s32 @!p0 $0x108  }
0x21: {  	s3 =	sadd.s32 s3, s9;
	s6 =	sadd.s32 @!p0 $0x88, s6;
	s7 =	simm.s32 @p2 $0x1082  }
0x22: {  	[simem:s7], [sflag:s8] =	dma.local @!p0 [hbm:s6], $0xF7A  }
0x23: {  	s9 =	sor.u32 $0xD0000000, s2;
	s6 =	simm.s32 $0x108;
	_ =	swait.ge @!p0 [sflag:s8], $0x0  }
0x24: {  	s3 =	sadd.s32 $0x88, s3;
	s6 =	simm.s32 @!p1 $0x1082;
	[sflag:s4] =	ssyncset.s32 $0xFFFFF086  }
0x25: {  	[simem:s6], [sflag:s4] =	dma.local [hbm:s3], $0xF7A  }
0x26: {  	[smem:$0x3F97] =	sst s1;
	(tag) =	ssettag s2;
	_ =	strace s9  }
0x27: {  	s1 =	sld [smem:$0x3FA7]  }
0x28: {  	s2 =	sld [smem:$0x3FA8]  }
0x29: {  	s4 =	sld [smem:$0x3FAA]  }
0x2a: {  	p0 =	seq.s32 s5, $0x0;
	s5 =	sld [smem:$0x3FAB]  }
0x2b: {  	s6 =	sld [smem:$0x3FAC]  }
0x2c: {  	s7 =	sld [smem:$0x3FAD]  }
0x2d: {  	s3 =	simm.s32 $0x108;
	s8 =	sld [smem:$0x3FAE]  }
0x2e: {  	s3 =	simm.s32 @!p0 $0x1082;
	s9 =	sld [smem:$0x3FAF]  }
0x2f: {  	lr =	sadd.s32 s0, s3;
	s0 =	sld [smem:$0x3FA6]  }
0x30: {  	s3 =	sld [smem:$0x3FA9]  }
0x31: {  	[smem:$0x3FB2] =	sst s10  }
0x32: {  	s10 =	sld [smem:$0x3FB0];
	_ =	sdelay $0x3  }
0x33: {  	p0 =	seq.s32 s10, $0x1;
	s10 =	sld [smem:$0x3FB2];
	_ =	sdelay $0x3  }
0x34: {  	[smem:$0x3FB2] =	sst s10  }
0x35: {  	s10 =	sld [smem:$0x3FB1];
	_ =	sdelay $0x3  }
0x36: {  	p1 =	seq.s32 s10, $0x1;
	s10 =	sld [smem:$0x3FB2];
	_ =	sdelay $0x3  }
0x37: {  	[smem:$0x3FB2] =	sst s10  }
0x38: {  	s10 =	sld [smem:$0x3FB3]  }
0x39: {  	_ = 	snop;
	(pc) =	sbr.ind lr, $3  }
0x3a: {  	_ = 	snop  }
0x3b: {  	_ = 	snop  }
0x3c: {  	p2 =	seq.s32 s10, $0x1;
	s10 =	sld [smem:$0x3FB2]  }
0x3d: {  	_ =	shalt  }
0x3e: {  	_ =	shalt  }
0x3f: {  	_ =	shalt  }
0x40: {  	_ =	shalt  }
0x41: {  	_ =	shalt  }
0x42: {  	_ =	shalt  }
0x43: {  	_ =	shalt  }
0x44: {  	_ =	shalt  }
0x45: {  	_ =	shalt  }
0x46: {  	_ =	shalt  }
0x47: {  	_ =	shalt  }
0x48: {  	_ =	shalt  }
0x49: {  	_ =	shalt  }
0x4a: {  	_ =	shalt  }
0x4b: {  	_ =	shalt  }
0x4c: {  	_ =	shalt  }
0x4d: {  	_ =	shalt  }
0x4e: {  	_ =	shalt  }
0x4f: {  	_ =	shalt  }
0x50: {  	_ =	shalt  }
0x51: {  	_ =	shalt  }
0x52: {  	_ =	shalt  }
0x53: {  	_ =	shalt  }
0x54: {  	_ =	shalt  }
0x55: {  	_ =	shalt  }
0x56: {  	_ =	shalt  }
0x57: {  	_ =	shalt  }
0x58: {  	_ =	shalt  }
0x59: {  	_ =	shalt  }
0x5a: {  	_ =	shalt  }
0x5b: {  	_ =	shalt  }
0x5c: {  	_ =	shalt  }
0x5d: {  	_ =	shalt  }
0x5e: {  	_ =	shalt  }
0x5f: {  	_ =	shalt  }
0x60: {  	_ =	shalt  }
0x61: {  	_ =	shalt  }
0x62: {  	_ =	shalt  }
0x63: {  	_ =	shalt  }
0x64: {  	_ =	shalt  }
0x65: {  	_ =	shalt  }
0x66: {  	_ =	shalt  }
0x67: {  	_ =	shalt  }
0x68: {  	_ =	shalt  }
0x69: {  	_ =	shalt  }
0x6a: {  	_ =	shalt  }
0x6b: {  	_ =	shalt  }
0x6c: {  	_ =	shalt  }
0x6d: {  	_ =	shalt  }
0x6e: {  	_ =	shalt  }
0x6f: {  	_ =	shalt  }
0x70: {  	_ =	shalt  }
0x71: {  	_ =	shalt  }
0x72: {  	_ =	shalt  }
0x73: {  	_ =	shalt  }
0x74: {  	_ =	shalt  }
0x75: {  	_ =	shalt  }
0x76: {  	_ =	shalt  }
0x77: {  	_ =	shalt  }
0x78: {  	_ =	shalt  }
0x79: {  	_ =	shalt  }
0x7a: {  	_ =	shalt  }
0x7b: {  	_ =	shalt  }
0x7c: {  	_ =	shalt  }
0x7d: {  	_ =	shalt  }
0x7e: {  	_ =	shalt  }
0x7f: {  	_ =	shalt  }
0x80: {  	_ =	shalt  }
0x81: {  	_ =	shalt  }
0x82: {  	_ =	shalt  }
0x83: {  	_ =	shalt  }
0x84: {  	_ =	shalt  }
0x85: {  	_ =	shalt  }
0x86: {  	_ =	shalt  }
0x87: {  	_ =	shalt  }
.Lfunc_end0:
.L_simem_size_0:
called_computation.3_lowered:
.L_overlay_start_0:
0x88: {  	s2 =	sld [smem:$0x3FD9]  }
0x89: {  	s3 =	sld [smem:$0x3FFE];
	_ =	sdelay $0x1  }
0x8a: {  	s1 =	srdreg.scid  }
0x8b: {  	s0 =	sand.u32 $0x1, s1  }
0x8c: {  	s17 =	sshll.u32 s0, $0xA;
	s2 =	sadd.s32 s3, s2  }
0x8d: {  	s2 =	sadd.s32 s2, s17  }
0x8e: {  	[smem:$0x3FBE] =	sst s2  }
0x8f: {  	_ = 	snop  }
0x90: {  	s2 =	sld [smem:$0x3FD0];
	(tm) =	ssettm $0x1  }
0x91: {  	s18 =	sld [smem:$0x3FFB];
	_ =	sdelay $0x3  }
0x92: {  	_ =	strace s18  }
0x93: {  	s3 =	sld [smem:$0x3FFC];
	_ =	sdelay $0x3  }
0x94: {  	_ =	strace s3  }
0x95: {  	s3 =	sld [smem:$0x3FFD];
	_ =	sdelay $0x3  }
0x96: {  	_ =	strace s3  }
0x97: {  	_ =	strace $0x8FFFFFFF  }
0x98: {  	s19 =	sld [smem:$0x3FDB];
	_ =	sdelay $0x1  }
0x99: {  	s4 =	simm.s32 $_scs_section_size  }
0x9a: {  	s5 =	simm.s32 $_size__tile_overlayer_lowered;
	s6 =	simm.s32 $_tile_overlayer_lowered  }
0x9b: {  	s22 =	simm.s32 $0x1BFF;
	s21 =	sshll.u32 s6, $0x1;
	s3 =	sadd.s32 s4, s19  }
0x9c: {  	s7 =	simm.s32 $0x0;
	s20 =	sshll.u32 s5, $0x1;
	s5 =	sadd.s32 s21, s3  }
0x9d: {  	[timem:s7], [sflag:s22] =	dma.local [hbm:s5], s20  }
0x9e: {  	_ =	swait.ge [sflag:s22], s20  }
0x9f: {  	s4 =	ssub.s32 $0x0, s20;
	[sflag:s22] =	ssyncset.done $0x0  }
0xa0: {  	[sflag:s22] =	ssyncadd.s32 s4;
	_ =	sdelay $0x1  }
0xa1: {  	s23 =	simm.s32 $0x1B8B  }
0xa2: {  	_ =	swait.ge [sflag:s23], $0x1  }
0xa3: {  	[sflag:s23] =	ssyncset.done $0x0  }
0xa4: {  	s25 =	simm.s32 $0x1B8E;
	s24 =	sld [smem:$0x3FFE];
	[sflag:s23] =	ssyncadd.s32 $0xFFFFFFFF  }
0xa5: {  	s26 =	simm.s32 $execute0_lowered;
	[smem:$0x3FD2] =	sst s25  }
0xa6: {  	s5 =	sshll.u32 s26, $0x1;
	_ =	strace $0x8000004F;
	[dreg:$0x1] =	wrdreg $0xFFFFFFFF  }
0xa7: {  	s28 =	simm.s32 $_size_execute0_lowered;
	s3 =	sadd.s32 s3, s5;
	[dreg:$0x0] =	wrdreg $0x0  }
0xa8: {  	s5 =	sshll.u32 s28, $0x1;
	[dreg:$0x2] =	wrdreg s3  }
0xa9: {  	[dreg:$0x3] =	wrdreg s5  }
0xaa: {  	[dreg:$0x4] =	wrdreg $0xC0  }
0xab: {  	_ =	task [dreg:s7], $0x5FFFF  }
0xac: {  	[dreg:$0x1] =	wrdreg $0xFFFFFFFF  }
0xad: {  	[dreg:$0x0] =	wrdreg $0x60  }
0xae: {  	[dreg:$0x2] =	wrdreg s24  }
0xaf: {  	[dreg:$0x3] =	wrdreg s2  }
0xb0: {  	[dreg:$0x4] =	wrdreg $0x0  }
0xb1: {  	[dreg:$0x5] =	wrdreg $0x9  }
0xb2: {  	_ =	task.clear_ibuf [dreg:s7], $0x6FFFF;
	_ =	strace $0x9000004F  }
0xb3: {  	s29 =	simm.s32 $0x9;
	_ =	strace $0x80000051  }
0xb4: {  	_ =	swait.ge [sflag:s29], $0x1  }
0xb5: {  	[sflag:s29] =	ssyncadd.s32 $0xFFFFFFFF  }
0xb6: {  	_ =	strace $0x90000051  }
0xb7: {  	_ =	sfence  }
0xb8: {  	s30 =	sld [smem:$0x0];
	_ =	sdelay $0x2  }
0xb9: {  	s31 =	sshll.u32 s1, $0xD;
	s1 =	sshrl.u32 s1, $0x2  }
0xba: {  	s3 =	sand.u32 $0x4000, s31;
	s1 =	sadd.s32 s1, s30  }
0xbb: {  	s0 =	sor.u32 s3, s0;
	s1 =	sshll.u32 s1, $0x11  }
0xbc: {  	s0 =	sor.u32 s1, s0  }
0xbd: {  	s0 =	sadd.s32 $0x8F2B, s0  }
0xbe: {  	[sflag:s0] =	ssyncadd.remote.s32 $0x1  }
0xbf: {  	_ =	sfence.sel $0xFFFF  }
0xc0: {  	[dreg:$0x0] =	wrdreg $0xFFFFFFFF;
	(pc) =	sbr.abs _section_cstart, $3  }
0xc1: {  	[dreg:$0x1] =	wrdreg $0xFFFFFFFF  }
0xc2: {  	_ =	task.clear_ibuf [dreg:s7], $0x2FFFF;
	_ =	strace $0x9FFFFFFF  }
0xc3: {  	(tm) =	ssettm $0x7FFFFFFF  }
tec
execute0_lowered:
.L_overlay_start_1:
0x0: {  	(tag) =	ssettag $0x1  }
0x1: {  	s0 =	srdreg.scid  }
0x2: {  	s4 =	stileid.u32;
	s1 =	rddreg [dreg:$0x0]  }
0x3: {  	s14 =	rddreg [dreg:$0x1];
	s3 =	simm.s32 $0x0;
	s17 =	simm.s32 $0x1A780  }
0x4: {  	s18 =	simm.s32 $0x5;
	s19 =	simm.s32 $0x14000;
	s20 =	simm.s32 $0x16780  }
0x5: {  	s21 =	simm.s32 $0x50;
	s22 =	simm.s32 $0x1;
	s24 =	simm.s32 $0x1CF80  }
0x6: {  	s25 =	simm.s32 $0x2;
	s28 =	simm.s32 $0x4;
	s31 =	simm.s32 $0x1A580  }
0x7: {  	s0 =	sand.u32 $0x1, s0;
	s2 =	sshll.u32 s4, $0x1;
	s6 =	smul.u32 $0x2800, s4  }
0x8: {  	[smem:$0x7FF] =	sst s3;
	s8 =	smul.u32 $0x50000, s4;
	s4 =	sadd.s32 $0xD200, s1  }
0x9: {  	s15 =	sor.u32 s0, s2;
	s2 =	rddreg [dreg:$0x2];
	s7 =	smul.u32 $0x28000, s0  }
0xa: {  	_ =	strace $0x80000050;
	s0 =	ssub.s32 $0x2, s0;
	s5 =	smul.u32 $0x4E2, s15  }
0xb: {  	s29 =	sshrl.u32 s0, $0x1;
	s30 =	sshrl.u32 s8, $0x2;
	s15 =	sshll.u32 s15, $0xB  }
0xc: {  	s26 =	sadd.s32 s6, s7;
	s0 =	ssub.s32 s0, s29;
	s14 =	sadd.s32 s14, s15  }
0xd: {  	s13 =	sadd.s32 s5, s1;
	s1 =	sadd.s32 s26, s1;
	s5 =	sadd.s32 s30, s2  }
0xe: {  	s16 =	smax.u32 s0, $0x1;
	s26 =	simm.s32 $0x3;
	s6 =	sadd.s32 $0x2800, s5  }
0xf: {  	s7 =	sadd.s32 $0x5000, s5;
	s8 =	sadd.s32 $0x7800, s5;
	s9 =	sadd.s32 $0xA000, s5  }
0x10: {  	s10 =	sadd.s32 $0xC800, s5;
	s11 =	sadd.s32 $0xF000, s5;
	s12 =	sadd.s32 $0x11800, s5  }
0x11: {  	v0 =	vimm.f32 $0.0e+00;
	s13 =	sadd.s32 $0x3400, s13;
	s15 =	sadd.s32 $0x34400, s1;
	s1 =	simm.s32 $0x0  }
.LBB2_1:
0x12: {  	s0 =	simm.s32 $0x0;
	s23 =	simm.s32 $0x200  }
.LBB2_2:
0x13: {  	p0 =	sne.s32 s23, $0x9E00;
	[tilespmem:s0+$0x1A7F0] =	vst v0  }
0x14: {  	[tilespmem:s0+$0x1A780] =	vst v0  }
0x15: {  	[tilespmem:s0+$0x1A790] =	vst v0  }
.Ltmp0:
0x16: {  	[tilespmem:s0+$0x1A7A0] =	vst v0;
	(pc) =	sbr.rel @p0 .LBB2_2-.Ltmp0, $4  }
0x17: {  	[tilespmem:s0+$0x1A7B0] =	vst v0  }
0x18: {  	[tilespmem:s0+$0x1A7C0] =	vst v0  }
0x19: {  	[tilespmem:s0+$0x1A7D0] =	vst v0  }
0x1a: {  	[tilespmem:s0+$0x1A7E0] =	vst v0;
	s0 =	sshra.s32 s23, $0x2;
	s23 =	sadd.s32 $0x200, s23  }
0x1b: {  	[tilespmem:s0+$0x1A7F0] =	vst v0  }
0x1c: {  	[tilespmem:s0+$0x1A780] =	vst v0  }
0x1d: {  	[tilespmem:s0+$0x1A790] =	vst v0  }
0x1e: {  	[tilespmem:s0+$0x1A7A0] =	vst v0  }
0x1f: {  	[tilespmem:s0+$0x1A7B0] =	vst v0  }
0x20: {  	[tilespmem:s0+$0x1A7C0] =	vst v0  }
0x21: {  	[tilespmem:s0+$0x1A7D0] =	vst v0  }
0x22: {  	[tilespmem:s0+$0x1A7E0] =	vst v0  }
0x23: {  	[spmem:s5] =	stream.linear.scatter [tilespmem:s17], [sflag:$0x5], $0x2800, $0x38;
	[tilespmem:$0x1F780] =	vst v63  }
0x24: {  	_ =	swait.ge [sflag:s18], $0x2800  }
0x25: {  	[sflag:s18] =	ssyncset.done $0x0  }
0x26: {  	[sflag:s18] =	ssyncadd.s32 $0xFFFFD800  }
0x27: {  	[spmem:s6] =	stream.linear.scatter [tilespmem:s17], [sflag:$0x5], $0x2800, $0x38;
	[tilespmem:$0x1F780] =	vst v63  }
0x28: {  	_ =	swait.ge [sflag:s18], $0x2800  }
0x29: {  	[sflag:s18] =	ssyncset.done $0x0  }
0x2a: {  	[sflag:s18] =	ssyncadd.s32 $0xFFFFD800  }
0x2b: {  	[spmem:s7] =	stream.linear.scatter [tilespmem:s17], [sflag:$0x5], $0x2800, $0x38;
	[tilespmem:$0x1F780] =	vst v63  }
0x2c: {  	_ =	swait.ge [sflag:s18], $0x2800  }
0x2d: {  	[sflag:s18] =	ssyncset.done $0x0  }
0x2e: {  	[sflag:s18] =	ssyncadd.s32 $0xFFFFD800  }
0x2f: {  	[spmem:s8] =	stream.linear.scatter [tilespmem:s17], [sflag:$0x5], $0x2800, $0x38;
	[tilespmem:$0x1F780] =	vst v63  }
0x30: {  	_ =	swait.ge [sflag:s18], $0x2800  }
0x31: {  	[sflag:s18] =	ssyncset.done $0x0  }
0x32: {  	[sflag:s18] =	ssyncadd.s32 $0xFFFFD800  }
0x33: {  	[spmem:s9] =	stream.linear.scatter [tilespmem:s17], [sflag:$0x5], $0x2800, $0x38;
	[tilespmem:$0x1F780] =	vst v63  }
0x34: {  	_ =	swait.ge [sflag:s18], $0x2800  }
0x35: {  	[sflag:s18] =	ssyncset.done $0x0  }
0x36: {  	[sflag:s18] =	ssyncadd.s32 $0xFFFFD800  }
0x37: {  	[spmem:s10] =	stream.linear.scatter [tilespmem:s17], [sflag:$0x5], $0x2800, $0x38;
	[tilespmem:$0x1F780] =	vst v63  }
0x38: {  	_ =	swait.ge [sflag:s18], $0x2800  }
0x39: {  	[sflag:s18] =	ssyncset.done $0x0  }
0x3a: {  	[sflag:s18] =	ssyncadd.s32 $0xFFFFD800  }
0x3b: {  	[spmem:s11] =	stream.linear.scatter [tilespmem:s17], [sflag:$0x5], $0x2800, $0x38;
	[tilespmem:$0x1F780] =	vst v63  }
0x3c: {  	_ =	swait.ge [sflag:s18], $0x2800  }
0x3d: {  	[sflag:s18] =	ssyncset.done $0x0  }
0x3e: {  	[sflag:s18] =	ssyncadd.s32 $0xFFFFD800  }
0x3f: {  	[spmem:s12] =	stream.linear.scatter [tilespmem:s17], [sflag:$0x5], $0x2800, $0x38;
	[tilespmem:$0x1F780] =	vst v63  }
0x40: {  	_ =	swait.ge [sflag:s18], $0x2800  }
0x41: {  	[sflag:s18] =	ssyncset.done $0x0  }
0x42: {  	[sflag:s18] =	ssyncadd.s32 $0xFFFFD800  }
0x43: {  	[tilespmem:s19], [sflag:$0x5] =	stream.linear.gather [hbm4b:s13+s3], $0x2710, $0x38;
	[tilespmem:$0x1F780] =	vst v63  }
0x44: {  	_ =	swait.ge [sflag:s18], $0x2710  }
0x45: {  	[sflag:s18] =	ssyncset.done $0x0  }
0x46: {  	[sflag:s18] =	ssyncadd.s32 $0xFFFFD8F0  }
0x47: {  	[tilespmem:s20], [sflag:$0x5] =	stream.linear.gather [hbm4b:s14+s3], $0x3E80, $0x38;
	[tilespmem:$0x1F780] =	vst v63  }
0x48: {  	_ =	swait.ge [sflag:s18], $0x3E80  }
0x49: {  	[sflag:s18] =	ssyncset.done $0x0  }
0x4a: {  	[sflag:s18] =	ssyncadd.s32 $0xFFFFC180  }
0x4b: {  	[bflag:$0x0] =	sbarrier.arrive $0xFFFF  }
0x4c: {  	[tilespmem:s17], [sflag:$0x1] =	stream.indirect.gather [hbm4b:s4+s21], $0x80, s19, s21, $0xb8;
	[tilespmem:$0x1F780] =	vst v63  }
0x4d: {  	_ =	swait.ge [sflag:s22], $0x2800  }
0x4e: {  	[sflag:s22] =	ssyncset.done $0x0  }
0x4f: {  	[sflag:s22] =	ssyncadd.s32 $0xFFFFD800  }
0x50: {  	[spmem:s2] =	stream.indirect.scatter.add.f32 [tilespmem:s17], [sflag:$0x3], $0x80, s20, s21, $0xb8;
	[tilespmem:$0x1F780] =	vst v63  }
0x51: {  	s23 =	simm.s32 $0x14050  }
0x52: {  	[tilespmem:s24], [sflag:$0x2] =	stream.indirect.gather [hbm4b:s4+s21], $0x80, s23, s21, $0xb8;
	[tilespmem:$0x1F780] =	vst v63  }
0x53: {  	_ =	swait.ge [sflag:s25], $0x2800  }
0x54: {  	[sflag:s25] =	ssyncset.done $0x0  }
0x55: {  	s30 =	simm.s32 $0x16800;
	[sflag:s25] =	ssyncadd.s32 $0xFFFFD800  }
0x56: {  	[spmem:s2] =	stream.indirect.scatter.add.f32 [tilespmem:s24], [sflag:$0x4], $0x80, s30, s21, $0xb8;
	[tilespmem:$0x1F780] =	vst v63  }
0x57: {  	_ =	swait.ge [sflag:s26], $0x2800  }
0x58: {  	[sflag:s26] =	ssyncset.done $0x0  }
0x59: {  	s23 =	simm.s32 $0x140A0;
	[sflag:s26] =	ssyncadd.s32 $0xFFFFD800  }
0x5a: {  	[tilespmem:s17], [sflag:$0x1] =	stream.indirect.gather [hbm4b:s4+s21], $0x80, s23, s21, $0xb8;
	[tilespmem:$0x1F780] =	vst v63  }
0x5b: {  	_ =	swait.ge [sflag:s22], $0x2800  }
0x5c: {  	[sflag:s22] =	ssyncset.done $0x0  }
0x5d: {  	s30 =	simm.s32 $0x16880;
	[sflag:s22] =	ssyncadd.s32 $0xFFFFD800  }
0x5e: {  	[spmem:s2] =	stream.indirect.scatter.add.f32 [tilespmem:s17], [sflag:$0x3], $0x80, s30, s21, $0xb8;
	[tilespmem:$0x1F780] =	vst v63  }
0x5f: {  	_ =	swait.ge [sflag:s28], $0x2800  }
0x60: {  	s0 =	simm.s32 $0xFFFF6A00;
	[sflag:s28] =	ssyncset.done $0x0  }
0x61: {  	s29 =	simm.s32 $0x140F0;
	s23 =	simm.s32 $0x16900;
	[sflag:s28] =	ssyncadd.s32 $0xFFFFD800  }
.LBB2_4:
0x62: {  	[tilespmem:s24], [sflag:$0x2] =	stream.indirect.gather [hbm4b:s4+s21], $0x80, s29, s21, $0xb8;
	[tilespmem:$0x1F780] =	vst v63  }
0x63: {  	s29 =	smov.u32 s0  }
0x64: {  	p0 =	sne.s32 s0, $0xFFFFFD80;
	s0 =	sadd.s32 $0x280, s0;
	_ =	swait.ge [sflag:s25], $0x2800  }
0x65: {  	[sflag:s25] =	ssyncset.done $0x0  }
0x66: {  	[sflag:s25] =	ssyncadd.s32 $0xFFFFD800  }
0x67: {  	[spmem:s2] =	stream.indirect.scatter.add.f32 [tilespmem:s24], [sflag:$0x4], $0x80, s23, s21, $0xb8;
	[tilespmem:$0x1F780] =	vst v63  }
0x68: {  	_ =	swait.ge [sflag:s26], $0x2800  }
0x69: {  	s29 =	sshra.s32 s29, $0x2;
	[sflag:s26] =	ssyncset.done $0x0  }
0x6a: {  	s30 =	sadd.s32 $0x166C0, s29;
	[sflag:s26] =	ssyncadd.s32 $0xFFFFD800  }
0x6b: {  	[tilespmem:s17], [sflag:$0x1] =	stream.indirect.gather [hbm4b:s4+s21], $0x80, s30, s21, $0xb8;
	[tilespmem:$0x1F780] =	vst v63  }
0x6c: {  	_ =	swait.ge [sflag:s22], $0x2800  }
0x6d: {  	[sflag:s22] =	ssyncset.done $0x0  }
.Ltmp1:
0x6e: {  	s30 =	sadd.s32 $0x80, s23;
	[sflag:s22] =	ssyncadd.s32 $0xFFFFD800;
	(pc) =	sbr.rel @p0 .LBB2_4-.Ltmp1, $4  }
0x6f: {  	[spmem:s2] =	stream.indirect.scatter.add.f32 [tilespmem:s17], [sflag:$0x3], $0x80, s30, s21, $0xb8;
	[tilespmem:$0x1F780] =	vst v63  }
0x70: {  	_ =	swait.ge [sflag:s28], $0x2800  }
0x71: {  	[sflag:s28] =	ssyncset.done $0x0  }
0x72: {  	s29 =	sadd.s32 $0x16710, s29;
	s23 =	sadd.s32 $0x100, s23;
	[sflag:s28] =	ssyncadd.s32 $0xFFFFD800  }
0x73: {  	[tilespmem:s24], [sflag:$0x2] =	stream.indirect.gather [hbm4b:s4+s21], $0x80, s29, s21, $0xb8;
	[tilespmem:$0x1F780] =	vst v63  }
0x74: {  	_ =	swait.ge [sflag:s25], $0x2800  }
0x75: {  	[sflag:s25] =	ssyncset.done $0x0  }
0x76: {  	s0 =	simm.s32 $0x1A500;
	[sflag:s25] =	ssyncadd.s32 $0xFFFFD800  }
0x77: {  	[spmem:s2] =	stream.indirect.scatter.add.f32 [tilespmem:s24], [sflag:$0x4], $0x80, s0, s21, $0xb8;
	[tilespmem:$0x1F780] =	vst v63  }
0x78: {  	_ =	swait.ge [sflag:s26], $0x2800  }
0x79: {  	[sflag:s26] =	ssyncset.done $0x0  }
0x7a: {  	s29 =	simm.s32 $0x166C0;
	[sflag:s26] =	ssyncadd.s32 $0xFFFFD800  }
0x7b: {  	[tilespmem:s17], [sflag:$0x1] =	stream.indirect.gather [hbm4b:s4+s21], $0x80, s29, s21, $0xb8;
	[tilespmem:$0x1F780] =	vst v63  }
0x7c: {  	_ =	swait.ge [sflag:s22], $0x2800  }
0x7d: {  	[sflag:s22] =	ssyncset.done $0x0  }
0x7e: {  	[sflag:s22] =	ssyncadd.s32 $0xFFFFD800  }
0x7f: {  	[spmem:s2] =	stream.indirect.scatter.add.f32 [tilespmem:s17], [sflag:$0x3], $0x80, s31, s21, $0xb8;
	[tilespmem:$0x1F780] =	vst v63  }
0x80: {  	_ =	swait.ge [sflag:s28], $0x2800  }
0x81: {  	[sflag:s28] =	ssyncset.done $0x0  }
0x82: {  	[sflag:s28] =	ssyncadd.s32 $0xFFFFD800  }
0x83: {  	s30 =	stileid.u32;
	_ =	swait.ge [sflag:s26], $0x2800  }
0x84: {  	s23 =	sshrl.u32 s5, $0x3;
	s1 =	sadd.s32 $0x1, s1;
	[sflag:s26] =	ssyncset.done $0x0  }
0x85: {  	p0 =	sne.s32 s1, s16;
	s0 =	sshll.u32 s30, $0x6;
	[sflag:s26] =	ssyncadd.s32 $0xFFFFD800  }
.Ltmp2:
0x86: {  	s0 =	sor.u32 $0x1C05, s0;
	[bflag:$0x0] =	sbarrier.arrive $0xFFFF;
	(pc) =	sbr.rel @p0 .LBB2_1-.Ltmp2, $4  }
0x87: {  	[hbm:s15], [sflag:s0] =	dma.local [spmem:s23], $0x2800  }
0x88: {  	_ =	swait.ge [sflag:s18], $0x2800  }
0x89: {  	[sflag:s18] =	ssyncset.done $0x0  }
0x8a: {  	[sflag:s18] =	ssyncadd.s32 $0xFFFFD800  }
0x8b: {  	_ =	sfence.sel $0x180000  }
0x8c: {  	[bflag:$0x0] =	sbarrier.arrive $0xFFFF  }
0x8d: {  	_ =	strace $0x90000050  }
0x8e: {  	s0 =	stileid.u32;
	[bflag:$0x2] =	sbarrier.arrive $0xFFFF  }
0x8f: {  	p0 =	sne.s32 s0, $0x0;
	s0 =	rddreg [dreg:$0x3]  }
0x90: {  	s0 =	sadd.s32 @!p0 $0x100000, s0  }
0x91: {  	[sflag:s0] =	ssyncadd.tile.s32 @!p0 $0x1;
	_ =	shalt  }
.Lfunc_end2:
_tile_overlayer_lowered:
.L_overlay_start_2:
0x92: {  	(tag) =	ssettag $0x2  }
0x93: {  	s0 =	rddreg [dreg:$0x0];
	s2 =	stileid.u32  }
0x94: {  	s1 =	rddreg [dreg:$0x1];
	p0 =	sne.s32 s2, $0x0  }
0x95: {  	s3 =	rddreg [dreg:$0x2];
	[bflag:$0x3] =	sbarrier.arrive $0xFFFF;
	s2 =	simm.s32 @!p0 $0x1C05  }
0x96: {  	[timem:s3], [sflag:s2] =	dma.local @!p0 [hbm:s0], s1  }
0x97: {  	s0 =	simm.s32 @!p0 $0x5  }
0x98: {  	_ =	swait.ge @!p0 [sflag:s0], s1  }
0x99: {  	s1 =	ssub.s32 @!p0 $0x0, s1;
	[sflag:s0] =	ssyncset.done @!p0 $0x0  }
0x9a: {  	[sflag:s0] =	ssyncadd.s32 @!p0 s1  }
0x9b: {  	[bflag:$0x3] =	sbarrier.arrive $0xFFFF  }
0x9c: {  	_ =	shalt  }

</sc_bundles>
